<compile_context>
chip_gen: v7x
topology: tpu7x:2x2x1
jax: 0.10.2.dev20260603
libtpu: 0.0.44.dev20260713+nightly
codegen_flags: <defaults>
</compile_context>

<pallas_src>
import functools
import math

import jax
import jax.numpy as jnp
from jax import lax
from jax.experimental import pallas as pl
from jax.experimental.pallas import tpu as pltpu
from jax.experimental.pallas import tpu_sc as plsc

N_NODES = 1000000
D = 128
B = 16384
L = 16
NC = 2
NS = 16
NW = NC * NS
B_PER_W = B // NW
N_CHUNK = B_PER_W // 128


@functools.lru_cache(maxsize=1)
def _build_kernel():
    mesh = plsc.VectorSubcoreMesh(
        core_axis_name="c", subcore_axis_name="s",
        num_cores=NC, num_subcores=NS)

    @functools.partial(
        pl.kernel,
        out_type=jax.ShapeDtypeStruct((B, D), jnp.float32),
        mesh=mesh,
        scratch_types=[
            pltpu.VMEM((N_CHUNK, 128), jnp.int32),
            pltpu.VMEM((B_PER_W, D), jnp.float32),
            pltpu.VMEM((D,), jnp.float32),
            pltpu.VMEM((D,), jnp.float32),
            pltpu.VMEM((B_PER_W,), jnp.float32),
            pltpu.SemaphoreType.DMA,
        ],
    )
    def time_embed(mem_hbm, idx_hbm, td_hbm, w_hbm, bp_hbm, out_hbm,
                   idx_v, rows_v, w_v, bp_v, td_v, sem):
        wid = lax.axis_index("s") * NC + lax.axis_index("c")
        base = wid * B_PER_W

        pltpu.sync_copy(idx_hbm.at[wid], idx_v)
        pltpu.sync_copy(td_hbm.at[pl.ds(base, B_PER_W)], td_v)
        pltpu.sync_copy(w_hbm, w_v)
        pltpu.sync_copy(bp_hbm, bp_v)

        copies = []
        for k in range(N_CHUNK):
            copies.append(pltpu.async_copy(
                mem_hbm.at[idx_v.at[k]],
                rows_v.at[pl.ds(k * 128, 128)],
                sem,
            ))
        for c in copies:
            c.wait()

        w_regs = [w_v[pl.ds(j * L, L)] for j in range(D // L)]
        bp_regs = [bp_v[pl.ds(j * L, L)] for j in range(D // L)]

        def group_body(g, carry):
            tdv = td_v[pl.ds(g * L, L)]
            for r in range(L):
                i = g * L + r
                td = tdv[r]
                for j in range(D // L):
                    sl = pl.ds(j * L, L)
                    rows_v[i, sl] = rows_v[i, sl] * (td * w_regs[j] + bp_regs[j])
            return carry

        lax.fori_loop(0, B_PER_W // L, group_body, 0, unroll=False)

        pltpu.sync_copy(rows_v, out_hbm.at[pl.ds(base, B_PER_W)])

    return time_embed


def kernel(memory, source_nodes, timestamps, n_layers, n_neighbors,
           time_diffs, W, b):
    idx = source_nodes.astype(jnp.int32).reshape(NW, N_CHUNK, 128)
    w = W[:, 0]
    bp = 1.0 + b
    fn = _build_kernel()
    return fn(memory, idx, time_diffs, w, bp)

# --- scband reference (transcript-rebuilt; emitter-appended) ---
"""Pipeline reference for scband-time-embedding-3934190043745 (READ-ONLY COPY).

The authoritative reference and input builder live on the scoring server;
editing this copy changes nothing except your own understanding.
"""

import jax, jax.numpy as jnp
import numpy as np
import math

N_NODES = 1000000
D = 128
B = 16384

def setup_inputs(seed: int = 0) -> dict:
    key = jax.random.key(seed)
    k1, k2, k3, k4, k5, k6 = jax.random.split(key, 6)
    memory = jax.random.normal(k1, (N_NODES, D), dtype=jnp.float32)
    source_nodes = jax.random.randint(k2, (B,), 0, N_NODES, dtype=jnp.int64 if jax.config.jax_enable_x64 else jnp.int32)
    timestamps = jax.random.uniform(k3, (B,), dtype=jnp.float32)
    time_diffs = jax.random.normal(k4, (B,), dtype=jnp.float32)
    # NormalLinear(1, D): weight [D, 1], bias [D], init normal(0, stdv) with stdv = 1/sqrt(1) = 1.0
    stdv = 1.0 / math.sqrt(1)
    W = jax.random.normal(k5, (D, 1), dtype=jnp.float32) * stdv
    b = jax.random.normal(k6, (D,), dtype=jnp.float32) * stdv
    return {"memory": memory, "source_nodes": source_nodes, "timestamps": timestamps, "n_layers": 1, "n_neighbors": 1, "time_diffs": time_diffs, "W": W, "b": b}

def reference(memory, source_nodes, timestamps, n_layers, n_neighbors, time_diffs, W, b):
    # embedding_layer(time_diffs.unsqueeze(1)) : [B,1] @ W.T + b -> [B, D]
    lin = time_diffs[:, None] * W[:, 0][None, :] + b[None, :]
    # memory[source_nodes, :] * (1 + lin)
    src_emb = jnp.take(memory, source_nodes, axis=0) * (1.0 + lin)
    return src_emb

if __name__ == "__main__":
    import jax
    _d = setup_inputs()
    print(jax.jit(kernel)(*tuple(_d.values())))

</pallas_src>

<mosaic_0001>
#map = affine_map<(d0, d1) -> (0, 0)>
#map1 = affine_map<(d0, d1) -> (0, 0, 0)>
#map2 = affine_map<(d0, d1) -> (0)>
module attributes {stable_mosaic.version = 14 : i64} {
  func.func @time_embed(%arg0: i32, %arg1: i32, %arg2: memref<1000000x128xf32, #tpu.memory_space<hbm>>, %arg3: memref<32x4x128xi32, #tpu.memory_space<hbm>>, %arg4: memref<16384xf32, #tpu.memory_space<hbm>>, %arg5: memref<128xf32, #tpu.memory_space<hbm>>, %arg6: memref<128xf32, #tpu.memory_space<hbm>>, %arg7: memref<16384x128xf32, #tpu.memory_space<hbm>>, %arg8: memref<4x128xi32, #tpu.memory_space<vmem>>, %arg9: memref<512x128xf32, #tpu.memory_space<vmem>>, %arg10: memref<128xf32, #tpu.memory_space<vmem>>, %arg11: memref<128xf32, #tpu.memory_space<vmem>>, %arg12: memref<512xf32, #tpu.memory_space<vmem>>, %arg13: memref<!tpu.dma_semaphore, #tpu.memory_space<semaphore_mem>>) attributes {dimension_semantics = [#tpu.dimension_semantics<core_parallel>, #tpu.dimension_semantics<subcore_parallel>], iteration_bounds = array<i64: 2, 16>, scalar_prefetch = 0 : i64, scratch_operands = 6 : i64, tpu.core_type = #tpu.core_type<sc_vector_subcore>, window_params = [{transform_indices = #map}, {transform_indices = #map1}, {transform_indices = #map2}, {transform_indices = #map2}, {transform_indices = #map2}, {transform_indices = #map}]} {
    %mul3A = arith.constant 2 : i32
    %mul3A_0 = arith.muli %arg1, %mul3A : i32
    %add3A = arith.addi %mul3A_0, %arg0 : i32
    %mul3A_1 = arith.constant 512 : i32
    %mul3A_2 = arith.muli %add3A, %mul3A_1 : i32
    "tpu.region"() ({
      %run_scoped3A = tpu.sem_alloc : memref<!tpu.dma_semaphore, #tpu.memory_space<semaphore_mem>>
      %dma_start3A_133 = arith.constant 0 : i32
      %dma_start3A_134 = arith.constant 0 : i32
      %dma_start3A_135 = tpu.memref_slice %arg3[%add3A, %dma_start3A_133, %dma_start3A_134] : memref<32x4x128xi32, #tpu.memory_space<hbm>> -> memref<1x4x128xi32, #tpu.memory_space<hbm>>
      %dma_start3A_136 = tpu.memref_squeeze %dma_start3A_135 : memref<1x4x128xi32, #tpu.memory_space<hbm>> -> memref<4x128xi32, #tpu.memory_space<hbm>>
      %dma_start3A_137 = arith.constant 0 : i32
      %dma_start3A_138 = arith.constant 0 : i32
      %dma_start3A_139 = tpu.memref_slice %arg3[%add3A, %dma_start3A_137, %dma_start3A_138] : memref<32x4x128xi32, #tpu.memory_space<hbm>> -> memref<1x4x128xi32, #tpu.memory_space<hbm>>
      %dma_start3A_140 = tpu.memref_squeeze %dma_start3A_139 : memref<1x4x128xi32, #tpu.memory_space<hbm>> -> memref<4x128xi32, #tpu.memory_space<hbm>>
      tpu.enqueue_dma source(%dma_start3A_140 : memref<4x128xi32, #tpu.memory_space<hbm>>) target(%arg8 : memref<4x128xi32, #tpu.memory_space<vmem>>) target_semaphore(%run_scoped3A : memref<!tpu.dma_semaphore, #tpu.memory_space<semaphore_mem>>)
      %dma_wait3A_141 = arith.constant 0 : i32
      %dma_wait3A_142 = arith.constant 0 : i32
      %dma_wait3A_143 = tpu.memref_slice %arg3[%add3A, %dma_wait3A_141, %dma_wait3A_142] : memref<32x4x128xi32, #tpu.memory_space<hbm>> -> memref<1x4x128xi32, #tpu.memory_space<hbm>>
      %dma_wait3A_144 = tpu.memref_squeeze %dma_wait3A_143 : memref<1x4x128xi32, #tpu.memory_space<hbm>> -> memref<4x128xi32, #tpu.memory_space<hbm>>
      %dma_wait3A_145 = arith.constant 0 : i32
      %dma_wait3A_146 = arith.constant 0 : i32
      %dma_wait3A_147 = tpu.memref_slice %arg3[%add3A, %dma_wait3A_145, %dma_wait3A_146] : memref<32x4x128xi32, #tpu.memory_space<hbm>> -> memref<1x4x128xi32, #tpu.memory_space<hbm>>
      %dma_wait3A_148 = tpu.memref_squeeze %dma_wait3A_147 : memref<1x4x128xi32, #tpu.memory_space<hbm>> -> memref<4x128xi32, #tpu.memory_space<hbm>>
      tpu.wait_dma2 semaphore(%run_scoped3A : memref<!tpu.dma_semaphore, #tpu.memory_space<semaphore_mem>>) src(%dma_wait3A_148 : memref<4x128xi32, #tpu.memory_space<hbm>>) dst(%arg8 : memref<4x128xi32, #tpu.memory_space<vmem>>)
      tpu.yield
    }) : () -> ()
    "tpu.region"() ({
      %run_scoped3A = tpu.sem_alloc : memref<!tpu.dma_semaphore, #tpu.memory_space<semaphore_mem>>
      %dma_start3A_133 = tpu.memref_slice %arg4[%mul3A_2] : memref<16384xf32, #tpu.memory_space<hbm>> -> memref<512xf32, #tpu.memory_space<hbm>>
      %dma_start3A_134 = tpu.memref_slice %arg4[%mul3A_2] : memref<16384xf32, #tpu.memory_space<hbm>> -> memref<512xf32, #tpu.memory_space<hbm>>
      tpu.enqueue_dma source(%dma_start3A_134 : memref<512xf32, #tpu.memory_space<hbm>>) target(%arg12 : memref<512xf32, #tpu.memory_space<vmem>>) target_semaphore(%run_scoped3A : memref<!tpu.dma_semaphore, #tpu.memory_space<semaphore_mem>>)
      %dma_wait3A_135 = tpu.memref_slice %arg4[%mul3A_2] : memref<16384xf32, #tpu.memory_space<hbm>> -> memref<512xf32, #tpu.memory_space<hbm>>
      %dma_wait3A_136 = tpu.memref_slice %arg4[%mul3A_2] : memref<16384xf32, #tpu.memory_space<hbm>> -> memref<512xf32, #tpu.memory_space<hbm>>
      tpu.wait_dma2 semaphore(%run_scoped3A : memref<!tpu.dma_semaphore, #tpu.memory_space<semaphore_mem>>) src(%dma_wait3A_136 : memref<512xf32, #tpu.memory_space<hbm>>) dst(%arg12 : memref<512xf32, #tpu.memory_space<vmem>>)
      tpu.yield
    }) : () -> ()
    "tpu.region"() ({
      %run_scoped3A = tpu.sem_alloc : memref<!tpu.dma_semaphore, #tpu.memory_space<semaphore_mem>>
      tpu.enqueue_dma source(%arg5 : memref<128xf32, #tpu.memory_space<hbm>>) target(%arg10 : memref<128xf32, #tpu.memory_space<vmem>>) target_semaphore(%run_scoped3A : memref<!tpu.dma_semaphore, #tpu.memory_space<semaphore_mem>>)
      tpu.wait_dma2 semaphore(%run_scoped3A : memref<!tpu.dma_semaphore, #tpu.memory_space<semaphore_mem>>) src(%arg5 : memref<128xf32, #tpu.memory_space<hbm>>) dst(%arg10 : memref<128xf32, #tpu.memory_space<vmem>>)
      tpu.yield
    }) : () -> ()
    "tpu.region"() ({
      %run_scoped3A = tpu.sem_alloc : memref<!tpu.dma_semaphore, #tpu.memory_space<semaphore_mem>>
      tpu.enqueue_dma source(%arg6 : memref<128xf32, #tpu.memory_space<hbm>>) target(%arg11 : memref<128xf32, #tpu.memory_space<vmem>>) target_semaphore(%run_scoped3A : memref<!tpu.dma_semaphore, #tpu.memory_space<semaphore_mem>>)
      tpu.wait_dma2 semaphore(%run_scoped3A : memref<!tpu.dma_semaphore, #tpu.memory_space<semaphore_mem>>) src(%arg6 : memref<128xf32, #tpu.memory_space<hbm>>) dst(%arg11 : memref<128xf32, #tpu.memory_space<vmem>>)
      tpu.yield
    }) : () -> ()
    %dma_start3A = arith.constant 0 : i32
    %dma_start3A_3 = arith.constant 0 : i32
    %dma_start3A_4 = arith.constant 0 : i32
    %dma_start3A_5 = tpu.memref_slice %arg9[%dma_start3A_3, %dma_start3A_4] : memref<512x128xf32, #tpu.memory_space<vmem>> -> memref<128x128xf32, #tpu.memory_space<vmem>>
    %dma_start3A_6 = arith.constant 0 : i32
    %dma_start3A_7 = tpu.memref_slice %arg8[%dma_start3A, %dma_start3A_6] : memref<4x128xi32, #tpu.memory_space<vmem>> -> memref<1x128xi32, #tpu.memory_space<vmem>>
    %dma_start3A_8 = tpu.memref_squeeze %dma_start3A_7 : memref<1x128xi32, #tpu.memory_space<vmem>> -> memref<128xi32, #tpu.memory_space<vmem>>
    %dma_start3A_9 = arith.constant 0 : i32
    %dma_start3A_10 = arith.constant 0 : i32
    %dma_start3A_11 = tpu.memref_slice %arg2[%dma_start3A_9, %dma_start3A_10] : memref<1000000x128xf32, #tpu.memory_space<hbm>> -> memref<1000000x128xf32, #tpu.memory_space<hbm>>
    tpu.enqueue_indirect_dma source(%dma_start3A_11 : memref<1000000x128xf32, #tpu.memory_space<hbm>>) target(%dma_start3A_5 : memref<128x128xf32, #tpu.memory_space<vmem>>) offsets(%dma_start3A_8 : memref<128xi32, #tpu.memory_space<vmem>>) semaphore(%arg13 : memref<!tpu.dma_semaphore, #tpu.memory_space<semaphore_mem>>)
    %dma_start3A_12 = arith.constant 1 : i32
    %dma_start3A_13 = arith.constant 128 : i32
    %dma_start3A_14 = arith.constant 0 : i32
    %dma_start3A_15 = tpu.memref_slice %arg9[%dma_start3A_13, %dma_start3A_14] : memref<512x128xf32, #tpu.memory_space<vmem>> -> memref<128x128xf32, #tpu.memory_space<vmem>>
    %dma_start3A_16 = arith.constant 0 : i32
    %dma_start3A_17 = tpu.memref_slice %arg8[%dma_start3A_12, %dma_start3A_16] : memref<4x128xi32, #tpu.memory_space<vmem>> -> memref<1x128xi32, #tpu.memory_space<vmem>>
    %dma_start3A_18 = tpu.memref_squeeze %dma_start3A_17 : memref<1x128xi32, #tpu.memory_space<vmem>> -> memref<128xi32, #tpu.memory_space<vmem>>
    %dma_start3A_19 = arith.constant 0 : i32
    %dma_start3A_20 = arith.constant 0 : i32
    %dma_start3A_21 = tpu.memref_slice %arg2[%dma_start3A_19, %dma_start3A_20] : memref<1000000x128xf32, #tpu.memory_space<hbm>> -> memref<1000000x128xf32, #tpu.memory_space<hbm>>
    tpu.enqueue_indirect_dma source(%dma_start3A_21 : memref<1000000x128xf32, #tpu.memory_space<hbm>>) target(%dma_start3A_15 : memref<128x128xf32, #tpu.memory_space<vmem>>) offsets(%dma_start3A_18 : memref<128xi32, #tpu.memory_space<vmem>>) semaphore(%arg13 : memref<!tpu.dma_semaphore, #tpu.memory_space<semaphore_mem>>)
    %dma_start3A_22 = arith.constant 2 : i32
    %dma_start3A_23 = arith.constant 256 : i32
    %dma_start3A_24 = arith.constant 0 : i32
    %dma_start3A_25 = tpu.memref_slice %arg9[%dma_start3A_23, %dma_start3A_24] : memref<512x128xf32, #tpu.memory_space<vmem>> -> memref<128x128xf32, #tpu.memory_space<vmem>>
    %dma_start3A_26 = arith.constant 0 : i32
    %dma_start3A_27 = tpu.memref_slice %arg8[%dma_start3A_22, %dma_start3A_26] : memref<4x128xi32, #tpu.memory_space<vmem>> -> memref<1x128xi32, #tpu.memory_space<vmem>>
    %dma_start3A_28 = tpu.memref_squeeze %dma_start3A_27 : memref<1x128xi32, #tpu.memory_space<vmem>> -> memref<128xi32, #tpu.memory_space<vmem>>
    %dma_start3A_29 = arith.constant 0 : i32
    %dma_start3A_30 = arith.constant 0 : i32
    %dma_start3A_31 = tpu.memref_slice %arg2[%dma_start3A_29, %dma_start3A_30] : memref<1000000x128xf32, #tpu.memory_space<hbm>> -> memref<1000000x128xf32, #tpu.memory_space<hbm>>
    tpu.enqueue_indirect_dma source(%dma_start3A_31 : memref<1000000x128xf32, #tpu.memory_space<hbm>>) target(%dma_start3A_25 : memref<128x128xf32, #tpu.memory_space<vmem>>) offsets(%dma_start3A_28 : memref<128xi32, #tpu.memory_space<vmem>>) semaphore(%arg13 : memref<!tpu.dma_semaphore, #tpu.memory_space<semaphore_mem>>)
    %dma_start3A_32 = arith.constant 3 : i32
    %dma_start3A_33 = arith.constant 384 : i32
    %dma_start3A_34 = arith.constant 0 : i32
    %dma_start3A_35 = tpu.memref_slice %arg9[%dma_start3A_33, %dma_start3A_34] : memref<512x128xf32, #tpu.memory_space<vmem>> -> memref<128x128xf32, #tpu.memory_space<vmem>>
    %dma_start3A_36 = arith.constant 0 : i32
    %dma_start3A_37 = tpu.memref_slice %arg8[%dma_start3A_32, %dma_start3A_36] : memref<4x128xi32, #tpu.memory_space<vmem>> -> memref<1x128xi32, #tpu.memory_space<vmem>>
    %dma_start3A_38 = tpu.memref_squeeze %dma_start3A_37 : memref<1x128xi32, #tpu.memory_space<vmem>> -> memref<128xi32, #tpu.memory_space<vmem>>
    %dma_start3A_39 = arith.constant 0 : i32
    %dma_start3A_40 = arith.constant 0 : i32
    %dma_start3A_41 = tpu.memref_slice %arg2[%dma_start3A_39, %dma_start3A_40] : memref<1000000x128xf32, #tpu.memory_space<hbm>> -> memref<1000000x128xf32, #tpu.memory_space<hbm>>
    tpu.enqueue_indirect_dma source(%dma_start3A_41 : memref<1000000x128xf32, #tpu.memory_space<hbm>>) target(%dma_start3A_35 : memref<128x128xf32, #tpu.memory_space<vmem>>) offsets(%dma_start3A_38 : memref<128xi32, #tpu.memory_space<vmem>>) semaphore(%arg13 : memref<!tpu.dma_semaphore, #tpu.memory_space<semaphore_mem>>)
    %dma_wait3A = arith.constant 0 : i32
    %dma_wait3A_42 = arith.constant 0 : i32
    %dma_wait3A_43 = arith.constant 0 : i32
    %dma_wait3A_44 = tpu.memref_slice %arg9[%dma_wait3A_42, %dma_wait3A_43] : memref<512x128xf32, #tpu.memory_space<vmem>> -> memref<128x128xf32, #tpu.memory_space<vmem>>
    %dma_wait3A_45 = arith.constant 0 : i32
    %dma_wait3A_46 = tpu.memref_slice %arg8[%dma_wait3A, %dma_wait3A_45] : memref<4x128xi32, #tpu.memory_space<vmem>> -> memref<1x128xi32, #tpu.memory_space<vmem>>
    %dma_wait3A_47 = tpu.memref_squeeze %dma_wait3A_46 : memref<1x128xi32, #tpu.memory_space<vmem>> -> memref<128xi32, #tpu.memory_space<vmem>>
    %dma_wait3A_48 = arith.constant 0 : i32
    %dma_wait3A_49 = arith.constant 0 : i32
    %dma_wait3A_50 = tpu.memref_slice %arg2[%dma_wait3A_48, %dma_wait3A_49] : memref<1000000x128xf32, #tpu.memory_space<hbm>> -> memref<1000000x128xf32, #tpu.memory_space<hbm>>
    tpu.wait_indirect_dma semaphore(%arg13 : memref<!tpu.dma_semaphore, #tpu.memory_space<semaphore_mem>>) src(%dma_wait3A_50 : memref<1000000x128xf32, #tpu.memory_space<hbm>>) dst(%dma_wait3A_44 : memref<128x128xf32, #tpu.memory_space<vmem>>)
    %dma_wait3A_51 = arith.constant 1 : i32
    %dma_wait3A_52 = arith.constant 128 : i32
    %dma_wait3A_53 = arith.constant 0 : i32
    %dma_wait3A_54 = tpu.memref_slice %arg9[%dma_wait3A_52, %dma_wait3A_53] : memref<512x128xf32, #tpu.memory_space<vmem>> -> memref<128x128xf32, #tpu.memory_space<vmem>>
    %dma_wait3A_55 = arith.constant 0 : i32
    %dma_wait3A_56 = tpu.memref_slice %arg8[%dma_wait3A_51, %dma_wait3A_55] : memref<4x128xi32, #tpu.memory_space<vmem>> -> memref<1x128xi32, #tpu.memory_space<vmem>>
    %dma_wait3A_57 = tpu.memref_squeeze %dma_wait3A_56 : memref<1x128xi32, #tpu.memory_space<vmem>> -> memref<128xi32, #tpu.memory_space<vmem>>
    %dma_wait3A_58 = arith.constant 0 : i32
    %dma_wait3A_59 = arith.constant 0 : i32
    %dma_wait3A_60 = tpu.memref_slice %arg2[%dma_wait3A_58, %dma_wait3A_59] : memref<1000000x128xf32, #tpu.memory_space<hbm>> -> memref<1000000x128xf32, #tpu.memory_space<hbm>>
    tpu.wait_indirect_dma semaphore(%arg13 : memref<!tpu.dma_semaphore, #tpu.memory_space<semaphore_mem>>) src(%dma_wait3A_60 : memref<1000000x128xf32, #tpu.memory_space<hbm>>) dst(%dma_wait3A_54 : memref<128x128xf32, #tpu.memory_space<vmem>>)
    %dma_wait3A_61 = arith.constant 2 : i32
    %dma_wait3A_62 = arith.constant 256 : i32
    %dma_wait3A_63 = arith.constant 0 : i32
    %dma_wait3A_64 = tpu.memref_slice %arg9[%dma_wait3A_62, %dma_wait3A_63] : memref<512x128xf32, #tpu.memory_space<vmem>> -> memref<128x128xf32, #tpu.memory_space<vmem>>
    %dma_wait3A_65 = arith.constant 0 : i32
    %dma_wait3A_66 = tpu.memref_slice %arg8[%dma_wait3A_61, %dma_wait3A_65] : memref<4x128xi32, #tpu.memory_space<vmem>> -> memref<1x128xi32, #tpu.memory_space<vmem>>
    %dma_wait3A_67 = tpu.memref_squeeze %dma_wait3A_66 : memref<1x128xi32, #tpu.memory_space<vmem>> -> memref<128xi32, #tpu.memory_space<vmem>>
    %dma_wait3A_68 = arith.constant 0 : i32
    %dma_wait3A_69 = arith.constant 0 : i32
    %dma_wait3A_70 = tpu.memref_slice %arg2[%dma_wait3A_68, %dma_wait3A_69] : memref<1000000x128xf32, #tpu.memory_space<hbm>> -> memref<1000000x128xf32, #tpu.memory_space<hbm>>
    tpu.wait_indirect_dma semaphore(%arg13 : memref<!tpu.dma_semaphore, #tpu.memory_space<semaphore_mem>>) src(%dma_wait3A_70 : memref<1000000x128xf32, #tpu.memory_space<hbm>>) dst(%dma_wait3A_64 : memref<128x128xf32, #tpu.memory_space<vmem>>)
    %dma_wait3A_71 = arith.constant 3 : i32
    %dma_wait3A_72 = arith.constant 384 : i32
    %dma_wait3A_73 = arith.constant 0 : i32
    %dma_wait3A_74 = tpu.memref_slice %arg9[%dma_wait3A_72, %dma_wait3A_73] : memref<512x128xf32, #tpu.memory_space<vmem>> -> memref<128x128xf32, #tpu.memory_space<vmem>>
    %dma_wait3A_75 = arith.constant 0 : i32
    %dma_wait3A_76 = tpu.memref_slice %arg8[%dma_wait3A_71, %dma_wait3A_75] : memref<4x128xi32, #tpu.memory_space<vmem>> -> memref<1x128xi32, #tpu.memory_space<vmem>>
    %dma_wait3A_77 = tpu.memref_squeeze %dma_wait3A_76 : memref<1x128xi32, #tpu.memory_space<vmem>> -> memref<128xi32, #tpu.memory_space<vmem>>
    %dma_wait3A_78 = arith.constant 0 : i32
    %dma_wait3A_79 = arith.constant 0 : i32
    %dma_wait3A_80 = tpu.memref_slice %arg2[%dma_wait3A_78, %dma_wait3A_79] : memref<1000000x128xf32, #tpu.memory_space<hbm>> -> memref<1000000x128xf32, #tpu.memory_space<hbm>>
    tpu.wait_indirect_dma semaphore(%arg13 : memref<!tpu.dma_semaphore, #tpu.memory_space<semaphore_mem>>) src(%dma_wait3A_80 : memref<1000000x128xf32, #tpu.memory_space<hbm>>) dst(%dma_wait3A_74 : memref<128x128xf32, #tpu.memory_space<vmem>>)
    %get3A = arith.constant 0 : index
    %get3A_81 = tpu.vector_load %arg10[%get3A] {strides = array<i32>} : memref<128xf32, #tpu.memory_space<vmem>>, vector<16xf32>,
    %get3A_82 = vector.shape_cast %get3A_81 : vector<16xf32> to vector<16xf32>
    %get3A_83 = arith.constant 16 : index
    %get3A_84 = tpu.vector_load %arg10[%get3A_83] {strides = array<i32>} : memref<128xf32, #tpu.memory_space<vmem>>, vector<16xf32>,
    %get3A_85 = vector.shape_cast %get3A_84 : vector<16xf32> to vector<16xf32>
    %get3A_86 = arith.constant 32 : index
    %get3A_87 = tpu.vector_load %arg10[%get3A_86] {strides = array<i32>} : memref<128xf32, #tpu.memory_space<vmem>>, vector<16xf32>,
    %get3A_88 = vector.shape_cast %get3A_87 : vector<16xf32> to vector<16xf32>
    %get3A_89 = arith.constant 48 : index
    %get3A_90 = tpu.vector_load %arg10[%get3A_89] {strides = array<i32>} : memref<128xf32, #tpu.memory_space<vmem>>, vector<16xf32>,
    %get3A_91 = vector.shape_cast %get3A_90 : vector<16xf32> to vector<16xf32>
    %get3A_92 = arith.constant 64 : index
    %get3A_93 = tpu.vector_load %arg10[%get3A_92] {strides = array<i32>} : memref<128xf32, #tpu.memory_space<vmem>>, vector<16xf32>,
    %get3A_94 = vector.shape_cast %get3A_93 : vector<16xf32> to vector<16xf32>
    %get3A_95 = arith.constant 80 : index
    %get3A_96 = tpu.vector_load %arg10[%get3A_95] {strides = array<i32>} : memref<128xf32, #tpu.memory_space<vmem>>, vector<16xf32>,
    %get3A_97 = vector.shape_cast %get3A_96 : vector<16xf32> to vector<16xf32>
    %get3A_98 = arith.constant 96 : index
    %get3A_99 = tpu.vector_load %arg10[%get3A_98] {strides = array<i32>} : memref<128xf32, #tpu.memory_space<vmem>>, vector<16xf32>,
    %get3A_100 = vector.shape_cast %get3A_99 : vector<16xf32> to vector<16xf32>
    %get3A_101 = arith.constant 112 : index
    %get3A_102 = tpu.vector_load %arg10[%get3A_101] {strides = array<i32>} : memref<128xf32, #tpu.memory_space<vmem>>, vector<16xf32>,
    %get3A_103 = vector.shape_cast %get3A_102 : vector<16xf32> to vector<16xf32>
    %get3A_104 = arith.constant 0 : index
    %get3A_105 = tpu.vector_load %arg11[%get3A_104] {strides = array<i32>} : memref<128xf32, #tpu.memory_space<vmem>>, vector<16xf32>,
    %get3A_106 = vector.shape_cast %get3A_105 : vector<16xf32> to vector<16xf32>
    %get3A_107 = arith.constant 16 : index
    %get3A_108 = tpu.vector_load %arg11[%get3A_107] {strides = array<i32>} : memref<128xf32, #tpu.memory_space<vmem>>, vector<16xf32>,
    %get3A_109 = vector.shape_cast %get3A_108 : vector<16xf32> to vector<16xf32>
    %get3A_110 = arith.constant 32 : index
    %get3A_111 = tpu.vector_load %arg11[%get3A_110] {strides = array<i32>} : memref<128xf32, #tpu.memory_space<vmem>>, vector<16xf32>,
    %get3A_112 = vector.shape_cast %get3A_111 : vector<16xf32> to vector<16xf32>
    %get3A_113 = arith.constant 48 : index
    %get3A_114 = tpu.vector_load %arg11[%get3A_113] {strides = array<i32>} : memref<128xf32, #tpu.memory_space<vmem>>, vector<16xf32>,
    %get3A_115 = vector.shape_cast %get3A_114 : vector<16xf32> to vector<16xf32>
    %get3A_116 = arith.constant 64 : index
    %get3A_117 = tpu.vector_load %arg11[%get3A_116] {strides = array<i32>} : memref<128xf32, #tpu.memory_space<vmem>>, vector<16xf32>,
    %get3A_118 = vector.shape_cast %get3A_117 : vector<16xf32> to vector<16xf32>
    %get3A_119 = arith.constant 80 : index
    %get3A_120 = tpu.vector_load %arg11[%get3A_119] {strides = array<i32>} : memref<128xf32, #tpu.memory_space<vmem>>, vector<16xf32>,
    %get3A_121 = vector.shape_cast %get3A_120 : vector<16xf32> to vector<16xf32>
    %get3A_122 = arith.constant 96 : index
    %get3A_123 = tpu.vector_load %arg11[%get3A_122] {strides = array<i32>} : memref<128xf32, #tpu.memory_space<vmem>>, vector<16xf32>,
    %get3A_124 = vector.shape_cast %get3A_123 : vector<16xf32> to vector<16xf32>
    %get3A_125 = arith.constant 112 : index
    %get3A_126 = tpu.vector_load %arg11[%get3A_125] {strides = array<i32>} : memref<128xf32, #tpu.memory_space<vmem>>, vector<16xf32>,
    %get3A_127 = vector.shape_cast %get3A_126 : vector<16xf32> to vector<16xf32>
    %scan3A = arith.constant 0 : i32
    %scan3A_128 = arith.constant 0 : i32
    %scan3A_129 = arith.constant 32 : i32
    %scan3A_130 = arith.addi %scan3A_128, %scan3A_129 : i32
    %scan3A_131 = arith.constant 1 : i32
    scf.for %scan3A_133 = %scan3A_128 to %scan3A_130 step %scan3A_131  : i32 {
      %mul3A_134 = arith.constant 16 : i32
      %mul3A_135 = arith.muli %scan3A_133, %mul3A_134 : i32
      %get3A_136 = arith.index_cast %mul3A_135 : i32 to index
      %get3A_137 = tpu.vector_load %arg12[%get3A_136] {strides = array<i32>} : memref<512xf32, #tpu.memory_space<vmem>>, vector<16xf32>,
      %get3A_138 = vector.shape_cast %get3A_137 : vector<16xf32> to vector<16xf32>
      %mul3A_139 = arith.constant 16 : i32
      %mul3A_140 = arith.muli %scan3A_133, %mul3A_139 : i32
      %add3A_141 = arith.constant 0 : i32
      %add3A_142 = arith.addi %mul3A_140, %add3A_141 : i32
      %slice3A = vector.extract_strided_slice %get3A_138 {offsets = [0], sizes = [1], strides = [1]} : vector<16xf32> to vector<1xf32>
      %squeeze3A = vector.extract %slice3A[0] : f32 from vector<1xf32>
      %get3A_143 = arith.index_cast %add3A_142 : i32 to index
      %get3A_144 = arith.constant 0 : index
      %get3A_145 = tpu.vector_load %arg9[%get3A_143, %get3A_144] {strides = array<i32>} : memref<512x128xf32, #tpu.memory_space<vmem>>, vector<1x16xf32>,
      %get3A_146 = vector.shape_cast %get3A_145 : vector<1x16xf32> to vector<16xf32>
      %mul3A_147 = vector.broadcast %squeeze3A : f32 to vector<16xf32>
      %mul3A_148 = arith.mulf %mul3A_147, %get3A_82 : vector<16xf32>
      %add3A_149 = arith.addf %mul3A_148, %get3A_106 : vector<16xf32>
      %mul3A_150 = arith.mulf %get3A_146, %add3A_149 : vector<16xf32>
      %swap3A = arith.index_cast %add3A_142 : i32 to index
      %swap3A_151 = arith.constant 0 : index
      %swap3A_152 = tpu.vector_load %arg9[%swap3A, %swap3A_151] {strides = array<i32>} : memref<512x128xf32, #tpu.memory_space<vmem>>, vector<1x16xf32>,
      %swap3A_153 = vector.shape_cast %swap3A_152 : vector<1x16xf32> to vector<16xf32>
      %swap3A_154 = vector.shape_cast %mul3A_150 : vector<16xf32> to vector<1x16xf32>
      tpu.vector_store %arg9[%swap3A, %swap3A_151], %swap3A_154 {strides = array<i32>} : memref<512x128xf32, #tpu.memory_space<vmem>>, vector<1x16xf32>,
      %get3A_155 = arith.index_cast %add3A_142 : i32 to index
      %get3A_156 = arith.constant 16 : index
      %get3A_157 = tpu.vector_load %arg9[%get3A_155, %get3A_156] {strides = array<i32>} : memref<512x128xf32, #tpu.memory_space<vmem>>, vector<1x16xf32>,
      %get3A_158 = vector.shape_cast %get3A_157 : vector<1x16xf32> to vector<16xf32>
      %mul3A_159 = vector.broadcast %squeeze3A : f32 to vector<16xf32>
      %mul3A_160 = arith.mulf %mul3A_159, %get3A_85 : vector<16xf32>
      %add3A_161 = arith.addf %mul3A_160, %get3A_109 : vector<16xf32>
      %mul3A_162 = arith.mulf %get3A_158, %add3A_161 : vector<16xf32>
      %swap3A_163 = arith.index_cast %add3A_142 : i32 to index
      %swap3A_164 = arith.constant 16 : index
      %swap3A_165 = tpu.vector_load %arg9[%swap3A_163, %swap3A_164] {strides = array<i32>} : memref<512x128xf32, #tpu.memory_space<vmem>>, vector<1x16xf32>,
      %swap3A_166 = vector.shape_cast %swap3A_165 : vector<1x16xf32> to vector<16xf32>
      %swap3A_167 = vector.shape_cast %mul3A_162 : vector<16xf32> to vector<1x16xf32>
      tpu.vector_store %arg9[%swap3A_163, %swap3A_164], %swap3A_167 {strides = array<i32>} : memref<512x128xf32, #tpu.memory_space<vmem>>, vector<1x16xf32>,
      %get3A_168 = arith.index_cast %add3A_142 : i32 to index
      %get3A_169 = arith.constant 32 : index
      %get3A_170 = tpu.vector_load %arg9[%get3A_168, %get3A_169] {strides = array<i32>} : memref<512x128xf32, #tpu.memory_space<vmem>>, vector<1x16xf32>,
      %get3A_171 = vector.shape_cast %get3A_170 : vector<1x16xf32> to vector<16xf32>
      %mul3A_172 = vector.broadcast %squeeze3A : f32 to vector<16xf32>
      %mul3A_173 = arith.mulf %mul3A_172, %get3A_88 : vector<16xf32>
      %add3A_174 = arith.addf %mul3A_173, %get3A_112 : vector<16xf32>
      %mul3A_175 = arith.mulf %get3A_171, %add3A_174 : vector<16xf32>
      %swap3A_176 = arith.index_cast %add3A_142 : i32 to index
      %swap3A_177 = arith.constant 32 : index
      %swap3A_178 = tpu.vector_load %arg9[%swap3A_176, %swap3A_177] {strides = array<i32>} : memref<512x128xf32, #tpu.memory_space<vmem>>, vector<1x16xf32>,
      %swap3A_179 = vector.shape_cast %swap3A_178 : vector<1x16xf32> to vector<16xf32>
      %swap3A_180 = vector.shape_cast %mul3A_175 : vector<16xf32> to vector<1x16xf32>
      tpu.vector_store %arg9[%swap3A_176, %swap3A_177], %swap3A_180 {strides = array<i32>} : memref<512x128xf32, #tpu.memory_space<vmem>>, vector<1x16xf32>,
      %get3A_181 = arith.index_cast %add3A_142 : i32 to index
      %get3A_182 = arith.constant 48 : index
      %get3A_183 = tpu.vector_load %arg9[%get3A_181, %get3A_182] {strides = array<i32>} : memref<512x128xf32, #tpu.memory_space<vmem>>, vector<1x16xf32>,
      %get3A_184 = vector.shape_cast %get3A_183 : vector<1x16xf32> to vector<16xf32>
      %mul3A_185 = vector.broadcast %squeeze3A : f32 to vector<16xf32>
      %mul3A_186 = arith.mulf %mul3A_185, %get3A_91 : vector<16xf32>
      %add3A_187 = arith.addf %mul3A_186, %get3A_115 : vector<16xf32>
      %mul3A_188 = arith.mulf %get3A_184, %add3A_187 : vector<16xf32>
      %swap3A_189 = arith.index_cast %add3A_142 : i32 to index
      %swap3A_190 = arith.constant 48 : index
      %swap3A_191 = tpu.vector_load %arg9[%swap3A_189, %swap3A_190] {strides = array<i32>} : memref<512x128xf32, #tpu.memory_space<vmem>>, vector<1x16xf32>,
      %swap3A_192 = vector.shape_cast %swap3A_191 : vector<1x16xf32> to vector<16xf32>
      %swap3A_193 = vector.shape_cast %mul3A_188 : vector<16xf32> to vector<1x16xf32>
      tpu.vector_store %arg9[%swap3A_189, %swap3A_190], %swap3A_193 {strides = array<i32>} : memref<512x128xf32, #tpu.memory_space<vmem>>, vector<1x16xf32>,
      %get3A_194 = arith.index_cast %add3A_142 : i32 to index
      %get3A_195 = arith.constant 64 : index
      %get3A_196 = tpu.vector_load %arg9[%get3A_194, %get3A_195] {strides = array<i32>} : memref<512x128xf32, #tpu.memory_space<vmem>>, vector<1x16xf32>,
      %get3A_197 = vector.shape_cast %get3A_196 : vector<1x16xf32> to vector<16xf32>
      %mul3A_198 = vector.broadcast %squeeze3A : f32 to vector<16xf32>
      %mul3A_199 = arith.mulf %mul3A_198, %get3A_94 : vector<16xf32>
      %add3A_200 = arith.addf %mul3A_199, %get3A_118 : vector<16xf32>
      %mul3A_201 = arith.mulf %get3A_197, %add3A_200 : vector<16xf32>
      %swap3A_202 = arith.index_cast %add3A_142 : i32 to index
      %swap3A_203 = arith.constant 64 : index
      %swap3A_204 = tpu.vector_load %arg9[%swap3A_202, %swap3A_203] {strides = array<i32>} : memref<512x128xf32, #tpu.memory_space<vmem>>, vector<1x16xf32>,
      %swap3A_205 = vector.shape_cast %swap3A_204 : vector<1x16xf32> to vector<16xf32>
      %swap3A_206 = vector.shape_cast %mul3A_201 : vector<16xf32> to vector<1x16xf32>
      tpu.vector_store %arg9[%swap3A_202, %swap3A_203], %swap3A_206 {strides = array<i32>} : memref<512x128xf32, #tpu.memory_space<vmem>>, vector<1x16xf32>,
      %get3A_207 = arith.index_cast %add3A_142 : i32 to index
      %get3A_208 = arith.constant 80 : index
      %get3A_209 = tpu.vector_load %arg9[%get3A_207, %get3A_208] {strides = array<i32>} : memref<512x128xf32, #tpu.memory_space<vmem>>, vector<1x16xf32>,
      %get3A_210 = vector.shape_cast %get3A_209 : vector<1x16xf32> to vector<16xf32>
      %mul3A_211 = vector.broadcast %squeeze3A : f32 to vector<16xf32>
      %mul3A_212 = arith.mulf %mul3A_211, %get3A_97 : vector<16xf32>
      %add3A_213 = arith.addf %mul3A_212, %get3A_121 : vector<16xf32>
      %mul3A_214 = arith.mulf %get3A_210, %add3A_213 : vector<16xf32>
      %swap3A_215 = arith.index_cast %add3A_142 : i32 to index
      %swap3A_216 = arith.constant 80 : index
      %swap3A_217 = tpu.vector_load %arg9[%swap3A_215, %swap3A_216] {strides = array<i32>} : memref<512x128xf32, #tpu.memory_space<vmem>>, vector<1x16xf32>,
      %swap3A_218 = vector.shape_cast %swap3A_217 : vector<1x16xf32> to vector<16xf32>
      %swap3A_219 = vector.shape_cast %mul3A_214 : vector<16xf32> to vector<1x16xf32>
      tpu.vector_store %arg9[%swap3A_215, %swap3A_216], %swap3A_219 {strides = array<i32>} : memref<512x128xf32, #tpu.memory_space<vmem>>, vector<1x16xf32>,
      %get3A_220 = arith.index_cast %add3A_142 : i32 to index
      %get3A_221 = arith.constant 96 : index
      %get3A_222 = tpu.vector_load %arg9[%get3A_220, %get3A_221] {strides = array<i32>} : memref<512x128xf32, #tpu.memory_space<vmem>>, vector<1x16xf32>,
      %get3A_223 = vector.shape_cast %get3A_222 : vector<1x16xf32> to vector<16xf32>
      %mul3A_224 = vector.broadcast %squeeze3A : f32 to vector<16xf32>
      %mul3A_225 = arith.mulf %mul3A_224, %get3A_100 : vector<16xf32>
      %add3A_226 = arith.addf %mul3A_225, %get3A_124 : vector<16xf32>
      %mul3A_227 = arith.mulf %get3A_223, %add3A_226 : vector<16xf32>
      %swap3A_228 = arith.index_cast %add3A_142 : i32 to index
      %swap3A_229 = arith.constant 96 : index
      %swap3A_230 = tpu.vector_load %arg9[%swap3A_228, %swap3A_229] {strides = array<i32>} : memref<512x128xf32, #tpu.memory_space<vmem>>, vector<1x16xf32>,
      %swap3A_231 = vector.shape_cast %swap3A_230 : vector<1x16xf32> to vector<16xf32>
      %swap3A_232 = vector.shape_cast %mul3A_227 : vector<16xf32> to vector<1x16xf32>
      tpu.vector_store %arg9[%swap3A_228, %swap3A_229], %swap3A_232 {strides = array<i32>} : memref<512x128xf32, #tpu.memory_space<vmem>>, vector<1x16xf32>,
      %get3A_233 = arith.index_cast %add3A_142 : i32 to index
      %get3A_234 = arith.constant 112 : index
      %get3A_235 = tpu.vector_load %arg9[%get3A_233, %get3A_234] {strides = array<i32>} : memref<512x128xf32, #tpu.memory_space<vmem>>, vector<1x16xf32>,
      %get3A_236 = vector.shape_cast %get3A_235 : vector<1x16xf32> to vector<16xf32>
      %mul3A_237 = vector.broadcast %squeeze3A : f32 to vector<16xf32>
      %mul3A_238 = arith.mulf %mul3A_237, %get3A_103 : vector<16xf32>
      %add3A_239 = arith.addf %mul3A_238, %get3A_127 : vector<16xf32>
      %mul3A_240 = arith.mulf %get3A_236, %add3A_239 : vector<16xf32>
      %swap3A_241 = arith.index_cast %add3A_142 : i32 to index
      %swap3A_242 = arith.constant 112 : index
      %swap3A_243 = tpu.vector_load %arg9[%swap3A_241, %swap3A_242] {strides = array<i32>} : memref<512x128xf32, #tpu.memory_space<vmem>>, vector<1x16xf32>,
      %swap3A_244 = vector.shape_cast %swap3A_243 : vector<1x16xf32> to vector<16xf32>
      %swap3A_245 = vector.shape_cast %mul3A_240 : vector<16xf32> to vector<1x16xf32>
      tpu.vector_store %arg9[%swap3A_241, %swap3A_242], %swap3A_245 {strides = array<i32>} : memref<512x128xf32, #tpu.memory_space<vmem>>, vector<1x16xf32>,
      %mul3A_246 = arith.constant 16 : i32
      %mul3A_247 = arith.muli %scan3A_133, %mul3A_246 : i32
      %add3A_248 = arith.constant 1 : i32
      %add3A_249 = arith.addi %mul3A_247, %add3A_248 : i32
      %slice3A_250 = vector.extract_strided_slice %get3A_138 {offsets = [1], sizes = [1], strides = [1]} : vector<16xf32> to vector<1xf32>
      %squeeze3A_251 = vector.extract %slice3A_250[0] : f32 from vector<1xf32>
      %get3A_252 = arith.index_cast %add3A_249 : i32 to index
      %get3A_253 = arith.constant 0 : index
      %get3A_254 = tpu.vector_load %arg9[%get3A_252, %get3A_253] {strides = array<i32>} : memref<512x128xf32, #tpu.memory_space<vmem>>, vector<1x16xf32>,
      %get3A_255 = vector.shape_cast %get3A_254 : vector<1x16xf32> to vector<16xf32>
      %mul3A_256 = vector.broadcast %squeeze3A_251 : f32 to vector<16xf32>
      %mul3A_257 = arith.mulf %mul3A_256, %get3A_82 : vector<16xf32>
      %add3A_258 = arith.addf %mul3A_257, %get3A_106 : vector<16xf32>
      %mul3A_259 = arith.mulf %get3A_255, %add3A_258 : vector<16xf32>
      %swap3A_260 = arith.index_cast %add3A_249 : i32 to index
      %swap3A_261 = arith.constant 0 : index
      %swap3A_262 = tpu.vector_load %arg9[%swap3A_260, %swap3A_261] {strides = array<i32>} : memref<512x128xf32, #tpu.memory_space<vmem>>, vector<1x16xf32>,
      %swap3A_263 = vector.shape_cast %swap3A_262 : vector<1x16xf32> to vector<16xf32>
      %swap3A_264 = vector.shape_cast %mul3A_259 : vector<16xf32> to vector<1x16xf32>
      tpu.vector_store %arg9[%swap3A_260, %swap3A_261], %swap3A_264 {strides = array<i32>} : memref<512x128xf32, #tpu.memory_space<vmem>>, vector<1x16xf32>,
      %get3A_265 = arith.index_cast %add3A_249 : i32 to index
      %get3A_266 = arith.constant 16 : index
      %get3A_267 = tpu.vector_load %arg9[%get3A_265, %get3A_266] {strides = array<i32>} : memref<512x128xf32, #tpu.memory_space<vmem>>, vector<1x16xf32>,
      %get3A_268 = vector.shape_cast %get3A_267 : vector<1x16xf32> to vector<16xf32>
      %mul3A_269 = vector.broadcast %squeeze3A_251 : f32 to vector<16xf32>
      %mul3A_270 = arith.mulf %mul3A_269, %get3A_85 : vector<16xf32>
      %add3A_271 = arith.addf %mul3A_270, %get3A_109 : vector<16xf32>
      %mul3A_272 = arith.mulf %get3A_268, %add3A_271 : vector<16xf32>
      %swap3A_273 = arith.index_cast %add3A_249 : i32 to index
      %swap3A_274 = arith.constant 16 : index
      %swap3A_275 = tpu.vector_load %arg9[%swap3A_273, %swap3A_274] {strides = array<i32>} : memref<512x128xf32, #tpu.memory_space<vmem>>, vector<1x16xf32>,
      %swap3A_276 = vector.shape_cast %swap3A_275 : vector<1x16xf32> to vector<16xf32>
      %swap3A_277 = vector.shape_cast %mul3A_272 : vector<16xf32> to vector<1x16xf32>
      tpu.vector_store %arg9[%swap3A_273, %swap3A_274], %swap3A_277 {strides = array<i32>} : memref<512x128xf32, #tpu.memory_space<vmem>>, vector<1x16xf32>,
      %get3A_278 = arith.index_cast %add3A_249 : i32 to index
      %get3A_279 = arith.constant 32 : index
      %get3A_280 = tpu.vector_load %arg9[%get3A_278, %get3A_279] {strides = array<i32>} : memref<512x128xf32, #tpu.memory_space<vmem>>, vector<1x16xf32>,
      %get3A_281 = vector.shape_cast %get3A_280 : vector<1x16xf32> to vector<16xf32>
      %mul3A_282 = vector.broadcast %squeeze3A_251 : f32 to vector<16xf32>
      %mul3A_283 = arith.mulf %mul3A_282, %get3A_88 : vector<16xf32>
      %add3A_284 = arith.addf %mul3A_283, %get3A_112 : vector<16xf32>
      %mul3A_285 = arith.mulf %get3A_281, %add3A_284 : vector<16xf32>
      %swap3A_286 = arith.index_cast %add3A_249 : i32 to index
      %swap3A_287 = arith.constant 32 : index
      %swap3A_288 = tpu.vector_load %arg9[%swap3A_286, %swap3A_287] {strides = array<i32>} : memref<512x128xf32, #tpu.memory_space<vmem>>, vector<1x16xf32>,
      %swap3A_289 = vector.shape_cast %swap3A_288 : vector<1x16xf32> to vector<16xf32>
      %swap3A_290 = vector.shape_cast %mul3A_285 : vector<16xf32> to vector<1x16xf32>
      tpu.vector_store %arg9[%swap3A_286, %swap3A_287], %swap3A_290 {strides = array<i32>} : memref<512x128xf32, #tpu.memory_space<vmem>>, vector<1x16xf32>,
      %get3A_291 = arith.index_cast %add3A_249 : i32 to index
      %get3A_292 = arith.constant 48 : index
      %get3A_293 = tpu.vector_load %arg9[%get3A_291, %get3A_292] {strides = array<i32>} : memref<512x128xf32, #tpu.memory_space<vmem>>, vector<1x16xf32>,
      %get3A_294 = vector.shape_cast %get3A_293 : vector<1x16xf32> to vector<16xf32>
      %mul3A_295 = vector.broadcast %squeeze3A_251 : f32 to vector<16xf32>
      %mul3A_296 = arith.mulf %mul3A_295, %get3A_91 : vector<16xf32>
      %add3A_297 = arith.addf %mul3A_296, %get3A_115 : vector<16xf32>
      %mul3A_298 = arith.mulf %get3A_294, %add3A_297 : vector<16xf32>
      %swap3A_299 = arith.index_cast %add3A_249 : i32 to index
      %swap3A_300 = arith.constant 48 : index
      %swap3A_301 = tpu.vector_load %arg9[%swap3A_299, %swap3A_300] {strides = array<i32>} : memref<512x128xf32, #tpu.memory_space<vmem>>, vector<1x16xf32>,
      %swap3A_302 = vector.shape_cast %swap3A_301 : vector<1x16xf32> to vector<16xf32>
      %swap3A_303 = vector.shape_cast %mul3A_298 : vector<16xf32> to vector<1x16xf32>
      tpu.vector_store %arg9[%swap3A_299, %swap3A_300], %swap3A_303 {strides = array<i32>} : memref<512x128xf32, #tpu.memory_space<vmem>>, vector<1x16xf32>,
      %get3A_304 = arith.index_cast %add3A_249 : i32 to index
      %get3A_305 = arith.constant 64 : index
      %get3A_306 = tpu.vector_load %arg9[%get3A_304, %get3A_305] {strides = array<i32>} : memref<512x128xf32, #tpu.memory_space<vmem>>, vector<1x16xf32>,
      %get3A_307 = vector.shape_cast %get3A_306 : vector<1x16xf32> to vector<16xf32>
      %mul3A_308 = vector.broadcast %squeeze3A_251 : f32 to vector<16xf32>
      %mul3A_309 = arith.mulf %mul3A_308, %get3A_94 : vector<16xf32>
      %add3A_310 = arith.addf %mul3A_309, %get3A_118 : vector<16xf32>
      %mul3A_311 = arith.mulf %get3A_307, %add3A_310 : vector<16xf32>
      %swap3A_312 = arith.index_cast %add3A_249 : i32 to index
      %swap3A_313 = arith.constant 64 : index
      %swap3A_314 = tpu.vector_load %arg9[%swap3A_312, %swap3A_313] {strides = array<i32>} : memref<512x128xf32, #tpu.memory_space<vmem>>, vector<1x16xf32>,
      %swap3A_315 = vector.shape_cast %swap3A_314 : vector<1x16xf32> to vector<16xf32>
      %swap3A_316 = vector.shape_cast %mul3A_311 : vector<16xf32> to vector<1x16xf32>
      tpu.vector_store %arg9[%swap3A_312, %swap3A_313], %swap3A_316 {strides = array<i32>} : memref<512x128xf32, #tpu.memory_space<vmem>>, vector<1x16xf32>,
      %get3A_317 = arith.index_cast %add3A_249 : i32 to index
      %get3A_318 = arith.constant 80 : index
      %get3A_319 = tpu.vector_load %arg9[%get3A_317, %get3A_318] {strides = array<i32>} : memref<512x128xf32, #tpu.memory_space<vmem>>, vector<1x16xf32>,
      %get3A_320 = vector.shape_cast %get3A_319 : vector<1x16xf32> to vector<16xf32>
      %mul3A_321 = vector.broadcast %squeeze3A_251 : f32 to vector<16xf32>
      %mul3A_322 = arith.mulf %mul3A_321, %get3A_97 : vector<16xf32>
      %add3A_323 = arith.addf %mul3A_322, %get3A_121 : vector<16xf32>
      %mul3A_324 = arith.mulf %get3A_320, %add3A_323 : vector<16xf32>
      %swap3A_325 = arith.index_cast %add3A_249 : i32 to index
      %swap3A_326 = arith.constant 80 : index
      %swap3A_327 = tpu.vector_load %arg9[%swap3A_325, %swap3A_326] {strides = array<i32>} : memref<512x128xf32, #tpu.memory_space<vmem>>, vector<1x16xf32>,
      %swap3A_328 = vector.shape_cast %swap3A_327 : vector<1x16xf32> to vector<16xf32>
      %swap3A_329 = vector.shape_cast %mul3A_324 : vector<16xf32> to vector<1x16xf32>
      tpu.vector_store %arg9[%swap3A_325, %swap3A_326], %swap3A_329 {strides = array<i32>} : memref<512x128xf32, #tpu.memory_space<vmem>>, vector<1x16xf32>,
      %get3A_330 = arith.index_cast %add3A_249 : i32 to index
      %get3A_331 = arith.constant 96 : index
      %get3A_332 = tpu.vector_load %arg9[%get3A_330, %get3A_331] {strides = array<i32>} : memref<512x128xf32, #tpu.memory_space<vmem>>, vector<1x16xf32>,
      %get3A_333 = vector.shape_cast %get3A_332 : vector<1x16xf32> to vector<16xf32>
      %mul3A_334 = vector.broadcast %squeeze3A_251 : f32 to vector<16xf32>
      %mul3A_335 = arith.mulf %mul3A_334, %get3A_100 : vector<16xf32>
      %add3A_336 = arith.addf %mul3A_335, %get3A_124 : vector<16xf32>
      %mul3A_337 = arith.mulf %get3A_333, %add3A_336 : vector<16xf32>
      %swap3A_338 = arith.index_cast %add3A_249 : i32 to index
      %swap3A_339 = arith.constant 96 : index
      %swap3A_340 = tpu.vector_load %arg9[%swap3A_338, %swap3A_339] {strides = array<i32>} : memref<512x128xf32, #tpu.memory_space<vmem>>, vector<1x16xf32>,
      %swap3A_341 = vector.shape_cast %swap3A_340 : vector<1x16xf32> to vector<16xf32>
      %swap3A_342 = vector.shape_cast %mul3A_337 : vector<16xf32> to vector<1x16xf32>
      tpu.vector_store %arg9[%swap3A_338, %swap3A_339], %swap3A_342 {strides = array<i32>} : memref<512x128xf32, #tpu.memory_space<vmem>>, vector<1x16xf32>,
      %get3A_343 = arith.index_cast %add3A_249 : i32 to index
      %get3A_344 = arith.constant 112 : index
      %get3A_345 = tpu.vector_load %arg9[%get3A_343, %get3A_344] {strides = array<i32>} : memref<512x128xf32, #tpu.memory_space<vmem>>, vector<1x16xf32>,
      %get3A_346 = vector.shape_cast %get3A_345 : vector<1x16xf32> to vector<16xf32>
      %mul3A_347 = vector.broadcast %squeeze3A_251 : f32 to vector<16xf32>
      %mul3A_348 = arith.mulf %mul3A_347, %get3A_103 : vector<16xf32>
      %add3A_349 = arith.addf %mul3A_348, %get3A_127 : vector<16xf32>
      %mul3A_350 = arith.mulf %get3A_346, %add3A_349 : vector<16xf32>
      %swap3A_351 = arith.index_cast %add3A_249 : i32 to index
      %swap3A_352 = arith.constant 112 : index
      %swap3A_353 = tpu.vector_load %arg9[%swap3A_351, %swap3A_352] {strides = array<i32>} : memref<512x128xf32, #tpu.memory_space<vmem>>, vector<1x16xf32>,
      %swap3A_354 = vector.shape_cast %swap3A_353 : vector<1x16xf32> to vector<16xf32>
      %swap3A_355 = vector.shape_cast %mul3A_350 : vector<16xf32> to vector<1x16xf32>
      tpu.vector_store %arg9[%swap3A_351, %swap3A_352], %swap3A_355 {strides = array<i32>} : memref<512x128xf32, #tpu.memory_space<vmem>>, vector<1x16xf32>,
      %mul3A_356 = arith.constant 16 : i32
      %mul3A_357 = arith.muli %scan3A_133, %mul3A_356 : i32
      %add3A_358 = arith.constant 2 : i32
      %add3A_359 = arith.addi %mul3A_357, %add3A_358 : i32
      %slice3A_360 = vector.extract_strided_slice %get3A_138 {offsets = [2], sizes = [1], strides = [1]} : vector<16xf32> to vector<1xf32>
      %squeeze3A_361 = vector.extract %slice3A_360[0] : f32 from vector<1xf32>
      %get3A_362 = arith.index_cast %add3A_359 : i32 to index
      %get3A_363 = arith.constant 0 : index
      %get3A_364 = tpu.vector_load %arg9[%get3A_362, %get3A_363] {strides = array<i32>} : memref<512x128xf32, #tpu.memory_space<vmem>>, vector<1x16xf32>,
      %get3A_365 = vector.shape_cast %get3A_364 : vector<1x16xf32> to vector<16xf32>
      %mul3A_366 = vector.broadcast %squeeze3A_361 : f32 to vector<16xf32>
      %mul3A_367 = arith.mulf %mul3A_366, %get3A_82 : vector<16xf32>
      %add3A_368 = arith.addf %mul3A_367, %get3A_106 : vector<16xf32>
      %mul3A_369 = arith.mulf %get3A_365, %add3A_368 : vector<16xf32>
      %swap3A_370 = arith.index_cast %add3A_359 : i32 to index
      %swap3A_371 = arith.constant 0 : index
      %swap3A_372 = tpu.vector_load %arg9[%swap3A_370, %swap3A_371] {strides = array<i32>} : memref<512x128xf32, #tpu.memory_space<vmem>>, vector<1x16xf32>,
      %swap3A_373 = vector.shape_cast %swap3A_372 : vector<1x16xf32> to vector<16xf32>
      %swap3A_374 = vector.shape_cast %mul3A_369 : vector<16xf32> to vector<1x16xf32>
      tpu.vector_store %arg9[%swap3A_370, %swap3A_371], %swap3A_374 {strides = array<i32>} : memref<512x128xf32, #tpu.memory_space<vmem>>, vector<1x16xf32>,
      %get3A_375 = arith.index_cast %add3A_359 : i32 to index
      %get3A_376 = arith.constant 16 : index
      %get3A_377 = tpu.vector_load %arg9[%get3A_375, %get3A_376] {strides = array<i32>} : memref<512x128xf32, #tpu.memory_space<vmem>>, vector<1x16xf32>,
      %get3A_378 = vector.shape_cast %get3A_377 : vector<1x16xf32> to vector<16xf32>
      %mul3A_379 = vector.broadcast %squeeze3A_361 : f32 to vector<16xf32>
      %mul3A_380 = arith.mulf %mul3A_379, %get3A_85 : vector<16xf32>
      %add3A_381 = arith.addf %mul3A_380, %get3A_109 : vector<16xf32>
      %mul3A_382 = arith.mulf %get3A_378, %add3A_381 : vector<16xf32>
      %swap3A_383 = arith.index_cast %add3A_359 : i32 to index
      %swap3A_384 = arith.constant 16 : index
      %swap3A_385 = tpu.vector_load %arg9[%swap3A_383, %swap3A_384] {strides = array<i32>} : memref<512x128xf32, #tpu.memory_space<vmem>>, vector<1x16xf32>,
      %swap3A_386 = vector.shape_cast %swap3A_385 : vector<1x16xf32> to vector<16xf32>
      %swap3A_387 = vector.shape_cast %mul3A_382 : vector<16xf32> to vector<1x16xf32>
      tpu.vector_store %arg9[%swap3A_383, %swap3A_384], %swap3A_387 {strides = array<i32>} : memref<512x128xf32, #tpu.memory_space<vmem>>, vector<1x16xf32>,
      %get3A_388 = arith.index_cast %add3A_359 : i32 to index
      %get3A_389 = arith.constant 32 : index
      %get3A_390 = tpu.vector_load %arg9[%get3A_388, %get3A_389] {strides = array<i32>} : memref<512x128xf32, #tpu.memory_space<vmem>>, vector<1x16xf32>,
      %get3A_391 = vector.shape_cast %get3A_390 : vector<1x16xf32> to vector<16xf32>
      %mul3A_392 = vector.broadcast %squeeze3A_361 : f32 to vector<16xf32>
      %mul3A_393 = arith.mulf %mul3A_392, %get3A_88 : vector<16xf32>
      %add3A_394 = arith.addf %mul3A_393, %get3A_112 : vector<16xf32>
      %mul3A_395 = arith.mulf %get3A_391, %add3A_394 : vector<16xf32>
      %swap3A_396 = arith.index_cast %add3A_359 : i32 to index
      %swap3A_397 = arith.constant 32 : index
      %swap3A_398 = tpu.vector_load %arg9[%swap3A_396, %swap3A_397] {strides = array<i32>} : memref<512x128xf32, #tpu.memory_space<vmem>>, vector<1x16xf32>,
      %swap3A_399 = vector.shape_cast %swap3A_398 : vector<1x16xf32> to vector<16xf32>
      %swap3A_400 = vector.shape_cast %mul3A_395 : vector<16xf32> to vector<1x16xf32>
      tpu.vector_store %arg9[%swap3A_396, %swap3A_397], %swap3A_400 {strides = array<i32>} : memref<512x128xf32, #tpu.memory_space<vmem>>, vector<1x16xf32>,
      %get3A_401 = arith.index_cast %add3A_359 : i32 to index
      %get3A_402 = arith.constant 48 : index
      %get3A_403 = tpu.vector_load %arg9[%get3A_401, %get3A_402] {strides = array<i32>} : memref<512x128xf32, #tpu.memory_space<vmem>>, vector<1x16xf32>,
      %get3A_404 = vector.shape_cast %get3A_403 : vector<1x16xf32> to vector<16xf32>
      %mul3A_405 = vector.broadcast %squeeze3A_361 : f32 to vector<16xf32>
      %mul3A_406 = arith.mulf %mul3A_405, %get3A_91 : vector<16xf32>
      %add3A_407 = arith.addf %mul3A_406, %get3A_115 : vector<16xf32>
      %mul3A_408 = arith.mulf %get3A_404, %add3A_407 : vector<16xf32>
      %swap3A_409 = arith.index_cast %add3A_359 : i32 to index
      %swap3A_410 = arith.constant 48 : index
      %swap3A_411 = tpu.vector_load %arg9[%swap3A_409, %swap3A_410] {strides = array<i32>} : memref<512x128xf32, #tpu.memory_space<vmem>>, vector<1x16xf32>,
      %swap3A_412 = vector.shape_cast %swap3A_411 : vector<1x16xf32> to vector<16xf32>
      %swap3A_413 = vector.shape_cast %mul3A_408 : vector<16xf32> to vector<1x16xf32>
      tpu.vector_store %arg9[%swap3A_409, %swap3A_410], %swap3A_413 {strides = array<i32>} : memref<512x128xf32, #tpu.memory_space<vmem>>, vector<1x16xf32>,
      %get3A_414 = arith.index_cast %add3A_359 : i32 to index
      %get3A_415 = arith.constant 64 : index
      %get3A_416 = tpu.vector_load %arg9[%get3A_414, %get3A_415] {strides = array<i32>} : memref<512x128xf32, #tpu.memory_space<vmem>>, vector<1x16xf32>,
      %get3A_417 = vector.shape_cast %get3A_416 : vector<1x16xf32> to vector<16xf32>
      %mul3A_418 = vector.broadcast %squeeze3A_361 : f32 to vector<16xf32>
      %mul3A_419 = arith.mulf %mul3A_418, %get3A_94 : vector<16xf32>
      %add3A_420 = arith.addf %mul3A_419, %get3A_118 : vector<16xf32>
      %mul3A_421 = arith.mulf %get3A_417, %add3A_420 : vector<16xf32>
      %swap3A_422 = arith.index_cast %add3A_359 : i32 to index
      %swap3A_423 = arith.constant 64 : index
      %swap3A_424 = tpu.vector_load %arg9[%swap3A_422, %swap3A_423] {strides = array<i32>} : memref<512x128xf32, #tpu.memory_space<vmem>>, vector<1x16xf32>,
      %swap3A_425 = vector.shape_cast %swap3A_424 : vector<1x16xf32> to vector<16xf32>
      %swap3A_426 = vector.shape_cast %mul3A_421 : vector<16xf32> to vector<1x16xf32>
      tpu.vector_store %arg9[%swap3A_422, %swap3A_423], %swap3A_426 {strides = array<i32>} : memref<512x128xf32, #tpu.memory_space<vmem>>, vector<1x16xf32>,
      %get3A_427 = arith.index_cast %add3A_359 : i32 to index
      %get3A_428 = arith.constant 80 : index
      %get3A_429 = tpu.vector_load %arg9[%get3A_427, %get3A_428] {strides = array<i32>} : memref<512x128xf32, #tpu.memory_space<vmem>>, vector<1x16xf32>,
      %get3A_430 = vector.shape_cast %get3A_429 : vector<1x16xf32> to vector<16xf32>
      %mul3A_431 = vector.broadcast %squeeze3A_361 : f32 to vector<16xf32>
      %mul3A_432 = arith.mulf %mul3A_431, %get3A_97 : vector<16xf32>
      %add3A_433 = arith.addf %mul3A_432, %get3A_121 : vector<16xf32>
      %mul3A_434 = arith.mulf %get3A_430, %add3A_433 : vector<16xf32>
      %swap3A_435 = arith.index_cast %add3A_359 : i32 to index
      %swap3A_436 = arith.constant 80 : index
      %swap3A_437 = tpu.vector_load %arg9[%swap3A_435, %swap3A_436] {strides = array<i32>} : memref<512x128xf32, #tpu.memory_space<vmem>>, vector<1x16xf32>,
      %swap3A_438 = vector.shape_cast %swap3A_437 : vector<1x16xf32> to vector<16xf32>
      %swap3A_439 = vector.shape_cast %mul3A_434 : vector<16xf32> to vector<1x16xf32>
      tpu.vector_store %arg9[%swap3A_435, %swap3A_436], %swap3A_439 {strides = array<i32>} : memref<512x128xf32, #tpu.memory_space<vmem>>, vector<1x16xf32>,
      %get3A_440 = arith.index_cast %add3A_359 : i32 to index
      %get3A_441 = arith.constant 96 : index
      %get3A_442 = tpu.vector_load %arg9[%get3A_440, %get3A_441] {strides = array<i32>} : memref<512x128xf32, #tpu.memory_space<vmem>>, vector<1x16xf32>,
      %get3A_443 = vector.shape_cast %get3A_442 : vector<1x16xf32> to vector<16xf32>
      %mul3A_444 = vector.broadcast %squeeze3A_361 : f32 to vector<16xf32>
      %mul3A_445 = arith.mulf %mul3A_444, %get3A_100 : vector<16xf32>
      %add3A_446 = arith.addf %mul3A_445, %get3A_124 : vector<16xf32>
      %mul3A_447 = arith.mulf %get3A_443, %add3A_446 : vector<16xf32>
      %swap3A_448 = arith.index_cast %add3A_359 : i32 to index
      %swap3A_449 = arith.constant 96 : index
      %swap3A_450 = tpu.vector_load %arg9[%swap3A_448, %swap3A_449] {strides = array<i32>} : memref<512x128xf32, #tpu.memory_space<vmem>>, vector<1x16xf32>,
      %swap3A_451 = vector.shape_cast %swap3A_450 : vector<1x16xf32> to vector<16xf32>
      %swap3A_452 = vector.shape_cast %mul3A_447 : vector<16xf32> to vector<1x16xf32>
      tpu.vector_store %arg9[%swap3A_448, %swap3A_449], %swap3A_452 {strides = array<i32>} : memref<512x128xf32, #tpu.memory_space<vmem>>, vector<1x16xf32>,
      %get3A_453 = arith.index_cast %add3A_359 : i32 to index
      %get3A_454 = arith.constant 112 : index
      %get3A_455 = tpu.vector_load %arg9[%get3A_453, %get3A_454] {strides = array<i32>} : memref<512x128xf32, #tpu.memory_space<vmem>>, vector<1x16xf32>,
      %get3A_456 = vector.shape_cast %get3A_455 : vector<1x16xf32> to vector<16xf32>
      %mul3A_457 = vector.broadcast %squeeze3A_361 : f32 to vector<16xf32>
      %mul3A_458 = arith.mulf %mul3A_457, %get3A_103 : vector<16xf32>
      %add3A_459 = arith.addf %mul3A_458, %get3A_127 : vector<16xf32>
      %mul3A_460 = arith.mulf %get3A_456, %add3A_459 : vector<16xf32>
      %swap3A_461 = arith.index_cast %add3A_359 : i32 to index
      %swap3A_462 = arith.constant 112 : index
      %swap3A_463 = tpu.vector_load %arg9[%swap3A_461, %swap3A_462] {strides = array<i32>} : memref<512x128xf32, #tpu.memory_space<vmem>>, vector<1x16xf32>,
      %swap3A_464 = vector.shape_cast %swap3A_463 : vector<1x16xf32> to vector<16xf32>
      %swap3A_465 = vector.shape_cast %mul3A_460 : vector<16xf32> to vector<1x16xf32>
      tpu.vector_store %arg9[%swap3A_461, %swap3A_462], %swap3A_465 {strides = array<i32>} : memref<512x128xf32, #tpu.memory_space<vmem>>, vector<1x16xf32>,
      %mul3A_466 = arith.constant 16 : i32
      %mul3A_467 = arith.muli %scan3A_133, %mul3A_466 : i32
      %add3A_468 = arith.constant 3 : i32
      %add3A_469 = arith.addi %mul3A_467, %add3A_468 : i32
      %slice3A_470 = vector.extract_strided_slice %get3A_138 {offsets = [3], sizes = [1], strides = [1]} : vector<16xf32> to vector<1xf32>
      %squeeze3A_471 = vector.extract %slice3A_470[0] : f32 from vector<1xf32>
      %get3A_472 = arith.index_cast %add3A_469 : i32 to index
      %get3A_473 = arith.constant 0 : index
      %get3A_474 = tpu.vector_load %arg9[%get3A_472, %get3A_473] {strides = array<i32>} : memref<512x128xf32, #tpu.memory_space<vmem>>, vector<1x16xf32>,
      %get3A_475 = vector.shape_cast %get3A_474 : vector<1x16xf32> to vector<16xf32>
      %mul3A_476 = vector.broadcast %squeeze3A_471 : f32 to vector<16xf32>
      %mul3A_477 = arith.mulf %mul3A_476, %get3A_82 : vector<16xf32>
      %add3A_478 = arith.addf %mul3A_477, %get3A_106 : vector<16xf32>
      %mul3A_479 = arith.mulf %get3A_475, %add3A_478 : vector<16xf32>
      %swap3A_480 = arith.index_cast %add3A_469 : i32 to index
      %swap3A_481 = arith.constant 0 : index
      %swap3A_482 = tpu.vector_load %arg9[%swap3A_480, %swap3A_481] {strides = array<i32>} : memref<512x128xf32, #tpu.memory_space<vmem>>, vector<1x16xf32>,
      %swap3A_483 = vector.shape_cast %swap3A_482 : vector<1x16xf32> to vector<16xf32>
      %swap3A_484 = vector.shape_cast %mul3A_479 : vector<16xf32> to vector<1x16xf32>
      tpu.vector_store %arg9[%swap3A_480, %swap3A_481], %swap3A_484 {strides = array<i32>} : memref<512x128xf32, #tpu.memory_space<vmem>>, vector<1x16xf32>,
      %get3A_485 = arith.index_cast %add3A_469 : i32 to index
      %get3A_486 = arith.constant 16 : index
      %get3A_487 = tpu.vector_load %arg9[%get3A_485, %get3A_486] {strides = array<i32>} : memref<512x128xf32, #tpu.memory_space<vmem>>, vector<1x16xf32>,
      %get3A_488 = vector.shape_cast %get3A_487 : vector<1x16xf32> to vector<16xf32>
      %mul3A_489 = vector.broadcast %squeeze3A_471 : f32 to vector<16xf32>
      %mul3A_490 = arith.mulf %mul3A_489, %get3A_85 : vector<16xf32>
      %add3A_491 = arith.addf %mul3A_490, %get3A_109 : vector<16xf32>
      %mul3A_492 = arith.mulf %get3A_488, %add3A_491 : vector<16xf32>
      %swap3A_493 = arith.index_cast %add3A_469 : i32 to index
      %swap3A_494 = arith.constant 16 : index
      %swap3A_495 = tpu.vector_load %arg9[%swap3A_493, %swap3A_494] {strides = array<i32>} : memref<512x128xf32, #tpu.memory_space<vmem>>, vector<1x16xf32>,
      %swap3A_496 = vector.shape_cast %swap3A_495 : vector<1x16xf32> to vector<16xf32>
      %swap3A_497 = vector.shape_cast %mul3A_492 : vector<16xf32> to vector<1x16xf32>
      tpu.vector_store %arg9[%swap3A_493, %swap3A_494], %swap3A_497 {strides = array<i32>} : memref<512x128xf32, #tpu.memory_space<vmem>>, vector<1x16xf32>,
      %get3A_498 = arith.index_cast %add3A_469 : i32 to index
      %get3A_499 = arith.constant 32 : index
      %get3A_500 = tpu.vector_load %arg9[%get3A_498, %get3A_499] {strides = array<i32>} : memref<512x128xf32, #tpu.memory_space<vmem>>, vector<1x16xf32>,
      %get3A_501 = vector.shape_cast %get3A_500 : vector<1x16xf32> to vector<16xf32>
      %mul3A_502 = vector.broadcast %squeeze3A_471 : f32 to vector<16xf32>
      %mul3A_503 = arith.mulf %mul3A_502, %get3A_88 : vector<16xf32>
      %add3A_504 = arith.addf %mul3A_503, %get3A_112 : vector<16xf32>
      %mul3A_505 = arith.mulf %get3A_501, %add3A_504 : vector<16xf32>
      %swap3A_506 = arith.index_cast %add3A_469 : i32 to index
      %swap3A_507 = arith.constant 32 : index
      %swap3A_508 = tpu.vector_load %arg9[%swap3A_506, %swap3A_507] {strides = array<i32>} : memref<512x128xf32, #tpu.memory_space<vmem>>, vector<1x16xf32>,
      %swap3A_509 = vector.shape_cast %swap3A_508 : vector<1x16xf32> to vector<16xf32>
      %swap3A_510 = vector.shape_cast %mul3A_505 : vector<16xf32> to vector<1x16xf32>
      tpu.vector_store %arg9[%swap3A_506, %swap3A_507], %swap3A_510 {strides = array<i32>} : memref<512x128xf32, #tpu.memory_space<vmem>>, vector<1x16xf32>,
      %get3A_511 = arith.index_cast %add3A_469 : i32 to index
      %get3A_512 = arith.constant 48 : index
      %get3A_513 = tpu.vector_load %arg9[%get3A_511, %get3A_512] {strides = array<i32>} : memref<512x128xf32, #tpu.memory_space<vmem>>, vector<1x16xf32>,
      %get3A_514 = vector.shape_cast %get3A_513 : vector<1x16xf32> to vector<16xf32>
      %mul3A_515 = vector.broadcast %squeeze3A_471 : f32 to vector<16xf32>
      %mul3A_516 = arith.mulf %mul3A_515, %get3A_91 : vector<16xf32>
      %add3A_517 = arith.addf %mul3A_516, %get3A_115 : vector<16xf32>
      %mul3A_518 = arith.mulf %get3A_514, %add3A_517 : vector<16xf32>
      %swap3A_519 = arith.index_cast %add3A_469 : i32 to index
      %swap3A_520 = arith.constant 48 : index
      %swap3A_521 = tpu.vector_load %arg9[%swap3A_519, %swap3A_520] {strides = array<i32>} : memref<512x128xf32, #tpu.memory_space<vmem>>, vector<1x16xf32>,
      %swap3A_522 = vector.shape_cast %swap3A_521 : vector<1x16xf32> to vector<16xf32>
      %swap3A_523 = vector.shape_cast %mul3A_518 : vector<16xf32> to vector<1x16xf32>
      tpu.vector_store %arg9[%swap3A_519, %swap3A_520], %swap3A_523 {strides = array<i32>} : memref<512x128xf32, #tpu.memory_space<vmem>>, vector<1x16xf32>,
      %get3A_524 = arith.index_cast %add3A_469 : i32 to index
      %get3A_525 = arith.constant 64 : index
      %get3A_526 = tpu.vector_load %arg9[%get3A_524, %get3A_525] {strides = array<i32>} : memref<512x128xf32, #tpu.memory_space<vmem>>, vector<1x16xf32>,
      %get3A_527 = vector.shape_cast %get3A_526 : vector<1x16xf32> to vector<16xf32>
      %mul3A_528 = vector.broadcast %squeeze3A_471 : f32 to vector<16xf32>
      %mul3A_529 = arith.mulf %mul3A_528, %get3A_94 : vector<16xf32>
      %add3A_530 = arith.addf %mul3A_529, %get3A_118 : vector<16xf32>
      %mul3A_531 = arith.mulf %get3A_527, %add3A_530 : vector<16xf32>
      %swap3A_532 = arith.index_cast %add3A_469 : i32 to index
      %swap3A_533 = arith.constant 64 : index
      %swap3A_534 = tpu.vector_load %arg9[%swap3A_532, %swap3A_533] {strides = array<i32>} : memref<512x128xf32, #tpu.memory_space<vmem>>, vector<1x16xf32>,
      %swap3A_535 = vector.shape_cast %swap3A_534 : vector<1x16xf32> to vector<16xf32>
      %swap3A_536 = vector.shape_cast %mul3A_531 : vector<16xf32> to vector<1x16xf32>
      tpu.vector_store %arg9[%swap3A_532, %swap3A_533], %swap3A_536 {strides = array<i32>} : memref<512x128xf32, #tpu.memory_space<vmem>>, vector<1x16xf32>,
      %get3A_537 = arith.index_cast %add3A_469 : i32 to index
      %get3A_538 = arith.constant 80 : index
      %get3A_539 = tpu.vector_load %arg9[%get3A_537, %get3A_538] {strides = array<i32>} : memref<512x128xf32, #tpu.memory_space<vmem>>, vector<1x16xf32>,
      %get3A_540 = vector.shape_cast %get3A_539 : vector<1x16xf32> to vector<16xf32>
      %mul3A_541 = vector.broadcast %squeeze3A_471 : f32 to vector<16xf32>
      %mul3A_542 = arith.mulf %mul3A_541, %get3A_97 : vector<16xf32>
      %add3A_543 = arith.addf %mul3A_542, %get3A_121 : vector<16xf32>
      %mul3A_544 = arith.mulf %get3A_540, %add3A_543 : vector<16xf32>
      %swap3A_545 = arith.index_cast %add3A_469 : i32 to index
      %swap3A_546 = arith.constant 80 : index
      %swap3A_547 = tpu.vector_load %arg9[%swap3A_545, %swap3A_546] {strides = array<i32>} : memref<512x128xf32, #tpu.memory_space<vmem>>, vector<1x16xf32>,
      %swap3A_548 = vector.shape_cast %swap3A_547 : vector<1x16xf32> to vector<16xf32>
      %swap3A_549 = vector.shape_cast %mul3A_544 : vector<16xf32> to vector<1x16xf32>
      tpu.vector_store %arg9[%swap3A_545, %swap3A_546], %swap3A_549 {strides = array<i32>} : memref<512x128xf32, #tpu.memory_space<vmem>>, vector<1x16xf32>,
      %get3A_550 = arith.index_cast %add3A_469 : i32 to index
      %get3A_551 = arith.constant 96 : index
      %get3A_552 = tpu.vector_load %arg9[%get3A_550, %get3A_551] {strides = array<i32>} : memref<512x128xf32, #tpu.memory_space<vmem>>, vector<1x16xf32>,
      %get3A_553 = vector.shape_cast %get3A_552 : vector<1x16xf32> to vector<16xf32>
      %mul3A_554 = vector.broadcast %squeeze3A_471 : f32 to vector<16xf32>
      %mul3A_555 = arith.mulf %mul3A_554, %get3A_100 : vector<16xf32>
      %add3A_556 = arith.addf %mul3A_555, %get3A_124 : vector<16xf32>
      %mul3A_557 = arith.mulf %get3A_553, %add3A_556 : vector<16xf32>
      %swap3A_558 = arith.index_cast %add3A_469 : i32 to index
      %swap3A_559 = arith.constant 96 : index
      %swap3A_560 = tpu.vector_load %arg9[%swap3A_558, %swap3A_559] {strides = array<i32>} : memref<512x128xf32, #tpu.memory_space<vmem>>, vector<1x16xf32>,
      %swap3A_561 = vector.shape_cast %swap3A_560 : vector<1x16xf32> to vector<16xf32>
      %swap3A_562 = vector.shape_cast %mul3A_557 : vector<16xf32> to vector<1x16xf32>
      tpu.vector_store %arg9[%swap3A_558, %swap3A_559], %swap3A_562 {strides = array<i32>} : memref<512x128xf32, #tpu.memory_space<vmem>>, vector<1x16xf32>,
      %get3A_563 = arith.index_cast %add3A_469 : i32 to index
      %get3A_564 = arith.constant 112 : index
      %get3A_565 = tpu.vector_load %arg9[%get3A_563, %get3A_564] {strides = array<i32>} : memref<512x128xf32, #tpu.memory_space<vmem>>, vector<1x16xf32>,
      %get3A_566 = vector.shape_cast %get3A_565 : vector<1x16xf32> to vector<16xf32>
      %mul3A_567 = vector.broadcast %squeeze3A_471 : f32 to vector<16xf32>
      %mul3A_568 = arith.mulf %mul3A_567, %get3A_103 : vector<16xf32>
      %add3A_569 = arith.addf %mul3A_568, %get3A_127 : vector<16xf32>
      %mul3A_570 = arith.mulf %get3A_566, %add3A_569 : vector<16xf32>
      %swap3A_571 = arith.index_cast %add3A_469 : i32 to index
      %swap3A_572 = arith.constant 112 : index
      %swap3A_573 = tpu.vector_load %arg9[%swap3A_571, %swap3A_572] {strides = array<i32>} : memref<512x128xf32, #tpu.memory_space<vmem>>, vector<1x16xf32>,
      %swap3A_574 = vector.shape_cast %swap3A_573 : vector<1x16xf32> to vector<16xf32>
      %swap3A_575 = vector.shape_cast %mul3A_570 : vector<16xf32> to vector<1x16xf32>
      tpu.vector_store %arg9[%swap3A_571, %swap3A_572], %swap3A_575 {strides = array<i32>} : memref<512x128xf32, #tpu.memory_space<vmem>>, vector<1x16xf32>,
      %mul3A_576 = arith.constant 16 : i32
      %mul3A_577 = arith.muli %scan3A_133, %mul3A_576 : i32
      %add3A_578 = arith.constant 4 : i32
      %add3A_579 = arith.addi %mul3A_577, %add3A_578 : i32
      %slice3A_580 = vector.extract_strided_slice %get3A_138 {offsets = [4], sizes = [1], strides = [1]} : vector<16xf32> to vector<1xf32>
      %squeeze3A_581 = vector.extract %slice3A_580[0] : f32 from vector<1xf32>
      %get3A_582 = arith.index_cast %add3A_579 : i32 to index
      %get3A_583 = arith.constant 0 : index
      %get3A_584 = tpu.vector_load %arg9[%get3A_582, %get3A_583] {strides = array<i32>} : memref<512x128xf32, #tpu.memory_space<vmem>>, vector<1x16xf32>,
      %get3A_585 = vector.shape_cast %get3A_584 : vector<1x16xf32> to vector<16xf32>
      %mul3A_586 = vector.broadcast %squeeze3A_581 : f32 to vector<16xf32>
      %mul3A_587 = arith.mulf %mul3A_586, %get3A_82 : vector<16xf32>
      %add3A_588 = arith.addf %mul3A_587, %get3A_106 : vector<16xf32>
      %mul3A_589 = arith.mulf %get3A_585, %add3A_588 : vector<16xf32>
      %swap3A_590 = arith.index_cast %add3A_579 : i32 to index
      %swap3A_591 = arith.constant 0 : index
      %swap3A_592 = tpu.vector_load %arg9[%swap3A_590, %swap3A_591] {strides = array<i32>} : memref<512x128xf32, #tpu.memory_space<vmem>>, vector<1x16xf32>,
      %swap3A_593 = vector.shape_cast %swap3A_592 : vector<1x16xf32> to vector<16xf32>
      %swap3A_594 = vector.shape_cast %mul3A_589 : vector<16xf32> to vector<1x16xf32>
      tpu.vector_store %arg9[%swap3A_590, %swap3A_591], %swap3A_594 {strides = array<i32>} : memref<512x128xf32, #tpu.memory_space<vmem>>, vector<1x16xf32>,
      %get3A_595 = arith.index_cast %add3A_579 : i32 to index
      %get3A_596 = arith.constant 16 : index
      %get3A_597 = tpu.vector_load %arg9[%get3A_595, %get3A_596] {strides = array<i32>} : memref<512x128xf32, #tpu.memory_space<vmem>>, vector<1x16xf32>,
      %get3A_598 = vector.shape_cast %get3A_597 : vector<1x16xf32> to vector<16xf32>
      %mul3A_599 = vector.broadcast %squeeze3A_581 : f32 to vector<16xf32>
      %mul3A_600 = arith.mulf %mul3A_599, %get3A_85 : vector<16xf32>
      %add3A_601 = arith.addf %mul3A_600, %get3A_109 : vector<16xf32>
      %mul3A_602 = arith.mulf %get3A_598, %add3A_601 : vector<16xf32>
      %swap3A_603 = arith.index_cast %add3A_579 : i32 to index
      %swap3A_604 = arith.constant 16 : index
      %swap3A_605 = tpu.vector_load %arg9[%swap3A_603, %swap3A_604] {strides = array<i32>} : memref<512x128xf32, #tpu.memory_space<vmem>>, vector<1x16xf32>,
      %swap3A_606 = vector.shape_cast %swap3A_605 : vector<1x16xf32> to vector<16xf32>
      %swap3A_607 = vector.shape_cast %mul3A_602 : vector<16xf32> to vector<1x16xf32>
      tpu.vector_store %arg9[%swap3A_603, %swap3A_604], %swap3A_607 {strides = array<i32>} : memref<512x128xf32, #tpu.memory_space<vmem>>, vector<1x16xf32>,
      %get3A_608 = arith.index_cast %add3A_579 : i32 to index
      %get3A_609 = arith.constant 32 : index
      %get3A_610 = tpu.vector_load %arg9[%get3A_608, %get3A_609] {strides = array<i32>} : memref<512x128xf32, #tpu.memory_space<vmem>>, vector<1x16xf32>,
      %get3A_611 = vector.shape_cast %get3A_610 : vector<1x16xf32> to vector<16xf32>
      %mul3A_612 = vector.broadcast %squeeze3A_581 : f32 to vector<16xf32>
      %mul3A_613 = arith.mulf %mul3A_612, %get3A_88 : vector<16xf32>
      %add3A_614 = arith.addf %mul3A_613, %get3A_112 : vector<16xf32>
      %mul3A_615 = arith.mulf %get3A_611, %add3A_614 : vector<16xf32>
      %swap3A_616 = arith.index_cast %add3A_579 : i32 to index
      %swap3A_617 = arith.constant 32 : index
      %swap3A_618 = tpu.vector_load %arg9[%swap3A_616, %swap3A_617] {strides = array<i32>} : memref<512x128xf32, #tpu.memory_space<vmem>>, vector<1x16xf32>,
      %swap3A_619 = vector.shape_cast %swap3A_618 : vector<1x16xf32> to vector<16xf32>
      %swap3A_620 = vector.shape_cast %mul3A_615 : vector<16xf32> to vector<1x16xf32>
      tpu.vector_store %arg9[%swap3A_616, %swap3A_617], %swap3A_620 {strides = array<i32>} : memref<512x128xf32, #tpu.memory_space<vmem>>, vector<1x16xf32>,
      %get3A_621 = arith.index_cast %add3A_579 : i32 to index
      %get3A_622 = arith.constant 48 : index
      %get3A_623 = tpu.vector_load %arg9[%get3A_621, %get3A_622] {strides = array<i32>} : memref<512x128xf32, #tpu.memory_space<vmem>>, vector<1x16xf32>,
      %get3A_624 = vector.shape_cast %get3A_623 : vector<1x16xf32> to vector<16xf32>
      %mul3A_625 = vector.broadcast %squeeze3A_581 : f32 to vector<16xf32>
      %mul3A_626 = arith.mulf %mul3A_625, %get3A_91 : vector<16xf32>
      %add3A_627 = arith.addf %mul3A_626, %get3A_115 : vector<16xf32>
      %mul3A_628 = arith.mulf %get3A_624, %add3A_627 : vector<16xf32>
      %swap3A_629 = arith.index_cast %add3A_579 : i32 to index
      %swap3A_630 = arith.constant 48 : index
      %swap3A_631 = tpu.vector_load %arg9[%swap3A_629, %swap3A_630] {strides = array<i32>} : memref<512x128xf32, #tpu.memory_space<vmem>>, vector<1x16xf32>,
      %swap3A_632 = vector.shape_cast %swap3A_631 : vector<1x16xf32> to vector<16xf32>
      %swap3A_633 = vector.shape_cast %mul3A_628 : vector<16xf32> to vector<1x16xf32>
      tpu.vector_store %arg9[%swap3A_629, %swap3A_630], %swap3A_633 {strides = array<i32>} : memref<512x128xf32, #tpu.memory_space<vmem>>, vector<1x16xf32>,
      %get3A_634 = arith.index_cast %add3A_579 : i32 to index
      %get3A_635 = arith.constant 64 : index
      %get3A_636 = tpu.vector_load %arg9[%get3A_634, %get3A_635] {strides = array<i32>} : memref<512x128xf32, #tpu.memory_space<vmem>>, vector<1x16xf32>,
      %get3A_637 = vector.shape_cast %get3A_636 : vector<1x16xf32> to vector<16xf32>
      %mul3A_638 = vector.broadcast %squeeze3A_581 : f32 to vector<16xf32>
      %mul3A_639 = arith.mulf %mul3A_638, %get3A_94 : vector<16xf32>
      %add3A_640 = arith.addf %mul3A_639, %get3A_118 : vector<16xf32>
      %mul3A_641 = arith.mulf %get3A_637, %add3A_640 : vector<16xf32>
      %swap3A_642 = arith.index_cast %add3A_579 : i32 to index
      %swap3A_643 = arith.constant 64 : index
      %swap3A_644 = tpu.vector_load %arg9[%swap3A_642, %swap3A_643] {strides = array<i32>} : memref<512x128xf32, #tpu.memory_space<vmem>>, vector<1x16xf32>,
      %swap3A_645 = vector.shape_cast %swap3A_644 : vector<1x16xf32> to vector<16xf32>
      %swap3A_646 = vector.shape_cast %mul3A_641 : vector<16xf32> to vector<1x16xf32>
      tpu.vector_store %arg9[%swap3A_642, %swap3A_643], %swap3A_646 {strides = array<i32>} : memref<512x128xf32, #tpu.memory_space<vmem>>, vector<1x16xf32>,
      %get3A_647 = arith.index_cast %add3A_579 : i32 to index
      %get3A_648 = arith.constant 80 : index
      %get3A_649 = tpu.vector_load %arg9[%get3A_647, %get3A_648] {strides = array<i32>} : memref<512x128xf32, #tpu.memory_space<vmem>>, vector<1x16xf32>,
      %get3A_650 = vector.shape_cast %get3A_649 : vector<1x16xf32> to vector<16xf32>
      %mul3A_651 = vector.broadcast %squeeze3A_581 : f32 to vector<16xf32>
      %mul3A_652 = arith.mulf %mul3A_651, %get3A_97 : vector<16xf32>
      %add3A_653 = arith.addf %mul3A_652, %get3A_121 : vector<16xf32>
      %mul3A_654 = arith.mulf %get3A_650, %add3A_653 : vector<16xf32>
      %swap3A_655 = arith.index_cast %add3A_579 : i32 to index
      %swap3A_656 = arith.constant 80 : index
      %swap3A_657 = tpu.vector_load %arg9[%swap3A_655, %swap3A_656] {strides = array<i32>} : memref<512x128xf32, #tpu.memory_space<vmem>>, vector<1x16xf32>,
      %swap3A_658 = vector.shape_cast %swap3A_657 : vector<1x16xf32> to vector<16xf32>
      %swap3A_659 = vector.shape_cast %mul3A_654 : vector<16xf32> to vector<1x16xf32>
      tpu.vector_store %arg9[%swap3A_655, %swap3A_656], %swap3A_659 {strides = array<i32>} : memref<512x128xf32, #tpu.memory_space<vmem>>, vector<1x16xf32>,
      %get3A_660 = arith.index_cast %add3A_579 : i32 to index
      %get3A_661 = arith.constant 96 : index
      %get3A_662 = tpu.vector_load %arg9[%get3A_660, %get3A_661] {strides = array<i32>} : memref<512x128xf32, #tpu.memory_space<vmem>>, vector<1x16xf32>,
      %get3A_663 = vector.shape_cast %get3A_662 : vector<1x16xf32> to vector<16xf32>
      %mul3A_664 = vector.broadcast %squeeze3A_581 : f32 to vector<16xf32>
      %mul3A_665 = arith.mulf %mul3A_664, %get3A_100 : vector<16xf32>
      %add3A_666 = arith.addf %mul3A_665, %get3A_124 : vector<16xf32>
      %mul3A_667 = arith.mulf %get3A_663, %add3A_666 : vector<16xf32>
      %swap3A_668 = arith.index_cast %add3A_579 : i32 to index
      %swap3A_669 = arith.constant 96 : index
      %swap3A_670 = tpu.vector_load %arg9[%swap3A_668, %swap3A_669] {strides = array<i32>} : memref<512x128xf32, #tpu.memory_space<vmem>>, vector<1x16xf32>,
      %swap3A_671 = vector.shape_cast %swap3A_670 : vector<1x16xf32> to vector<16xf32>
      %swap3A_672 = vector.shape_cast %mul3A_667 : vector<16xf32> to vector<1x16xf32>
      tpu.vector_store %arg9[%swap3A_668, %swap3A_669], %swap3A_672 {strides = array<i32>} : memref<512x128xf32, #tpu.memory_space<vmem>>, vector<1x16xf32>,
      %get3A_673 = arith.index_cast %add3A_579 : i32 to index
      %get3A_674 = arith.constant 112 : index
      %get3A_675 = tpu.vector_load %arg9[%get3A_673, %get3A_674] {strides = array<i32>} : memref<512x128xf32, #tpu.memory_space<vmem>>, vector<1x16xf32>,
      %get3A_676 = vector.shape_cast %get3A_675 : vector<1x16xf32> to vector<16xf32>
      %mul3A_677 = vector.broadcast %squeeze3A_581 : f32 to vector<16xf32>
      %mul3A_678 = arith.mulf %mul3A_677, %get3A_103 : vector<16xf32>
      %add3A_679 = arith.addf %mul3A_678, %get3A_127 : vector<16xf32>
      %mul3A_680 = arith.mulf %get3A_676, %add3A_679 : vector<16xf32>
      %swap3A_681 = arith.index_cast %add3A_579 : i32 to index
      %swap3A_682 = arith.constant 112 : index
      %swap3A_683 = tpu.vector_load %arg9[%swap3A_681, %swap3A_682] {strides = array<i32>} : memref<512x128xf32, #tpu.memory_space<vmem>>, vector<1x16xf32>,
      %swap3A_684 = vector.shape_cast %swap3A_683 : vector<1x16xf32> to vector<16xf32>
      %swap3A_685 = vector.shape_cast %mul3A_680 : vector<16xf32> to vector<1x16xf32>
      tpu.vector_store %arg9[%swap3A_681, %swap3A_682], %swap3A_685 {strides = array<i32>} : memref<512x128xf32, #tpu.memory_space<vmem>>, vector<1x16xf32>,
      %mul3A_686 = arith.constant 16 : i32
      %mul3A_687 = arith.muli %scan3A_133, %mul3A_686 : i32
      %add3A_688 = arith.constant 5 : i32
      %add3A_689 = arith.addi %mul3A_687, %add3A_688 : i32
      %slice3A_690 = vector.extract_strided_slice %get3A_138 {offsets = [5], sizes = [1], strides = [1]} : vector<16xf32> to vector<1xf32>
      %squeeze3A_691 = vector.extract %slice3A_690[0] : f32 from vector<1xf32>
      %get3A_692 = arith.index_cast %add3A_689 : i32 to index
      %get3A_693 = arith.constant 0 : index
      %get3A_694 = tpu.vector_load %arg9[%get3A_692, %get3A_693] {strides = array<i32>} : memref<512x128xf32, #tpu.memory_space<vmem>>, vector<1x16xf32>,
      %get3A_695 = vector.shape_cast %get3A_694 : vector<1x16xf32> to vector<16xf32>
      %mul3A_696 = vector.broadcast %squeeze3A_691 : f32 to vector<16xf32>
      %mul3A_697 = arith.mulf %mul3A_696, %get3A_82 : vector<16xf32>
      %add3A_698 = arith.addf %mul3A_697, %get3A_106 : vector<16xf32>
      %mul3A_699 = arith.mulf %get3A_695, %add3A_698 : vector<16xf32>
      %swap3A_700 = arith.index_cast %add3A_689 : i32 to index
      %swap3A_701 = arith.constant 0 : index
      %swap3A_702 = tpu.vector_load %arg9[%swap3A_700, %swap3A_701] {strides = array<i32>} : memref<512x128xf32, #tpu.memory_space<vmem>>, vector<1x16xf32>,
      %swap3A_703 = vector.shape_cast %swap3A_702 : vector<1x16xf32> to vector<16xf32>
      %swap3A_704 = vector.shape_cast %mul3A_699 : vector<16xf32> to vector<1x16xf32>
      tpu.vector_store %arg9[%swap3A_700, %swap3A_701], %swap3A_704 {strides = array<i32>} : memref<512x128xf32, #tpu.memory_space<vmem>>, vector<1x16xf32>,
      %get3A_705 = arith.index_cast %add3A_689 : i32 to index
      %get3A_706 = arith.constant 16 : index
      %get3A_707 = tpu.vector_load %arg9[%get3A_705, %get3A_706] {strides = array<i32>} : memref<512x128xf32, #tpu.memory_space<vmem>>, vector<1x16xf32>,
      %get3A_708 = vector.shape_cast %get3A_707 : vector<1x16xf32> to vector<16xf32>
      %mul3A_709 = vector.broadcast %squeeze3A_691 : f32 to vector<16xf32>
      %mul3A_710 = arith.mulf %mul3A_709, %get3A_85 : vector<16xf32>
      %add3A_711 = arith.addf %mul3A_710, %get3A_109 : vector<16xf32>
      %mul3A_712 = arith.mulf %get3A_708, %add3A_711 : vector<16xf32>
      %swap3A_713 = arith.index_cast %add3A_689 : i32 to index
      %swap3A_714 = arith.constant 16 : index
      %swap3A_715 = tpu.vector_load %arg9[%swap3A_713, %swap3A_714] {strides = array<i32>} : memref<512x128xf32, #tpu.memory_space<vmem>>, vector<1x16xf32>,
      %swap3A_716 = vector.shape_cast %swap3A_715 : vector<1x16xf32> to vector<16xf32>
      %swap3A_717 = vector.shape_cast %mul3A_712 : vector<16xf32> to vector<1x16xf32>
      tpu.vector_store %arg9[%swap3A_713, %swap3A_714], %swap3A_717 {strides = array<i32>} : memref<512x128xf32, #tpu.memory_space<vmem>>, vector<1x16xf32>,
      %get3A_718 = arith.index_cast %add3A_689 : i32 to index
      %get3A_719 = arith.constant 32 : index
      %get3A_720 = tpu.vector_load %arg9[%get3A_718, %get3A_719] {strides = array<i32>} : memref<512x128xf32, #tpu.memory_space<vmem>>, vector<1x16xf32>,
      %get3A_721 = vector.shape_cast %get3A_720 : vector<1x16xf32> to vector<16xf32>
      %mul3A_722 = vector.broadcast %squeeze3A_691 : f32 to vector<16xf32>
      %mul3A_723 = arith.mulf %mul3A_722, %get3A_88 : vector<16xf32>
      %add3A_724 = arith.addf %mul3A_723, %get3A_112 : vector<16xf32>
      %mul3A_725 = arith.mulf %get3A_721, %add3A_724 : vector<16xf32>
      %swap3A_726 = arith.index_cast %add3A_689 : i32 to index
      %swap3A_727 = arith.constant 32 : index
      %swap3A_728 = tpu.vector_load %arg9[%swap3A_726, %swap3A_727] {strides = array<i32>} : memref<512x128xf32, #tpu.memory_space<vmem>>, vector<1x16xf32>,
      %swap3A_729 = vector.shape_cast %swap3A_728 : vector<1x16xf32> to vector<16xf32>
      %swap3A_730 = vector.shape_cast %mul3A_725 : vector<16xf32> to vector<1x16xf32>
      tpu.vector_store %arg9[%swap3A_726, %swap3A_727], %swap3A_730 {strides = array<i32>} : memref<512x128xf32, #tpu.memory_space<vmem>>, vector<1x16xf32>,
      %get3A_731 = arith.index_cast %add3A_689 : i32 to index
      %get3A_732 = arith.constant 48 : index
      %get3A_733 = tpu.vector_load %arg9[%get3A_731, %get3A_732] {strides = array<i32>} : memref<512x128xf32, #tpu.memory_space<vmem>>, vector<1x16xf32>,
      %get3A_734 = vector.shape_cast %get3A_733 : vector<1x16xf32> to vector<16xf32>
      %mul3A_735 = vector.broadcast %squeeze3A_691 : f32 to vector<16xf32>
      %mul3A_736 = arith.mulf %mul3A_735, %get3A_91 : vector<16xf32>
      %add3A_737 = arith.addf %mul3A_736, %get3A_115 : vector<16xf32>
      %mul3A_738 = arith.mulf %get3A_734, %add3A_737 : vector<16xf32>
      %swap3A_739 = arith.index_cast %add3A_689 : i32 to index
      %swap3A_740 = arith.constant 48 : index
      %swap3A_741 = tpu.vector_load %arg9[%swap3A_739, %swap3A_740] {strides = array<i32>} : memref<512x128xf32, #tpu.memory_space<vmem>>, vector<1x16xf32>,
      %swap3A_742 = vector.shape_cast %swap3A_741 : vector<1x16xf32> to vector<16xf32>
      %swap3A_743 = vector.shape_cast %mul3A_738 : vector<16xf32> to vector<1x16xf32>
      tpu.vector_store %arg9[%swap3A_739, %swap3A_740], %swap3A_743 {strides = array<i32>} : memref<512x128xf32, #tpu.memory_space<vmem>>, vector<1x16xf32>,
      %get3A_744 = arith.index_cast %add3A_689 : i32 to index
      %get3A_745 = arith.constant 64 : index
      %get3A_746 = tpu.vector_load %arg9[%get3A_744, %get3A_745] {strides = array<i32>} : memref<512x128xf32, #tpu.memory_space<vmem>>, vector<1x16xf32>,
      %get3A_747 = vector.shape_cast %get3A_746 : vector<1x16xf32> to vector<16xf32>
      %mul3A_748 = vector.broadcast %squeeze3A_691 : f32 to vector<16xf32>
      %mul3A_749 = arith.mulf %mul3A_748, %get3A_94 : vector<16xf32>
      %add3A_750 = arith.addf %mul3A_749, %get3A_118 : vector<16xf32>
      %mul3A_751 = arith.mulf %get3A_747, %add3A_750 : vector<16xf32>
      %swap3A_752 = arith.index_cast %add3A_689 : i32 to index
      %swap3A_753 = arith.constant 64 : index
      %swap3A_754 = tpu.vector_load %arg9[%swap3A_752, %swap3A_753] {strides = array<i32>} : memref<512x128xf32, #tpu.memory_space<vmem>>, vector<1x16xf32>,
      %swap3A_755 = vector.shape_cast %swap3A_754 : vector<1x16xf32> to vector<16xf32>
      %swap3A_756 = vector.shape_cast %mul3A_751 : vector<16xf32> to vector<1x16xf32>
      tpu.vector_store %arg9[%swap3A_752, %swap3A_753], %swap3A_756 {strides = array<i32>} : memref<512x128xf32, #tpu.memory_space<vmem>>, vector<1x16xf32>,
      %get3A_757 = arith.index_cast %add3A_689 : i32 to index
      %get3A_758 = arith.constant 80 : index
      %get3A_759 = tpu.vector_load %arg9[%get3A_757, %get3A_758] {strides = array<i32>} : memref<512x128xf32, #tpu.memory_space<vmem>>, vector<1x16xf32>,
      %get3A_760 = vector.shape_cast %get3A_759 : vector<1x16xf32> to vector<16xf32>
      %mul3A_761 = vector.broadcast %squeeze3A_691 : f32 to vector<16xf32>
      %mul3A_762 = arith.mulf %mul3A_761, %get3A_97 : vector<16xf32>
      %add3A_763 = arith.addf %mul3A_762, %get3A_121 : vector<16xf32>
      %mul3A_764 = arith.mulf %get3A_760, %add3A_763 : vector<16xf32>
      %swap3A_765 = arith.index_cast %add3A_689 : i32 to index
      %swap3A_766 = arith.constant 80 : index
      %swap3A_767 = tpu.vector_load %arg9[%swap3A_765, %swap3A_766] {strides = array<i32>} : memref<512x128xf32, #tpu.memory_space<vmem>>, vector<1x16xf32>,
      %swap3A_768 = vector.shape_cast %swap3A_767 : vector<1x16xf32> to vector<16xf32>
      %swap3A_769 = vector.shape_cast %mul3A_764 : vector<16xf32> to vector<1x16xf32>
      tpu.vector_store %arg9[%swap3A_765, %swap3A_766], %swap3A_769 {strides = array<i32>} : memref<512x128xf32, #tpu.memory_space<vmem>>, vector<1x16xf32>,
      %get3A_770 = arith.index_cast %add3A_689 : i32 to index
      %get3A_771 = arith.constant 96 : index
      %get3A_772 = tpu.vector_load %arg9[%get3A_770, %get3A_771] {strides = array<i32>} : memref<512x128xf32, #tpu.memory_space<vmem>>, vector<1x16xf32>,
      %get3A_773 = vector.shape_cast %get3A_772 : vector<1x16xf32> to vector<16xf32>
      %mul3A_774 = vector.broadcast %squeeze3A_691 : f32 to vector<16xf32>
      %mul3A_775 = arith.mulf %mul3A_774, %get3A_100 : vector<16xf32>
      %add3A_776 = arith.addf %mul3A_775, %get3A_124 : vector<16xf32>
      %mul3A_777 = arith.mulf %get3A_773, %add3A_776 : vector<16xf32>
      %swap3A_778 = arith.index_cast %add3A_689 : i32 to index
      %swap3A_779 = arith.constant 96 : index
      %swap3A_780 = tpu.vector_load %arg9[%swap3A_778, %swap3A_779] {strides = array<i32>} : memref<512x128xf32, #tpu.memory_space<vmem>>, vector<1x16xf32>,
      %swap3A_781 = vector.shape_cast %swap3A_780 : vector<1x16xf32> to vector<16xf32>
      %swap3A_782 = vector.shape_cast %mul3A_777 : vector<16xf32> to vector<1x16xf32>
      tpu.vector_store %arg9[%swap3A_778, %swap3A_779], %swap3A_782 {strides = array<i32>} : memref<512x128xf32, #tpu.memory_space<vmem>>, vector<1x16xf32>,
      %get3A_783 = arith.index_cast %add3A_689 : i32 to index
      %get3A_784 = arith.constant 112 : index
      %get3A_785 = tpu.vector_load %arg9[%get3A_783, %get3A_784] {strides = array<i32>} : memref<512x128xf32, #tpu.memory_space<vmem>>, vector<1x16xf32>,
      %get3A_786 = vector.shape_cast %get3A_785 : vector<1x16xf32> to vector<16xf32>
      %mul3A_787 = vector.broadcast %squeeze3A_691 : f32 to vector<16xf32>
      %mul3A_788 = arith.mulf %mul3A_787, %get3A_103 : vector<16xf32>
      %add3A_789 = arith.addf %mul3A_788, %get3A_127 : vector<16xf32>
      %mul3A_790 = arith.mulf %get3A_786, %add3A_789 : vector<16xf32>
      %swap3A_791 = arith.index_cast %add3A_689 : i32 to index
      %swap3A_792 = arith.constant 112 : index
      %swap3A_793 = tpu.vector_load %arg9[%swap3A_791, %swap3A_792] {strides = array<i32>} : memref<512x128xf32, #tpu.memory_space<vmem>>, vector<1x16xf32>,
      %swap3A_794 = vector.shape_cast %swap3A_793 : vector<1x16xf32> to vector<16xf32>
      %swap3A_795 = vector.shape_cast %mul3A_790 : vector<16xf32> to vector<1x16xf32>
      tpu.vector_store %arg9[%swap3A_791, %swap3A_792], %swap3A_795 {strides = array<i32>} : memref<512x128xf32, #tpu.memory_space<vmem>>, vector<1x16xf32>,
      %mul3A_796 = arith.constant 16 : i32
      %mul3A_797 = arith.muli %scan3A_133, %mul3A_796 : i32
      %add3A_798 = arith.constant 6 : i32
      %add3A_799 = arith.addi %mul3A_797, %add3A_798 : i32
      %slice3A_800 = vector.extract_strided_slice %get3A_138 {offsets = [6], sizes = [1], strides = [1]} : vector<16xf32> to vector<1xf32>
      %squeeze3A_801 = vector.extract %slice3A_800[0] : f32 from vector<1xf32>
      %get3A_802 = arith.index_cast %add3A_799 : i32 to index
      %get3A_803 = arith.constant 0 : index
      %get3A_804 = tpu.vector_load %arg9[%get3A_802, %get3A_803] {strides = array<i32>} : memref<512x128xf32, #tpu.memory_space<vmem>>, vector<1x16xf32>,
      %get3A_805 = vector.shape_cast %get3A_804 : vector<1x16xf32> to vector<16xf32>
      %mul3A_806 = vector.broadcast %squeeze3A_801 : f32 to vector<16xf32>
      %mul3A_807 = arith.mulf %mul3A_806, %get3A_82 : vector<16xf32>
      %add3A_808 = arith.addf %mul3A_807, %get3A_106 : vector<16xf32>
      %mul3A_809 = arith.mulf %get3A_805, %add3A_808 : vector<16xf32>
      %swap3A_810 = arith.index_cast %add3A_799 : i32 to index
      %swap3A_811 = arith.constant 0 : index
      %swap3A_812 = tpu.vector_load %arg9[%swap3A_810, %swap3A_811] {strides = array<i32>} : memref<512x128xf32, #tpu.memory_space<vmem>>, vector<1x16xf32>,
      %swap3A_813 = vector.shape_cast %swap3A_812 : vector<1x16xf32> to vector<16xf32>
      %swap3A_814 = vector.shape_cast %mul3A_809 : vector<16xf32> to vector<1x16xf32>
      tpu.vector_store %arg9[%swap3A_810, %swap3A_811], %swap3A_814 {strides = array<i32>} : memref<512x128xf32, #tpu.memory_space<vmem>>, vector<1x16xf32>,
      %get3A_815 = arith.index_cast %add3A_799 : i32 to index
      %get3A_816 = arith.constant 16 : index
      %get3A_817 = tpu.vector_load %arg9[%get3A_815, %get3A_816] {strides = array<i32>} : memref<512x128xf32, #tpu.memory_space<vmem>>, vector<1x16xf32>,
      %get3A_818 = vector.shape_cast %get3A_817 : vector<1x16xf32> to vector<16xf32>
      %mul3A_819 = vector.broadcast %squeeze3A_801 : f32 to vector<16xf32>
      %mul3A_820 = arith.mulf %mul3A_819, %get3A_85 : vector<16xf32>
      %add3A_821 = arith.addf %mul3A_820, %get3A_109 : vector<16xf32>
      %mul3A_822 = arith.mulf %get3A_818, %add3A_821 : vector<16xf32>
      %swap3A_823 = arith.index_cast %add3A_799 : i32 to index
      %swap3A_824 = arith.constant 16 : index
      %swap3A_825 = tpu.vector_load %arg9[%swap3A_823, %swap3A_824] {strides = array<i32>} : memref<512x128xf32, #tpu.memory_space<vmem>>, vector<1x16xf32>,
      %swap3A_826 = vector.shape_cast %swap3A_825 : vector<1x16xf32> to vector<16xf32>
      %swap3A_827 = vector.shape_cast %mul3A_822 : vector<16xf32> to vector<1x16xf32>
      tpu.vector_store %arg9[%swap3A_823, %swap3A_824], %swap3A_827 {strides = array<i32>} : memref<512x128xf32, #tpu.memory_space<vmem>>, vector<1x16xf32>,
      %get3A_828 = arith.index_cast %add3A_799 : i32 to index
      %get3A_829 = arith.constant 32 : index
      %get3A_830 = tpu.vector_load %arg9[%get3A_828, %get3A_829] {strides = array<i32>} : memref<512x128xf32, #tpu.memory_space<vmem>>, vector<1x16xf32>,
      %get3A_831 = vector.shape_cast %get3A_830 : vector<1x16xf32> to vector<16xf32>
      %mul3A_832 = vector.broadcast %squeeze3A_801 : f32 to vector<16xf32>
      %mul3A_833 = arith.mulf %mul3A_832, %get3A_88 : vector<16xf32>
      %add3A_834 = arith.addf %mul3A_833, %get3A_112 : vector<16xf32>
      %mul3A_835 = arith.mulf %get3A_831, %add3A_834 : vector<16xf32>
      %swap3A_836 = arith.index_cast %add3A_799 : i32 to index
      %swap3A_837 = arith.constant 32 : index
      %swap3A_838 = tpu.vector_load %arg9[%swap3A_836, %swap3A_837] {strides = array<i32>} : memref<512x128xf32, #tpu.memory_space<vmem>>, vector<1x16xf32>,
      %swap3A_839 = vector.shape_cast %swap3A_838 : vector<1x16xf32> to vector<16xf32>
      %swap3A_840 = vector.shape_cast %mul3A_835 : vector<16xf32> to vector<1x16xf32>
      tpu.vector_store %arg9[%swap3A_836, %swap3A_837], %swap3A_840 {strides = array<i32>} : memref<512x128xf32, #tpu.memory_space<vmem>>, vector<1x16xf32>,
      %get3A_841 = arith.index_cast %add3A_799 : i32 to index
      %get3A_842 = arith.constant 48 : index
      %get3A_843 = tpu.vector_load %arg9[%get3A_841, %get3A_842] {strides = array<i32>} : memref<512x128xf32, #tpu.memory_space<vmem>>, vector<1x16xf32>,
      %get3A_844 = vector.shape_cast %get3A_843 : vector<1x16xf32> to vector<16xf32>
      %mul3A_845 = vector.broadcast %squeeze3A_801 : f32 to vector<16xf32>
      %mul3A_846 = arith.mulf %mul3A_845, %get3A_91 : vector<16xf32>
      %add3A_847 = arith.addf %mul3A_846, %get3A_115 : vector<16xf32>
      %mul3A_848 = arith.mulf %get3A_844, %add3A_847 : vector<16xf32>
      %swap3A_849 = arith.index_cast %add3A_799 : i32 to index
      %swap3A_850 = arith.constant 48 : index
      %swap3A_851 = tpu.vector_load %arg9[%swap3A_849, %swap3A_850] {strides = array<i32>} : memref<512x128xf32, #tpu.memory_space<vmem>>, vector<1x16xf32>,
      %swap3A_852 = vector.shape_cast %swap3A_851 : vector<1x16xf32> to vector<16xf32>
      %swap3A_853 = vector.shape_cast %mul3A_848 : vector<16xf32> to vector<1x16xf32>
      tpu.vector_store %arg9[%swap3A_849, %swap3A_850], %swap3A_853 {strides = array<i32>} : memref<512x128xf32, #tpu.memory_space<vmem>>, vector<1x16xf32>,
      %get3A_854 = arith.index_cast %add3A_799 : i32 to index
      %get3A_855 = arith.constant 64 : index
      %get3A_856 = tpu.vector_load %arg9[%get3A_854, %get3A_855] {strides = array<i32>} : memref<512x128xf32, #tpu.memory_space<vmem>>, vector<1x16xf32>,
      %get3A_857 = vector.shape_cast %get3A_856 : vector<1x16xf32> to vector<16xf32>
      %mul3A_858 = vector.broadcast %squeeze3A_801 : f32 to vector<16xf32>
      %mul3A_859 = arith.mulf %mul3A_858, %get3A_94 : vector<16xf32>
      %add3A_860 = arith.addf %mul3A_859, %get3A_118 : vector<16xf32>
      %mul3A_861 = arith.mulf %get3A_857, %add3A_860 : vector<16xf32>
      %swap3A_862 = arith.index_cast %add3A_799 : i32 to index
      %swap3A_863 = arith.constant 64 : index
      %swap3A_864 = tpu.vector_load %arg9[%swap3A_862, %swap3A_863] {strides = array<i32>} : memref<512x128xf32, #tpu.memory_space<vmem>>, vector<1x16xf32>,
      %swap3A_865 = vector.shape_cast %swap3A_864 : vector<1x16xf32> to vector<16xf32>
      %swap3A_866 = vector.shape_cast %mul3A_861 : vector<16xf32> to vector<1x16xf32>
      tpu.vector_store %arg9[%swap3A_862, %swap3A_863], %swap3A_866 {strides = array<i32>} : memref<512x128xf32, #tpu.memory_space<vmem>>, vector<1x16xf32>,
      %get3A_867 = arith.index_cast %add3A_799 : i32 to index
      %get3A_868 = arith.constant 80 : index
      %get3A_869 = tpu.vector_load %arg9[%get3A_867, %get3A_868] {strides = array<i32>} : memref<512x128xf32, #tpu.memory_space<vmem>>, vector<1x16xf32>,
      %get3A_870 = vector.shape_cast %get3A_869 : vector<1x16xf32> to vector<16xf32>
      %mul3A_871 = vector.broadcast %squeeze3A_801 : f32 to vector<16xf32>
      %mul3A_872 = arith.mulf %mul3A_871, %get3A_97 : vector<16xf32>
      %add3A_873 = arith.addf %mul3A_872, %get3A_121 : vector<16xf32>
      %mul3A_874 = arith.mulf %get3A_870, %add3A_873 : vector<16xf32>
      %swap3A_875 = arith.index_cast %add3A_799 : i32 to index
      %swap3A_876 = arith.constant 80 : index
      %swap3A_877 = tpu.vector_load %arg9[%swap3A_875, %swap3A_876] {strides = array<i32>} : memref<512x128xf32, #tpu.memory_space<vmem>>, vector<1x16xf32>,
      %swap3A_878 = vector.shape_cast %swap3A_877 : vector<1x16xf32> to vector<16xf32>
      %swap3A_879 = vector.shape_cast %mul3A_874 : vector<16xf32> to vector<1x16xf32>
      tpu.vector_store %arg9[%swap3A_875, %swap3A_876], %swap3A_879 {strides = array<i32>} : memref<512x128xf32, #tpu.memory_space<vmem>>, vector<1x16xf32>,
      %get3A_880 = arith.index_cast %add3A_799 : i32 to index
      %get3A_881 = arith.constant 96 : index
      %get3A_882 = tpu.vector_load %arg9[%get3A_880, %get3A_881] {strides = array<i32>} : memref<512x128xf32, #tpu.memory_space<vmem>>, vector<1x16xf32>,
      %get3A_883 = vector.shape_cast %get3A_882 : vector<1x16xf32> to vector<16xf32>
      %mul3A_884 = vector.broadcast %squeeze3A_801 : f32 to vector<16xf32>
      %mul3A_885 = arith.mulf %mul3A_884, %get3A_100 : vector<16xf32>
      %add3A_886 = arith.addf %mul3A_885, %get3A_124 : vector<16xf32>
      %mul3A_887 = arith.mulf %get3A_883, %add3A_886 : vector<16xf32>
      %swap3A_888 = arith.index_cast %add3A_799 : i32 to index
      %swap3A_889 = arith.constant 96 : index
      %swap3A_890 = tpu.vector_load %arg9[%swap3A_888, %swap3A_889] {strides = array<i32>} : memref<512x128xf32, #tpu.memory_space<vmem>>, vector<1x16xf32>,
      %swap3A_891 = vector.shape_cast %swap3A_890 : vector<1x16xf32> to vector<16xf32>
      %swap3A_892 = vector.shape_cast %mul3A_887 : vector<16xf32> to vector<1x16xf32>
      tpu.vector_store %arg9[%swap3A_888, %swap3A_889], %swap3A_892 {strides = array<i32>} : memref<512x128xf32, #tpu.memory_space<vmem>>, vector<1x16xf32>,
      %get3A_893 = arith.index_cast %add3A_799 : i32 to index
      %get3A_894 = arith.constant 112 : index
      %get3A_895 = tpu.vector_load %arg9[%get3A_893, %get3A_894] {strides = array<i32>} : memref<512x128xf32, #tpu.memory_space<vmem>>, vector<1x16xf32>,
      %get3A_896 = vector.shape_cast %get3A_895 : vector<1x16xf32> to vector<16xf32>
      %mul3A_897 = vector.broadcast %squeeze3A_801 : f32 to vector<16xf32>
      %mul3A_898 = arith.mulf %mul3A_897, %get3A_103 : vector<16xf32>
      %add3A_899 = arith.addf %mul3A_898, %get3A_127 : vector<16xf32>
      %mul3A_900 = arith.mulf %get3A_896, %add3A_899 : vector<16xf32>
      %swap3A_901 = arith.index_cast %add3A_799 : i32 to index
      %swap3A_902 = arith.constant 112 : index
      %swap3A_903 = tpu.vector_load %arg9[%swap3A_901, %swap3A_902] {strides = array<i32>} : memref<512x128xf32, #tpu.memory_space<vmem>>, vector<1x16xf32>,
      %swap3A_904 = vector.shape_cast %swap3A_903 : vector<1x16xf32> to vector<16xf32>
      %swap3A_905 = vector.shape_cast %mul3A_900 : vector<16xf32> to vector<1x16xf32>
      tpu.vector_store %arg9[%swap3A_901, %swap3A_902], %swap3A_905 {strides = array<i32>} : memref<512x128xf32, #tpu.memory_space<vmem>>, vector<1x16xf32>,
      %mul3A_906 = arith.constant 16 : i32
      %mul3A_907 = arith.muli %scan3A_133, %mul3A_906 : i32
      %add3A_908 = arith.constant 7 : i32
      %add3A_909 = arith.addi %mul3A_907, %add3A_908 : i32
      %slice3A_910 = vector.extract_strided_slice %get3A_138 {offsets = [7], sizes = [1], strides = [1]} : vector<16xf32> to vector<1xf32>
      %squeeze3A_911 = vector.extract %slice3A_910[0] : f32 from vector<1xf32>
      %get3A_912 = arith.index_cast %add3A_909 : i32 to index
      %get3A_913 = arith.constant 0 : index
      %get3A_914 = tpu.vector_load %arg9[%get3A_912, %get3A_913] {strides = array<i32>} : memref<512x128xf32, #tpu.memory_space<vmem>>, vector<1x16xf32>,
      %get3A_915 = vector.shape_cast %get3A_914 : vector<1x16xf32> to vector<16xf32>
      %mul3A_916 = vector.broadcast %squeeze3A_911 : f32 to vector<16xf32>
      %mul3A_917 = arith.mulf %mul3A_916, %get3A_82 : vector<16xf32>
      %add3A_918 = arith.addf %mul3A_917, %get3A_106 : vector<16xf32>
      %mul3A_919 = arith.mulf %get3A_915, %add3A_918 : vector<16xf32>
      %swap3A_920 = arith.index_cast %add3A_909 : i32 to index
      %swap3A_921 = arith.constant 0 : index
      %swap3A_922 = tpu.vector_load %arg9[%swap3A_920, %swap3A_921] {strides = array<i32>} : memref<512x128xf32, #tpu.memory_space<vmem>>, vector<1x16xf32>,
      %swap3A_923 = vector.shape_cast %swap3A_922 : vector<1x16xf32> to vector<16xf32>
      %swap3A_924 = vector.shape_cast %mul3A_919 : vector<16xf32> to vector<1x16xf32>
      tpu.vector_store %arg9[%swap3A_920, %swap3A_921], %swap3A_924 {strides = array<i32>} : memref<512x128xf32, #tpu.memory_space<vmem>>, vector<1x16xf32>,
      %get3A_925 = arith.index_cast %add3A_909 : i32 to index
      %get3A_926 = arith.constant 16 : index
      %get3A_927 = tpu.vector_load %arg9[%get3A_925, %get3A_926] {strides = array<i32>} : memref<512x128xf32, #tpu.memory_space<vmem>>, vector<1x16xf32>,
      %get3A_928 = vector.shape_cast %get3A_927 : vector<1x16xf32> to vector<16xf32>
      %mul3A_929 = vector.broadcast %squeeze3A_911 : f32 to vector<16xf32>
      %mul3A_930 = arith.mulf %mul3A_929, %get3A_85 : vector<16xf32>
      %add3A_931 = arith.addf %mul3A_930, %get3A_109 : vector<16xf32>
      %mul3A_932 = arith.mulf %get3A_928, %add3A_931 : vector<16xf32>
      %swap3A_933 = arith.index_cast %add3A_909 : i32 to index
      %swap3A_934 = arith.constant 16 : index
      %swap3A_935 = tpu.vector_load %arg9[%swap3A_933, %swap3A_934] {strides = array<i32>} : memref<512x128xf32, #tpu.memory_space<vmem>>, vector<1x16xf32>,
      %swap3A_936 = vector.shape_cast %swap3A_935 : vector<1x16xf32> to vector<16xf32>
      %swap3A_937 = vector.shape_cast %mul3A_932 : vector<16xf32> to vector<1x16xf32>
      tpu.vector_store %arg9[%swap3A_933, %swap3A_934], %swap3A_937 {strides = array<i32>} : memref<512x128xf32, #tpu.memory_space<vmem>>, vector<1x16xf32>,
      %get3A_938 = arith.index_cast %add3A_909 : i32 to index
      %get3A_939 = arith.constant 32 : index
      %get3A_940 = tpu.vector_load %arg9[%get3A_938, %get3A_939] {strides = array<i32>} : memref<512x128xf32, #tpu.memory_space<vmem>>, vector<1x16xf32>,
      %get3A_941 = vector.shape_cast %get3A_940 : vector<1x16xf32> to vector<16xf32>
      %mul3A_942 = vector.broadcast %squeeze3A_911 : f32 to vector<16xf32>
      %mul3A_943 = arith.mulf %mul3A_942, %get3A_88 : vector<16xf32>
      %add3A_944 = arith.addf %mul3A_943, %get3A_112 : vector<16xf32>
      %mul3A_945 = arith.mulf %get3A_941, %add3A_944 : vector<16xf32>
      %swap3A_946 = arith.index_cast %add3A_909 : i32 to index
      %swap3A_947 = arith.constant 32 : index
      %swap3A_948 = tpu.vector_load %arg9[%swap3A_946, %swap3A_947] {strides = array<i32>} : memref<512x128xf32, #tpu.memory_space<vmem>>, vector<1x16xf32>,
      %swap3A_949 = vector.shape_cast %swap3A_948 : vector<1x16xf32> to vector<16xf32>
      %swap3A_950 = vector.shape_cast %mul3A_945 : vector<16xf32> to vector<1x16xf32>
      tpu.vector_store %arg9[%swap3A_946, %swap3A_947], %swap3A_950 {strides = array<i32>} : memref<512x128xf32, #tpu.memory_space<vmem>>, vector<1x16xf32>,
      %get3A_951 = arith.index_cast %add3A_909 : i32 to index
      %get3A_952 = arith.constant 48 : index
      %get3A_953 = tpu.vector_load %arg9[%get3A_951, %get3A_952] {strides = array<i32>} : memref<512x128xf32, #tpu.memory_space<vmem>>, vector<1x16xf32>,
      %get3A_954 = vector.shape_cast %get3A_953 : vector<1x16xf32> to vector<16xf32>
      %mul3A_955 = vector.broadcast %squeeze3A_911 : f32 to vector<16xf32>
      %mul3A_956 = arith.mulf %mul3A_955, %get3A_91 : vector<16xf32>
      %add3A_957 = arith.addf %mul3A_956, %get3A_115 : vector<16xf32>
      %mul3A_958 = arith.mulf %get3A_954, %add3A_957 : vector<16xf32>
      %swap3A_959 = arith.index_cast %add3A_909 : i32 to index
      %swap3A_960 = arith.constant 48 : index
      %swap3A_961 = tpu.vector_load %arg9[%swap3A_959, %swap3A_960] {strides = array<i32>} : memref<512x128xf32, #tpu.memory_space<vmem>>, vector<1x16xf32>,
      %swap3A_962 = vector.shape_cast %swap3A_961 : vector<1x16xf32> to vector<16xf32>
      %swap3A_963 = vector.shape_cast %mul3A_958 : vector<16xf32> to vector<1x16xf32>
      tpu.vector_store %arg9[%swap3A_959, %swap3A_960], %swap3A_963 {strides = array<i32>} : memref<512x128xf32, #tpu.memory_space<vmem>>, vector<1x16xf32>,
      %get3A_964 = arith.index_cast %add3A_909 : i32 to index
      %get3A_965 = arith.constant 64 : index
      %get3A_966 = tpu.vector_load %arg9[%get3A_964, %get3A_965] {strides = array<i32>} : memref<512x128xf32, #tpu.memory_space<vmem>>, vector<1x16xf32>,
      %get3A_967 = vector.shape_cast %get3A_966 : vector<1x16xf32> to vector<16xf32>
      %mul3A_968 = vector.broadcast %squeeze3A_911 : f32 to vector<16xf32>
      %mul3A_969 = arith.mulf %mul3A_968, %get3A_94 : vector<16xf32>
      %add3A_970 = arith.addf %mul3A_969, %get3A_118 : vector<16xf32>
      %mul3A_971 = arith.mulf %get3A_967, %add3A_970 : vector<16xf32>
      %swap3A_972 = arith.index_cast %add3A_909 : i32 to index
      %swap3A_973 = arith.constant 64 : index
      %swap3A_974 = tpu.vector_load %arg9[%swap3A_972, %swap3A_973] {strides = array<i32>} : memref<512x128xf32, #tpu.memory_space<vmem>>, vector<1x16xf32>,
      %swap3A_975 = vector.shape_cast %swap3A_974 : vector<1x16xf32> to vector<16xf32>
      %swap3A_976 = vector.shape_cast %mul3A_971 : vector<16xf32> to vector<1x16xf32>
      tpu.vector_store %arg9[%swap3A_972, %swap3A_973], %swap3A_976 {strides = array<i32>} : memref<512x128xf32, #tpu.memory_space<vmem>>, vector<1x16xf32>,
      %get3A_977 = arith.index_cast %add3A_909 : i32 to index
      %get3A_978 = arith.constant 80 : index
      %get3A_979 = tpu.vector_load %arg9[%get3A_977, %get3A_978] {strides = array<i32>} : memref<512x128xf32, #tpu.memory_space<vmem>>, vector<1x16xf32>,
      %get3A_980 = vector.shape_cast %get3A_979 : vector<1x16xf32> to vector<16xf32>
      %mul3A_981 = vector.broadcast %squeeze3A_911 : f32 to vector<16xf32>
      %mul3A_982 = arith.mulf %mul3A_981, %get3A_97 : vector<16xf32>
      %add3A_983 = arith.addf %mul3A_982, %get3A_121 : vector<16xf32>
      %mul3A_984 = arith.mulf %get3A_980, %add3A_983 : vector<16xf32>
      %swap3A_985 = arith.index_cast %add3A_909 : i32 to index
      %swap3A_986 = arith.constant 80 : index
      %swap3A_987 = tpu.vector_load %arg9[%swap3A_985, %swap3A_986] {strides = array<i32>} : memref<512x128xf32, #tpu.memory_space<vmem>>, vector<1x16xf32>,
      %swap3A_988 = vector.shape_cast %swap3A_987 : vector<1x16xf32> to vector<16xf32>
      %swap3A_989 = vector.shape_cast %mul3A_984 : vector<16xf32> to vector<1x16xf32>
      tpu.vector_store %arg9[%swap3A_985, %swap3A_986], %swap3A_989 {strides = array<i32>} : memref<512x128xf32, #tpu.memory_space<vmem>>, vector<1x16xf32>,
      %get3A_990 = arith.index_cast %add3A_909 : i32 to index
      %get3A_991 = arith.constant 96 : index
      %get3A_992 = tpu.vector_load %arg9[%get3A_990, %get3A_991] {strides = array<i32>} : memref<512x128xf32, #tpu.memory_space<vmem>>, vector<1x16xf32>,
      %get3A_993 = vector.shape_cast %get3A_992 : vector<1x16xf32> to vector<16xf32>
      %mul3A_994 = vector.broadcast %squeeze3A_911 : f32 to vector<16xf32>
      %mul3A_995 = arith.mulf %mul3A_994, %get3A_100 : vector<16xf32>
      %add3A_996 = arith.addf %mul3A_995, %get3A_124 : vector<16xf32>
      %mul3A_997 = arith.mulf %get3A_993, %add3A_996 : vector<16xf32>
      %swap3A_998 = arith.index_cast %add3A_909 : i32 to index
      %swap3A_999 = arith.constant 96 : index
      %swap3A_1000 = tpu.vector_load %arg9[%swap3A_998, %swap3A_999] {strides = array<i32>} : memref<512x128xf32, #tpu.memory_space<vmem>>, vector<1x16xf32>,
      %swap3A_1001 = vector.shape_cast %swap3A_1000 : vector<1x16xf32> to vector<16xf32>
      %swap3A_1002 = vector.shape_cast %mul3A_997 : vector<16xf32> to vector<1x16xf32>
      tpu.vector_store %arg9[%swap3A_998, %swap3A_999], %swap3A_1002 {strides = array<i32>} : memref<512x128xf32, #tpu.memory_space<vmem>>, vector<1x16xf32>,
      %get3A_1003 = arith.index_cast %add3A_909 : i32 to index
      %get3A_1004 = arith.constant 112 : index
      %get3A_1005 = tpu.vector_load %arg9[%get3A_1003, %get3A_1004] {strides = array<i32>} : memref<512x128xf32, #tpu.memory_space<vmem>>, vector<1x16xf32>,
      %get3A_1006 = vector.shape_cast %get3A_1005 : vector<1x16xf32> to vector<16xf32>
      %mul3A_1007 = vector.broadcast %squeeze3A_911 : f32 to vector<16xf32>
      %mul3A_1008 = arith.mulf %mul3A_1007, %get3A_103 : vector<16xf32>
      %add3A_1009 = arith.addf %mul3A_1008, %get3A_127 : vector<16xf32>
      %mul3A_1010 = arith.mulf %get3A_1006, %add3A_1009 : vector<16xf32>
      %swap3A_1011 = arith.index_cast %add3A_909 : i32 to index
      %swap3A_1012 = arith.constant 112 : index
      %swap3A_1013 = tpu.vector_load %arg9[%swap3A_1011, %swap3A_1012] {strides = array<i32>} : memref<512x128xf32, #tpu.memory_space<vmem>>, vector<1x16xf32>,
      %swap3A_1014 = vector.shape_cast %swap3A_1013 : vector<1x16xf32> to vector<16xf32>
      %swap3A_1015 = vector.shape_cast %mul3A_1010 : vector<16xf32> to vector<1x16xf32>
      tpu.vector_store %arg9[%swap3A_1011, %swap3A_1012], %swap3A_1015 {strides = array<i32>} : memref<512x128xf32, #tpu.memory_space<vmem>>, vector<1x16xf32>,
      %mul3A_1016 = arith.constant 16 : i32
      %mul3A_1017 = arith.muli %scan3A_133, %mul3A_1016 : i32
      %add3A_1018 = arith.constant 8 : i32
      %add3A_1019 = arith.addi %mul3A_1017, %add3A_1018 : i32
      %slice3A_1020 = vector.extract_strided_slice %get3A_138 {offsets = [8], sizes = [1], strides = [1]} : vector<16xf32> to vector<1xf32>
      %squeeze3A_1021 = vector.extract %slice3A_1020[0] : f32 from vector<1xf32>
      %get3A_1022 = arith.index_cast %add3A_1019 : i32 to index
      %get3A_1023 = arith.constant 0 : index
      %get3A_1024 = tpu.vector_load %arg9[%get3A_1022, %get3A_1023] {strides = array<i32>} : memref<512x128xf32, #tpu.memory_space<vmem>>, vector<1x16xf32>,
      %get3A_1025 = vector.shape_cast %get3A_1024 : vector<1x16xf32> to vector<16xf32>
      %mul3A_1026 = vector.broadcast %squeeze3A_1021 : f32 to vector<16xf32>
      %mul3A_1027 = arith.mulf %mul3A_1026, %get3A_82 : vector<16xf32>
      %add3A_1028 = arith.addf %mul3A_1027, %get3A_106 : vector<16xf32>
      %mul3A_1029 = arith.mulf %get3A_1025, %add3A_1028 : vector<16xf32>
      %swap3A_1030 = arith.index_cast %add3A_1019 : i32 to index
      %swap3A_1031 = arith.constant 0 : index
      %swap3A_1032 = tpu.vector_load %arg9[%swap3A_1030, %swap3A_1031] {strides = array<i32>} : memref<512x128xf32, #tpu.memory_space<vmem>>, vector<1x16xf32>,
      %swap3A_1033 = vector.shape_cast %swap3A_1032 : vector<1x16xf32> to vector<16xf32>
      %swap3A_1034 = vector.shape_cast %mul3A_1029 : vector<16xf32> to vector<1x16xf32>
      tpu.vector_store %arg9[%swap3A_1030, %swap3A_1031], %swap3A_1034 {strides = array<i32>} : memref<512x128xf32, #tpu.memory_space<vmem>>, vector<1x16xf32>,
      %get3A_1035 = arith.index_cast %add3A_1019 : i32 to index
      %get3A_1036 = arith.constant 16 : index
      %get3A_1037 = tpu.vector_load %arg9[%get3A_1035, %get3A_1036] {strides = array<i32>} : memref<512x128xf32, #tpu.memory_space<vmem>>, vector<1x16xf32>,
      %get3A_1038 = vector.shape_cast %get3A_1037 : vector<1x16xf32> to vector<16xf32>
      %mul3A_1039 = vector.broadcast %squeeze3A_1021 : f32 to vector<16xf32>
      %mul3A_1040 = arith.mulf %mul3A_1039, %get3A_85 : vector<16xf32>
      %add3A_1041 = arith.addf %mul3A_1040, %get3A_109 : vector<16xf32>
      %mul3A_1042 = arith.mulf %get3A_1038, %add3A_1041 : vector<16xf32>
      %swap3A_1043 = arith.index_cast %add3A_1019 : i32 to index
      %swap3A_1044 = arith.constant 16 : index
      %swap3A_1045 = tpu.vector_load %arg9[%swap3A_1043, %swap3A_1044] {strides = array<i32>} : memref<512x128xf32, #tpu.memory_space<vmem>>, vector<1x16xf32>,
      %swap3A_1046 = vector.shape_cast %swap3A_1045 : vector<1x16xf32> to vector<16xf32>
      %swap3A_1047 = vector.shape_cast %mul3A_1042 : vector<16xf32> to vector<1x16xf32>
      tpu.vector_store %arg9[%swap3A_1043, %swap3A_1044], %swap3A_1047 {strides = array<i32>} : memref<512x128xf32, #tpu.memory_space<vmem>>, vector<1x16xf32>,
      %get3A_1048 = arith.index_cast %add3A_1019 : i32 to index
      %get3A_1049 = arith.constant 32 : index
      %get3A_1050 = tpu.vector_load %arg9[%get3A_1048, %get3A_1049] {strides = array<i32>} : memref<512x128xf32, #tpu.memory_space<vmem>>, vector<1x16xf32>,
      %get3A_1051 = vector.shape_cast %get3A_1050 : vector<1x16xf32> to vector<16xf32>
      %mul3A_1052 = vector.broadcast %squeeze3A_1021 : f32 to vector<16xf32>
      %mul3A_1053 = arith.mulf %mul3A_1052, %get3A_88 : vector<16xf32>
      %add3A_1054 = arith.addf %mul3A_1053, %get3A_112 : vector<16xf32>
      %mul3A_1055 = arith.mulf %get3A_1051, %add3A_1054 : vector<16xf32>
      %swap3A_1056 = arith.index_cast %add3A_1019 : i32 to index
      %swap3A_1057 = arith.constant 32 : index
      %swap3A_1058 = tpu.vector_load %arg9[%swap3A_1056, %swap3A_1057] {strides = array<i32>} : memref<512x128xf32, #tpu.memory_space<vmem>>, vector<1x16xf32>,
      %swap3A_1059 = vector.shape_cast %swap3A_1058 : vector<1x16xf32> to vector<16xf32>
      %swap3A_1060 = vector.shape_cast %mul3A_1055 : vector<16xf32> to vector<1x16xf32>
      tpu.vector_store %arg9[%swap3A_1056, %swap3A_1057], %swap3A_1060 {strides = array<i32>} : memref<512x128xf32, #tpu.memory_space<vmem>>, vector<1x16xf32>,
      %get3A_1061 = arith.index_cast %add3A_1019 : i32 to index
      %get3A_1062 = arith.constant 48 : index
      %get3A_1063 = tpu.vector_load %arg9[%get3A_1061, %get3A_1062] {strides = array<i32>} : memref<512x128xf32, #tpu.memory_space<vmem>>, vector<1x16xf32>,
      %get3A_1064 = vector.shape_cast %get3A_1063 : vector<1x16xf32> to vector<16xf32>
      %mul3A_1065 = vector.broadcast %squeeze3A_1021 : f32 to vector<16xf32>
      %mul3A_1066 = arith.mulf %mul3A_1065, %get3A_91 : vector<16xf32>
      %add3A_1067 = arith.addf %mul3A_1066, %get3A_115 : vector<16xf32>
      %mul3A_1068 = arith.mulf %get3A_1064, %add3A_1067 : vector<16xf32>
      %swap3A_1069 = arith.index_cast %add3A_1019 : i32 to index
      %swap3A_1070 = arith.constant 48 : index
      %swap3A_1071 = tpu.vector_load %arg9[%swap3A_1069, %swap3A_1070] {strides = array<i32>} : memref<512x128xf32, #tpu.memory_space<vmem>>, vector<1x16xf32>,
      %swap3A_1072 = vector.shape_cast %swap3A_1071 : vector<1x16xf32> to vector<16xf32>
      %swap3A_1073 = vector.shape_cast %mul3A_1068 : vector<16xf32> to vector<1x16xf32>
      tpu.vector_store %arg9[%swap3A_1069, %swap3A_1070], %swap3A_1073 {strides = array<i32>} : memref<512x128xf32, #tpu.memory_space<vmem>>, vector<1x16xf32>,
      %get3A_1074 = arith.index_cast %add3A_1019 : i32 to index
      %get3A_1075 = arith.constant 64 : index
      %get3A_1076 = tpu.vector_load %arg9[%get3A_1074, %get3A_1075] {strides = array<i32>} : memref<512x128xf32, #tpu.memory_space<vmem>>, vector<1x16xf32>,
      %get3A_1077 = vector.shape_cast %get3A_1076 : vector<1x16xf32> to vector<16xf32>
      %mul3A_1078 = vector.broadcast %squeeze3A_1021 : f32 to vector<16xf32>
      %mul3A_1079 = arith.mulf %mul3A_1078, %get3A_94 : vector<16xf32>
      %add3A_1080 = arith.addf %mul3A_1079, %get3A_118 : vector<16xf32>
      %mul3A_1081 = arith.mulf %get3A_1077, %add3A_1080 : vector<16xf32>
      %swap3A_1082 = arith.index_cast %add3A_1019 : i32 to index
      %swap3A_1083 = arith.constant 64 : index
      %swap3A_1084 = tpu.vector_load %arg9[%swap3A_1082, %swap3A_1083] {strides = array<i32>} : memref<512x128xf32, #tpu.memory_space<vmem>>, vector<1x16xf32>,
      %swap3A_1085 = vector.shape_cast %swap3A_1084 : vector<1x16xf32> to vector<16xf32>
      %swap3A_1086 = vector.shape_cast %mul3A_1081 : vector<16xf32> to vector<1x16xf32>
      tpu.vector_store %arg9[%swap3A_1082, %swap3A_1083], %swap3A_1086 {strides = array<i32>} : memref<512x128xf32, #tpu.memory_space<vmem>>, vector<1x16xf32>,
      %get3A_1087 = arith.index_cast %add3A_1019 : i32 to index
      %get3A_1088 = arith.constant 80 : index
      %get3A_1089 = tpu.vector_load %arg9[%get3A_1087, %get3A_1088] {strides = array<i32>} : memref<512x128xf32, #tpu.memory_space<vmem>>, vector<1x16xf32>,
      %get3A_1090 = vector.shape_cast %get3A_1089 : vector<1x16xf32> to vector<16xf32>
      %mul3A_1091 = vector.broadcast %squeeze3A_1021 : f32 to vector<16xf32>
      %mul3A_1092 = arith.mulf %mul3A_1091, %get3A_97 : vector<16xf32>
      %add3A_1093 = arith.addf %mul3A_1092, %get3A_121 : vector<16xf32>
      %mul3A_1094 = arith.mulf %get3A_1090, %add3A_1093 : vector<16xf32>
      %swap3A_1095 = arith.index_cast %add3A_1019 : i32 to index
      %swap3A_1096 = arith.constant 80 : index
      %swap3A_1097 = tpu.vector_load %arg9[%swap3A_1095, %swap3A_1096] {strides = array<i32>} : memref<512x128xf32, #tpu.memory_space<vmem>>, vector<1x16xf32>,
      %swap3A_1098 = vector.shape_cast %swap3A_1097 : vector<1x16xf32> to vector<16xf32>
      %swap3A_1099 = vector.shape_cast %mul3A_1094 : vector<16xf32> to vector<1x16xf32>
      tpu.vector_store %arg9[%swap3A_1095, %swap3A_1096], %swap3A_1099 {strides = array<i32>} : memref<512x128xf32, #tpu.memory_space<vmem>>, vector<1x16xf32>,
      %get3A_1100 = arith.index_cast %add3A_1019 : i32 to index
      %get3A_1101 = arith.constant 96 : index
      %get3A_1102 = tpu.vector_load %arg9[%get3A_1100, %get3A_1101] {strides = array<i32>} : memref<512x128xf32, #tpu.memory_space<vmem>>, vector<1x16xf32>,
      %get3A_1103 = vector.shape_cast %get3A_1102 : vector<1x16xf32> to vector<16xf32>
      %mul3A_1104 = vector.broadcast %squeeze3A_1021 : f32 to vector<16xf32>
      %mul3A_1105 = arith.mulf %mul3A_1104, %get3A_100 : vector<16xf32>
      %add3A_1106 = arith.addf %mul3A_1105, %get3A_124 : vector<16xf32>
      %mul3A_1107 = arith.mulf %get3A_1103, %add3A_1106 : vector<16xf32>
      %swap3A_1108 = arith.index_cast %add3A_1019 : i32 to index
      %swap3A_1109 = arith.constant 96 : index
      %swap3A_1110 = tpu.vector_load %arg9[%swap3A_1108, %swap3A_1109] {strides = array<i32>} : memref<512x128xf32, #tpu.memory_space<vmem>>, vector<1x16xf32>,
      %swap3A_1111 = vector.shape_cast %swap3A_1110 : vector<1x16xf32> to vector<16xf32>
      %swap3A_1112 = vector.shape_cast %mul3A_1107 : vector<16xf32> to vector<1x16xf32>
      tpu.vector_store %arg9[%swap3A_1108, %swap3A_1109], %swap3A_1112 {strides = array<i32>} : memref<512x128xf32, #tpu.memory_space<vmem>>, vector<1x16xf32>,
      %get3A_1113 = arith.index_cast %add3A_1019 : i32 to index
      %get3A_1114 = arith.constant 112 : index
      %get3A_1115 = tpu.vector_load %arg9[%get3A_1113, %get3A_1114] {strides = array<i32>} : memref<512x128xf32, #tpu.memory_space<vmem>>, vector<1x16xf32>,
      %get3A_1116 = vector.shape_cast %get3A_1115 : vector<1x16xf32> to vector<16xf32>
      %mul3A_1117 = vector.broadcast %squeeze3A_1021 : f32 to vector<16xf32>
      %mul3A_1118 = arith.mulf %mul3A_1117, %get3A_103 : vector<16xf32>
      %add3A_1119 = arith.addf %mul3A_1118, %get3A_127 : vector<16xf32>
      %mul3A_1120 = arith.mulf %get3A_1116, %add3A_1119 : vector<16xf32>
      %swap3A_1121 = arith.index_cast %add3A_1019 : i32 to index
      %swap3A_1122 = arith.constant 112 : index
      %swap3A_1123 = tpu.vector_load %arg9[%swap3A_1121, %swap3A_1122] {strides = array<i32>} : memref<512x128xf32, #tpu.memory_space<vmem>>, vector<1x16xf32>,
      %swap3A_1124 = vector.shape_cast %swap3A_1123 : vector<1x16xf32> to vector<16xf32>
      %swap3A_1125 = vector.shape_cast %mul3A_1120 : vector<16xf32> to vector<1x16xf32>
      tpu.vector_store %arg9[%swap3A_1121, %swap3A_1122], %swap3A_1125 {strides = array<i32>} : memref<512x128xf32, #tpu.memory_space<vmem>>, vector<1x16xf32>,
      %mul3A_1126 = arith.constant 16 : i32
      %mul3A_1127 = arith.muli %scan3A_133, %mul3A_1126 : i32
      %add3A_1128 = arith.constant 9 : i32
      %add3A_1129 = arith.addi %mul3A_1127, %add3A_1128 : i32
      %slice3A_1130 = vector.extract_strided_slice %get3A_138 {offsets = [9], sizes = [1], strides = [1]} : vector<16xf32> to vector<1xf32>
      %squeeze3A_1131 = vector.extract %slice3A_1130[0] : f32 from vector<1xf32>
      %get3A_1132 = arith.index_cast %add3A_1129 : i32 to index
      %get3A_1133 = arith.constant 0 : index
      %get3A_1134 = tpu.vector_load %arg9[%get3A_1132, %get3A_1133] {strides = array<i32>} : memref<512x128xf32, #tpu.memory_space<vmem>>, vector<1x16xf32>,
      %get3A_1135 = vector.shape_cast %get3A_1134 : vector<1x16xf32> to vector<16xf32>
      %mul3A_1136 = vector.broadcast %squeeze3A_1131 : f32 to vector<16xf32>
      %mul3A_1137 = arith.mulf %mul3A_1136, %get3A_82 : vector<16xf32>
      %add3A_1138 = arith.addf %mul3A_1137, %get3A_106 : vector<16xf32>
      %mul3A_1139 = arith.mulf %get3A_1135, %add3A_1138 : vector<16xf32>
      %swap3A_1140 = arith.index_cast %add3A_1129 : i32 to index
      %swap3A_1141 = arith.constant 0 : index
      %swap3A_1142 = tpu.vector_load %arg9[%swap3A_1140, %swap3A_1141] {strides = array<i32>} : memref<512x128xf32, #tpu.memory_space<vmem>>, vector<1x16xf32>,
      %swap3A_1143 = vector.shape_cast %swap3A_1142 : vector<1x16xf32> to vector<16xf32>
      %swap3A_1144 = vector.shape_cast %mul3A_1139 : vector<16xf32> to vector<1x16xf32>
      tpu.vector_store %arg9[%swap3A_1140, %swap3A_1141], %swap3A_1144 {strides = array<i32>} : memref<512x128xf32, #tpu.memory_space<vmem>>, vector<1x16xf32>,
      %get3A_1145 = arith.index_cast %add3A_1129 : i32 to index
      %get3A_1146 = arith.constant 16 : index
      %get3A_1147 = tpu.vector_load %arg9[%get3A_1145, %get3A_1146] {strides = array<i32>} : memref<512x128xf32, #tpu.memory_space<vmem>>, vector<1x16xf32>,
      %get3A_1148 = vector.shape_cast %get3A_1147 : vector<1x16xf32> to vector<16xf32>
      %mul3A_1149 = vector.broadcast %squeeze3A_1131 : f32 to vector<16xf32>
      %mul3A_1150 = arith.mulf %mul3A_1149, %get3A_85 : vector<16xf32>
      %add3A_1151 = arith.addf %mul3A_1150, %get3A_109 : vector<16xf32>
      %mul3A_1152 = arith.mulf %get3A_1148, %add3A_1151 : vector<16xf32>
      %swap3A_1153 = arith.index_cast %add3A_1129 : i32 to index
      %swap3A_1154 = arith.constant 16 : index
      %swap3A_1155 = tpu.vector_load %arg9[%swap3A_1153, %swap3A_1154] {strides = array<i32>} : memref<512x128xf32, #tpu.memory_space<vmem>>, vector<1x16xf32>,
      %swap3A_1156 = vector.shape_cast %swap3A_1155 : vector<1x16xf32> to vector<16xf32>
      %swap3A_1157 = vector.shape_cast %mul3A_1152 : vector<16xf32> to vector<1x16xf32>
      tpu.vector_store %arg9[%swap3A_1153, %swap3A_1154], %swap3A_1157 {strides = array<i32>} : memref<512x128xf32, #tpu.memory_space<vmem>>, vector<1x16xf32>,
      %get3A_1158 = arith.index_cast %add3A_1129 : i32 to index
      %get3A_1159 = arith.constant 32 : index
      %get3A_1160 = tpu.vector_load %arg9[%get3A_1158, %get3A_1159] {strides = array<i32>} : memref<512x128xf32, #tpu.memory_space<vmem>>, vector<1x16xf32>,
      %get3A_1161 = vector.shape_cast %get3A_1160 : vector<1x16xf32> to vector<16xf32>
      %mul3A_1162 = vector.broadcast %squeeze3A_1131 : f32 to vector<16xf32>
      %mul3A_1163 = arith.mulf %mul3A_1162, %get3A_88 : vector<16xf32>
      %add3A_1164 = arith.addf %mul3A_1163, %get3A_112 : vector<16xf32>
      %mul3A_1165 = arith.mulf %get3A_1161, %add3A_1164 : vector<16xf32>
      %swap3A_1166 = arith.index_cast %add3A_1129 : i32 to index
      %swap3A_1167 = arith.constant 32 : index
      %swap3A_1168 = tpu.vector_load %arg9[%swap3A_1166, %swap3A_1167] {strides = array<i32>} : memref<512x128xf32, #tpu.memory_space<vmem>>, vector<1x16xf32>,
      %swap3A_1169 = vector.shape_cast %swap3A_1168 : vector<1x16xf32> to vector<16xf32>
      %swap3A_1170 = vector.shape_cast %mul3A_1165 : vector<16xf32> to vector<1x16xf32>
      tpu.vector_store %arg9[%swap3A_1166, %swap3A_1167], %swap3A_1170 {strides = array<i32>} : memref<512x128xf32, #tpu.memory_space<vmem>>, vector<1x16xf32>,
      %get3A_1171 = arith.index_cast %add3A_1129 : i32 to index
      %get3A_1172 = arith.constant 48 : index
      %get3A_1173 = tpu.vector_load %arg9[%get3A_1171, %get3A_1172] {strides = array<i32>} : memref<512x128xf32, #tpu.memory_space<vmem>>, vector<1x16xf32>,
      %get3A_1174 = vector.shape_cast %get3A_1173 : vector<1x16xf32> to vector<16xf32>
      %mul3A_1175 = vector.broadcast %squeeze3A_1131 : f32 to vector<16xf32>
      %mul3A_1176 = arith.mulf %mul3A_1175, %get3A_91 : vector<16xf32>
      %add3A_1177 = arith.addf %mul3A_1176, %get3A_115 : vector<16xf32>
      %mul3A_1178 = arith.mulf %get3A_1174, %add3A_1177 : vector<16xf32>
      %swap3A_1179 = arith.index_cast %add3A_1129 : i32 to index
      %swap3A_1180 = arith.constant 48 : index
      %swap3A_1181 = tpu.vector_load %arg9[%swap3A_1179, %swap3A_1180] {strides = array<i32>} : memref<512x128xf32, #tpu.memory_space<vmem>>, vector<1x16xf32>,
      %swap3A_1182 = vector.shape_cast %swap3A_1181 : vector<1x16xf32> to vector<16xf32>
      %swap3A_1183 = vector.shape_cast %mul3A_1178 : vector<16xf32> to vector<1x16xf32>
      tpu.vector_store %arg9[%swap3A_1179, %swap3A_1180], %swap3A_1183 {strides = array<i32>} : memref<512x128xf32, #tpu.memory_space<vmem>>, vector<1x16xf32>,
      %get3A_1184 = arith.index_cast %add3A_1129 : i32 to index
      %get3A_1185 = arith.constant 64 : index
      %get3A_1186 = tpu.vector_load %arg9[%get3A_1184, %get3A_1185] {strides = array<i32>} : memref<512x128xf32, #tpu.memory_space<vmem>>, vector<1x16xf32>,
      %get3A_1187 = vector.shape_cast %get3A_1186 : vector<1x16xf32> to vector<16xf32>
      %mul3A_1188 = vector.broadcast %squeeze3A_1131 : f32 to vector<16xf32>
      %mul3A_1189 = arith.mulf %mul3A_1188, %get3A_94 : vector<16xf32>
      %add3A_1190 = arith.addf %mul3A_1189, %get3A_118 : vector<16xf32>
      %mul3A_1191 = arith.mulf %get3A_1187, %add3A_1190 : vector<16xf32>
      %swap3A_1192 = arith.index_cast %add3A_1129 : i32 to index
      %swap3A_1193 = arith.constant 64 : index
      %swap3A_1194 = tpu.vector_load %arg9[%swap3A_1192, %swap3A_1193] {strides = array<i32>} : memref<512x128xf32, #tpu.memory_space<vmem>>, vector<1x16xf32>,
      %swap3A_1195 = vector.shape_cast %swap3A_1194 : vector<1x16xf32> to vector<16xf32>
      %swap3A_1196 = vector.shape_cast %mul3A_1191 : vector<16xf32> to vector<1x16xf32>
      tpu.vector_store %arg9[%swap3A_1192, %swap3A_1193], %swap3A_1196 {strides = array<i32>} : memref<512x128xf32, #tpu.memory_space<vmem>>, vector<1x16xf32>,
      %get3A_1197 = arith.index_cast %add3A_1129 : i32 to index
      %get3A_1198 = arith.constant 80 : index
      %get3A_1199 = tpu.vector_load %arg9[%get3A_1197, %get3A_1198] {strides = array<i32>} : memref<512x128xf32, #tpu.memory_space<vmem>>, vector<1x16xf32>,
      %get3A_1200 = vector.shape_cast %get3A_1199 : vector<1x16xf32> to vector<16xf32>
      %mul3A_1201 = vector.broadcast %squeeze3A_1131 : f32 to vector<16xf32>
      %mul3A_1202 = arith.mulf %mul3A_1201, %get3A_97 : vector<16xf32>
      %add3A_1203 = arith.addf %mul3A_1202, %get3A_121 : vector<16xf32>
      %mul3A_1204 = arith.mulf %get3A_1200, %add3A_1203 : vector<16xf32>
      %swap3A_1205 = arith.index_cast %add3A_1129 : i32 to index
      %swap3A_1206 = arith.constant 80 : index
      %swap3A_1207 = tpu.vector_load %arg9[%swap3A_1205, %swap3A_1206] {strides = array<i32>} : memref<512x128xf32, #tpu.memory_space<vmem>>, vector<1x16xf32>,
      %swap3A_1208 = vector.shape_cast %swap3A_1207 : vector<1x16xf32> to vector<16xf32>
      %swap3A_1209 = vector.shape_cast %mul3A_1204 : vector<16xf32> to vector<1x16xf32>
      tpu.vector_store %arg9[%swap3A_1205, %swap3A_1206], %swap3A_1209 {strides = array<i32>} : memref<512x128xf32, #tpu.memory_space<vmem>>, vector<1x16xf32>,
      %get3A_1210 = arith.index_cast %add3A_1129 : i32 to index
      %get3A_1211 = arith.constant 96 : index
      %get3A_1212 = tpu.vector_load %arg9[%get3A_1210, %get3A_1211] {strides = array<i32>} : memref<512x128xf32, #tpu.memory_space<vmem>>, vector<1x16xf32>,
      %get3A_1213 = vector.shape_cast %get3A_1212 : vector<1x16xf32> to vector<16xf32>
      %mul3A_1214 = vector.broadcast %squeeze3A_1131 : f32 to vector<16xf32>
      %mul3A_1215 = arith.mulf %mul3A_1214, %get3A_100 : vector<16xf32>
      %add3A_1216 = arith.addf %mul3A_1215, %get3A_124 : vector<16xf32>
      %mul3A_1217 = arith.mulf %get3A_1213, %add3A_1216 : vector<16xf32>
      %swap3A_1218 = arith.index_cast %add3A_1129 : i32 to index
      %swap3A_1219 = arith.constant 96 : index
      %swap3A_1220 = tpu.vector_load %arg9[%swap3A_1218, %swap3A_1219] {strides = array<i32>} : memref<512x128xf32, #tpu.memory_space<vmem>>, vector<1x16xf32>,
      %swap3A_1221 = vector.shape_cast %swap3A_1220 : vector<1x16xf32> to vector<16xf32>
      %swap3A_1222 = vector.shape_cast %mul3A_1217 : vector<16xf32> to vector<1x16xf32>
      tpu.vector_store %arg9[%swap3A_1218, %swap3A_1219], %swap3A_1222 {strides = array<i32>} : memref<512x128xf32, #tpu.memory_space<vmem>>, vector<1x16xf32>,
      %get3A_1223 = arith.index_cast %add3A_1129 : i32 to index
      %get3A_1224 = arith.constant 112 : index
      %get3A_1225 = tpu.vector_load %arg9[%get3A_1223, %get3A_1224] {strides = array<i32>} : memref<512x128xf32, #tpu.memory_space<vmem>>, vector<1x16xf32>,
      %get3A_1226 = vector.shape_cast %get3A_1225 : vector<1x16xf32> to vector<16xf32>
      %mul3A_1227 = vector.broadcast %squeeze3A_1131 : f32 to vector<16xf32>
      %mul3A_1228 = arith.mulf %mul3A_1227, %get3A_103 : vector<16xf32>
      %add3A_1229 = arith.addf %mul3A_1228, %get3A_127 : vector<16xf32>
      %mul3A_1230 = arith.mulf %get3A_1226, %add3A_1229 : vector<16xf32>
      %swap3A_1231 = arith.index_cast %add3A_1129 : i32 to index
      %swap3A_1232 = arith.constant 112 : index
      %swap3A_1233 = tpu.vector_load %arg9[%swap3A_1231, %swap3A_1232] {strides = array<i32>} : memref<512x128xf32, #tpu.memory_space<vmem>>, vector<1x16xf32>,
      %swap3A_1234 = vector.shape_cast %swap3A_1233 : vector<1x16xf32> to vector<16xf32>
      %swap3A_1235 = vector.shape_cast %mul3A_1230 : vector<16xf32> to vector<1x16xf32>
      tpu.vector_store %arg9[%swap3A_1231, %swap3A_1232], %swap3A_1235 {strides = array<i32>} : memref<512x128xf32, #tpu.memory_space<vmem>>, vector<1x16xf32>,
      %mul3A_1236 = arith.constant 16 : i32
      %mul3A_1237 = arith.muli %scan3A_133, %mul3A_1236 : i32
      %add3A_1238 = arith.constant 10 : i32
      %add3A_1239 = arith.addi %mul3A_1237, %add3A_1238 : i32
      %slice3A_1240 = vector.extract_strided_slice %get3A_138 {offsets = [10], sizes = [1], strides = [1]} : vector<16xf32> to vector<1xf32>
      %squeeze3A_1241 = vector.extract %slice3A_1240[0] : f32 from vector<1xf32>
      %get3A_1242 = arith.index_cast %add3A_1239 : i32 to index
      %get3A_1243 = arith.constant 0 : index
      %get3A_1244 = tpu.vector_load %arg9[%get3A_1242, %get3A_1243] {strides = array<i32>} : memref<512x128xf32, #tpu.memory_space<vmem>>, vector<1x16xf32>,
      %get3A_1245 = vector.shape_cast %get3A_1244 : vector<1x16xf32> to vector<16xf32>
      %mul3A_1246 = vector.broadcast %squeeze3A_1241 : f32 to vector<16xf32>
      %mul3A_1247 = arith.mulf %mul3A_1246, %get3A_82 : vector<16xf32>
      %add3A_1248 = arith.addf %mul3A_1247, %get3A_106 : vector<16xf32>
      %mul3A_1249 = arith.mulf %get3A_1245, %add3A_1248 : vector<16xf32>
      %swap3A_1250 = arith.index_cast %add3A_1239 : i32 to index
      %swap3A_1251 = arith.constant 0 : index
      %swap3A_1252 = tpu.vector_load %arg9[%swap3A_1250, %swap3A_1251] {strides = array<i32>} : memref<512x128xf32, #tpu.memory_space<vmem>>, vector<1x16xf32>,
      %swap3A_1253 = vector.shape_cast %swap3A_1252 : vector<1x16xf32> to vector<16xf32>
      %swap3A_1254 = vector.shape_cast %mul3A_1249 : vector<16xf32> to vector<1x16xf32>
      tpu.vector_store %arg9[%swap3A_1250, %swap3A_1251], %swap3A_1254 {strides = array<i32>} : memref<512x128xf32, #tpu.memory_space<vmem>>, vector<1x16xf32>,
      %get3A_1255 = arith.index_cast %add3A_1239 : i32 to index
      %get3A_1256 = arith.constant 16 : index
      %get3A_1257 = tpu.vector_load %arg9[%get3A_1255, %get3A_1256] {strides = array<i32>} : memref<512x128xf32, #tpu.memory_space<vmem>>, vector<1x16xf32>,
      %get3A_1258 = vector.shape_cast %get3A_1257 : vector<1x16xf32> to vector<16xf32>
      %mul3A_1259 = vector.broadcast %squeeze3A_1241 : f32 to vector<16xf32>
      %mul3A_1260 = arith.mulf %mul3A_1259, %get3A_85 : vector<16xf32>
      %add3A_1261 = arith.addf %mul3A_1260, %get3A_109 : vector<16xf32>
      %mul3A_1262 = arith.mulf %get3A_1258, %add3A_1261 : vector<16xf32>
      %swap3A_1263 = arith.index_cast %add3A_1239 : i32 to index
      %swap3A_1264 = arith.constant 16 : index
      %swap3A_1265 = tpu.vector_load %arg9[%swap3A_1263, %swap3A_1264] {strides = array<i32>} : memref<512x128xf32, #tpu.memory_space<vmem>>, vector<1x16xf32>,
      %swap3A_1266 = vector.shape_cast %swap3A_1265 : vector<1x16xf32> to vector<16xf32>
      %swap3A_1267 = vector.shape_cast %mul3A_1262 : vector<16xf32> to vector<1x16xf32>
      tpu.vector_store %arg9[%swap3A_1263, %swap3A_1264], %swap3A_1267 {strides = array<i32>} : memref<512x128xf32, #tpu.memory_space<vmem>>, vector<1x16xf32>,
      %get3A_1268 = arith.index_cast %add3A_1239 : i32 to index
      %get3A_1269 = arith.constant 32 : index
      %get3A_1270 = tpu.vector_load %arg9[%get3A_1268, %get3A_1269] {strides = array<i32>} : memref<512x128xf32, #tpu.memory_space<vmem>>, vector<1x16xf32>,
      %get3A_1271 = vector.shape_cast %get3A_1270 : vector<1x16xf32> to vector<16xf32>
      %mul3A_1272 = vector.broadcast %squeeze3A_1241 : f32 to vector<16xf32>
      %mul3A_1273 = arith.mulf %mul3A_1272, %get3A_88 : vector<16xf32>
      %add3A_1274 = arith.addf %mul3A_1273, %get3A_112 : vector<16xf32>
      %mul3A_1275 = arith.mulf %get3A_1271, %add3A_1274 : vector<16xf32>
      %swap3A_1276 = arith.index_cast %add3A_1239 : i32 to index
      %swap3A_1277 = arith.constant 32 : index
      %swap3A_1278 = tpu.vector_load %arg9[%swap3A_1276, %swap3A_1277] {strides = array<i32>} : memref<512x128xf32, #tpu.memory_space<vmem>>, vector<1x16xf32>,
      %swap3A_1279 = vector.shape_cast %swap3A_1278 : vector<1x16xf32> to vector<16xf32>
      %swap3A_1280 = vector.shape_cast %mul3A_1275 : vector<16xf32> to vector<1x16xf32>
      tpu.vector_store %arg9[%swap3A_1276, %swap3A_1277], %swap3A_1280 {strides = array<i32>} : memref<512x128xf32, #tpu.memory_space<vmem>>, vector<1x16xf32>,
      %get3A_1281 = arith.index_cast %add3A_1239 : i32 to index
      %get3A_1282 = arith.constant 48 : index
      %get3A_1283 = tpu.vector_load %arg9[%get3A_1281, %get3A_1282] {strides = array<i32>} : memref<512x128xf32, #tpu.memory_space<vmem>>, vector<1x16xf32>,
      %get3A_1284 = vector.shape_cast %get3A_1283 : vector<1x16xf32> to vector<16xf32>
      %mul3A_1285 = vector.broadcast %squeeze3A_1241 : f32 to vector<16xf32>
      %mul3A_1286 = arith.mulf %mul3A_1285, %get3A_91 : vector<16xf32>
      %add3A_1287 = arith.addf %mul3A_1286, %get3A_115 : vector<16xf32>
      %mul3A_1288 = arith.mulf %get3A_1284, %add3A_1287 : vector<16xf32>
      %swap3A_1289 = arith.index_cast %add3A_1239 : i32 to index
      %swap3A_1290 = arith.constant 48 : index
      %swap3A_1291 = tpu.vector_load %arg9[%swap3A_1289, %swap3A_1290] {strides = array<i32>} : memref<512x128xf32, #tpu.memory_space<vmem>>, vector<1x16xf32>,
      %swap3A_1292 = vector.shape_cast %swap3A_1291 : vector<1x16xf32> to vector<16xf32>
      %swap3A_1293 = vector.shape_cast %mul3A_1288 : vector<16xf32> to vector<1x16xf32>
      tpu.vector_store %arg9[%swap3A_1289, %swap3A_1290], %swap3A_1293 {strides = array<i32>} : memref<512x128xf32, #tpu.memory_space<vmem>>, vector<1x16xf32>,
      %get3A_1294 = arith.index_cast %add3A_1239 : i32 to index
      %get3A_1295 = arith.constant 64 : index
      %get3A_1296 = tpu.vector_load %arg9[%get3A_1294, %get3A_1295] {strides = array<i32>} : memref<512x128xf32, #tpu.memory_space<vmem>>, vector<1x16xf32>,
      %get3A_1297 = vector.shape_cast %get3A_1296 : vector<1x16xf32> to vector<16xf32>
      %mul3A_1298 = vector.broadcast %squeeze3A_1241 : f32 to vector<16xf32>
      %mul3A_1299 = arith.mulf %mul3A_1298, %get3A_94 : vector<16xf32>
      %add3A_1300 = arith.addf %mul3A_1299, %get3A_118 : vector<16xf32>
      %mul3A_1301 = arith.mulf %get3A_1297, %add3A_1300 : vector<16xf32>
      %swap3A_1302 = arith.index_cast %add3A_1239 : i32 to index
      %swap3A_1303 = arith.constant 64 : index
      %swap3A_1304 = tpu.vector_load %arg9[%swap3A_1302, %swap3A_1303] {strides = array<i32>} : memref<512x128xf32, #tpu.memory_space<vmem>>, vector<1x16xf32>,
      %swap3A_1305 = vector.shape_cast %swap3A_1304 : vector<1x16xf32> to vector<16xf32>
      %swap3A_1306 = vector.shape_cast %mul3A_1301 : vector<16xf32> to vector<1x16xf32>
      tpu.vector_store %arg9[%swap3A_1302, %swap3A_1303], %swap3A_1306 {strides = array<i32>} : memref<512x128xf32, #tpu.memory_space<vmem>>, vector<1x16xf32>,
      %get3A_1307 = arith.index_cast %add3A_1239 : i32 to index
      %get3A_1308 = arith.constant 80 : index
      %get3A_1309 = tpu.vector_load %arg9[%get3A_1307, %get3A_1308] {strides = array<i32>} : memref<512x128xf32, #tpu.memory_space<vmem>>, vector<1x16xf32>,
      %get3A_1310 = vector.shape_cast %get3A_1309 : vector<1x16xf32> to vector<16xf32>
      %mul3A_1311 = vector.broadcast %squeeze3A_1241 : f32 to vector<16xf32>
      %mul3A_1312 = arith.mulf %mul3A_1311, %get3A_97 : vector<16xf32>
      %add3A_1313 = arith.addf %mul3A_1312, %get3A_121 : vector<16xf32>
      %mul3A_1314 = arith.mulf %get3A_1310, %add3A_1313 : vector<16xf32>
      %swap3A_1315 = arith.index_cast %add3A_1239 : i32 to index
      %swap3A_1316 = arith.constant 80 : index
      %swap3A_1317 = tpu.vector_load %arg9[%swap3A_1315, %swap3A_1316] {strides = array<i32>} : memref<512x128xf32, #tpu.memory_space<vmem>>, vector<1x16xf32>,
      %swap3A_1318 = vector.shape_cast %swap3A_1317 : vector<1x16xf32> to vector<16xf32>
      %swap3A_1319 = vector.shape_cast %mul3A_1314 : vector<16xf32> to vector<1x16xf32>
      tpu.vector_store %arg9[%swap3A_1315, %swap3A_1316], %swap3A_1319 {strides = array<i32>} : memref<512x128xf32, #tpu.memory_space<vmem>>, vector<1x16xf32>,
      %get3A_1320 = arith.index_cast %add3A_1239 : i32 to index
      %get3A_1321 = arith.constant 96 : index
      %get3A_1322 = tpu.vector_load %arg9[%get3A_1320, %get3A_1321] {strides = array<i32>} : memref<512x128xf32, #tpu.memory_space<vmem>>, vector<1x16xf32>,
      %get3A_1323 = vector.shape_cast %get3A_1322 : vector<1x16xf32> to vector<16xf32>
      %mul3A_1324 = vector.broadcast %squeeze3A_1241 : f32 to vector<16xf32>
      %mul3A_1325 = arith.mulf %mul3A_1324, %get3A_100 : vector<16xf32>
      %add3A_1326 = arith.addf %mul3A_1325, %get3A_124 : vector<16xf32>
      %mul3A_1327 = arith.mulf %get3A_1323, %add3A_1326 : vector<16xf32>
      %swap3A_1328 = arith.index_cast %add3A_1239 : i32 to index
      %swap3A_1329 = arith.constant 96 : index
      %swap3A_1330 = tpu.vector_load %arg9[%swap3A_1328, %swap3A_1329] {strides = array<i32>} : memref<512x128xf32, #tpu.memory_space<vmem>>, vector<1x16xf32>,
      %swap3A_1331 = vector.shape_cast %swap3A_1330 : vector<1x16xf32> to vector<16xf32>
      %swap3A_1332 = vector.shape_cast %mul3A_1327 : vector<16xf32> to vector<1x16xf32>
      tpu.vector_store %arg9[%swap3A_1328, %swap3A_1329], %swap3A_1332 {strides = array<i32>} : memref<512x128xf32, #tpu.memory_space<vmem>>, vector<1x16xf32>,
      %get3A_1333 = arith.index_cast %add3A_1239 : i32 to index
      %get3A_1334 = arith.constant 112 : index
      %get3A_1335 = tpu.vector_load %arg9[%get3A_1333, %get3A_1334] {strides = array<i32>} : memref<512x128xf32, #tpu.memory_space<vmem>>, vector<1x16xf32>,
      %get3A_1336 = vector.shape_cast %get3A_1335 : vector<1x16xf32> to vector<16xf32>
      %mul3A_1337 = vector.broadcast %squeeze3A_1241 : f32 to vector<16xf32>
      %mul3A_1338 = arith.mulf %mul3A_1337, %get3A_103 : vector<16xf32>
      %add3A_1339 = arith.addf %mul3A_1338, %get3A_127 : vector<16xf32>
      %mul3A_1340 = arith.mulf %get3A_1336, %add3A_1339 : vector<16xf32>
      %swap3A_1341 = arith.index_cast %add3A_1239 : i32 to index
      %swap3A_1342 = arith.constant 112 : index
      %swap3A_1343 = tpu.vector_load %arg9[%swap3A_1341, %swap3A_1342] {strides = array<i32>} : memref<512x128xf32, #tpu.memory_space<vmem>>, vector<1x16xf32>,
      %swap3A_1344 = vector.shape_cast %swap3A_1343 : vector<1x16xf32> to vector<16xf32>
      %swap3A_1345 = vector.shape_cast %mul3A_1340 : vector<16xf32> to vector<1x16xf32>
      tpu.vector_store %arg9[%swap3A_1341, %swap3A_1342], %swap3A_1345 {strides = array<i32>} : memref<512x128xf32, #tpu.memory_space<vmem>>, vector<1x16xf32>,
      %mul3A_1346 = arith.constant 16 : i32
      %mul3A_1347 = arith.muli %scan3A_133, %mul3A_1346 : i32
      %add3A_1348 = arith.constant 11 : i32
      %add3A_1349 = arith.addi %mul3A_1347, %add3A_1348 : i32
      %slice3A_1350 = vector.extract_strided_slice %get3A_138 {offsets = [11], sizes = [1], strides = [1]} : vector<16xf32> to vector<1xf32>
      %squeeze3A_1351 = vector.extract %slice3A_1350[0] : f32 from vector<1xf32>
      %get3A_1352 = arith.index_cast %add3A_1349 : i32 to index
      %get3A_1353 = arith.constant 0 : index
      %get3A_1354 = tpu.vector_load %arg9[%get3A_1352, %get3A_1353] {strides = array<i32>} : memref<512x128xf32, #tpu.memory_space<vmem>>, vector<1x16xf32>,
      %get3A_1355 = vector.shape_cast %get3A_1354 : vector<1x16xf32> to vector<16xf32>
      %mul3A_1356 = vector.broadcast %squeeze3A_1351 : f32 to vector<16xf32>
      %mul3A_1357 = arith.mulf %mul3A_1356, %get3A_82 : vector<16xf32>
      %add3A_1358 = arith.addf %mul3A_1357, %get3A_106 : vector<16xf32>
      %mul3A_1359 = arith.mulf %get3A_1355, %add3A_1358 : vector<16xf32>
      %swap3A_1360 = arith.index_cast %add3A_1349 : i32 to index
      %swap3A_1361 = arith.constant 0 : index
      %swap3A_1362 = tpu.vector_load %arg9[%swap3A_1360, %swap3A_1361] {strides = array<i32>} : memref<512x128xf32, #tpu.memory_space<vmem>>, vector<1x16xf32>,
      %swap3A_1363 = vector.shape_cast %swap3A_1362 : vector<1x16xf32> to vector<16xf32>
      %swap3A_1364 = vector.shape_cast %mul3A_1359 : vector<16xf32> to vector<1x16xf32>
      tpu.vector_store %arg9[%swap3A_1360, %swap3A_1361], %swap3A_1364 {strides = array<i32>} : memref<512x128xf32, #tpu.memory_space<vmem>>, vector<1x16xf32>,
      %get3A_1365 = arith.index_cast %add3A_1349 : i32 to index
      %get3A_1366 = arith.constant 16 : index
      %get3A_1367 = tpu.vector_load %arg9[%get3A_1365, %get3A_1366] {strides = array<i32>} : memref<512x128xf32, #tpu.memory_space<vmem>>, vector<1x16xf32>,
      %get3A_1368 = vector.shape_cast %get3A_1367 : vector<1x16xf32> to vector<16xf32>
      %mul3A_1369 = vector.broadcast %squeeze3A_1351 : f32 to vector<16xf32>
      %mul3A_1370 = arith.mulf %mul3A_1369, %get3A_85 : vector<16xf32>
      %add3A_1371 = arith.addf %mul3A_1370, %get3A_109 : vector<16xf32>
      %mul3A_1372 = arith.mulf %get3A_1368, %add3A_1371 : vector<16xf32>
      %swap3A_1373 = arith.index_cast %add3A_1349 : i32 to index
      %swap3A_1374 = arith.constant 16 : index
      %swap3A_1375 = tpu.vector_load %arg9[%swap3A_1373, %swap3A_1374] {strides = array<i32>} : memref<512x128xf32, #tpu.memory_space<vmem>>, vector<1x16xf32>,
      %swap3A_1376 = vector.shape_cast %swap3A_1375 : vector<1x16xf32> to vector<16xf32>
      %swap3A_1377 = vector.shape_cast %mul3A_1372 : vector<16xf32> to vector<1x16xf32>
      tpu.vector_store %arg9[%swap3A_1373, %swap3A_1374], %swap3A_1377 {strides = array<i32>} : memref<512x128xf32, #tpu.memory_space<vmem>>, vector<1x16xf32>,
      %get3A_1378 = arith.index_cast %add3A_1349 : i32 to index
      %get3A_1379 = arith.constant 32 : index
      %get3A_1380 = tpu.vector_load %arg9[%get3A_1378, %get3A_1379] {strides = array<i32>} : memref<512x128xf32, #tpu.memory_space<vmem>>, vector<1x16xf32>,
      %get3A_1381 = vector.shape_cast %get3A_1380 : vector<1x16xf32> to vector<16xf32>
      %mul3A_1382 = vector.broadcast %squeeze3A_1351 : f32 to vector<16xf32>
      %mul3A_1383 = arith.mulf %mul3A_1382, %get3A_88 : vector<16xf32>
      %add3A_1384 = arith.addf %mul3A_1383, %get3A_112 : vector<16xf32>
      %mul3A_1385 = arith.mulf %get3A_1381, %add3A_1384 : vector<16xf32>
      %swap3A_1386 = arith.index_cast %add3A_1349 : i32 to index
      %swap3A_1387 = arith.constant 32 : index
      %swap3A_1388 = tpu.vector_load %arg9[%swap3A_1386, %swap3A_1387] {strides = array<i32>} : memref<512x128xf32, #tpu.memory_space<vmem>>, vector<1x16xf32>,
      %swap3A_1389 = vector.shape_cast %swap3A_1388 : vector<1x16xf32> to vector<16xf32>
      %swap3A_1390 = vector.shape_cast %mul3A_1385 : vector<16xf32> to vector<1x16xf32>
      tpu.vector_store %arg9[%swap3A_1386, %swap3A_1387], %swap3A_1390 {strides = array<i32>} : memref<512x128xf32, #tpu.memory_space<vmem>>, vector<1x16xf32>,
      %get3A_1391 = arith.index_cast %add3A_1349 : i32 to index
      %get3A_1392 = arith.constant 48 : index
      %get3A_1393 = tpu.vector_load %arg9[%get3A_1391, %get3A_1392] {strides = array<i32>} : memref<512x128xf32, #tpu.memory_space<vmem>>, vector<1x16xf32>,
      %get3A_1394 = vector.shape_cast %get3A_1393 : vector<1x16xf32> to vector<16xf32>
      %mul3A_1395 = vector.broadcast %squeeze3A_1351 : f32 to vector<16xf32>
      %mul3A_1396 = arith.mulf %mul3A_1395, %get3A_91 : vector<16xf32>
      %add3A_1397 = arith.addf %mul3A_1396, %get3A_115 : vector<16xf32>
      %mul3A_1398 = arith.mulf %get3A_1394, %add3A_1397 : vector<16xf32>
      %swap3A_1399 = arith.index_cast %add3A_1349 : i32 to index
      %swap3A_1400 = arith.constant 48 : index
      %swap3A_1401 = tpu.vector_load %arg9[%swap3A_1399, %swap3A_1400] {strides = array<i32>} : memref<512x128xf32, #tpu.memory_space<vmem>>, vector<1x16xf32>,
      %swap3A_1402 = vector.shape_cast %swap3A_1401 : vector<1x16xf32> to vector<16xf32>
      %swap3A_1403 = vector.shape_cast %mul3A_1398 : vector<16xf32> to vector<1x16xf32>
      tpu.vector_store %arg9[%swap3A_1399, %swap3A_1400], %swap3A_1403 {strides = array<i32>} : memref<512x128xf32, #tpu.memory_space<vmem>>, vector<1x16xf32>,
      %get3A_1404 = arith.index_cast %add3A_1349 : i32 to index
      %get3A_1405 = arith.constant 64 : index
      %get3A_1406 = tpu.vector_load %arg9[%get3A_1404, %get3A_1405] {strides = array<i32>} : memref<512x128xf32, #tpu.memory_space<vmem>>, vector<1x16xf32>,
      %get3A_1407 = vector.shape_cast %get3A_1406 : vector<1x16xf32> to vector<16xf32>
      %mul3A_1408 = vector.broadcast %squeeze3A_1351 : f32 to vector<16xf32>
      %mul3A_1409 = arith.mulf %mul3A_1408, %get3A_94 : vector<16xf32>
      %add3A_1410 = arith.addf %mul3A_1409, %get3A_118 : vector<16xf32>
      %mul3A_1411 = arith.mulf %get3A_1407, %add3A_1410 : vector<16xf32>
      %swap3A_1412 = arith.index_cast %add3A_1349 : i32 to index
      %swap3A_1413 = arith.constant 64 : index
      %swap3A_1414 = tpu.vector_load %arg9[%swap3A_1412, %swap3A_1413] {strides = array<i32>} : memref<512x128xf32, #tpu.memory_space<vmem>>, vector<1x16xf32>,
      %swap3A_1415 = vector.shape_cast %swap3A_1414 : vector<1x16xf32> to vector<16xf32>
      %swap3A_1416 = vector.shape_cast %mul3A_1411 : vector<16xf32> to vector<1x16xf32>
      tpu.vector_store %arg9[%swap3A_1412, %swap3A_1413], %swap3A_1416 {strides = array<i32>} : memref<512x128xf32, #tpu.memory_space<vmem>>, vector<1x16xf32>,
      %get3A_1417 = arith.index_cast %add3A_1349 : i32 to index
      %get3A_1418 = arith.constant 80 : index
      %get3A_1419 = tpu.vector_load %arg9[%get3A_1417, %get3A_1418] {strides = array<i32>} : memref<512x128xf32, #tpu.memory_space<vmem>>, vector<1x16xf32>,
      %get3A_1420 = vector.shape_cast %get3A_1419 : vector<1x16xf32> to vector<16xf32>
      %mul3A_1421 = vector.broadcast %squeeze3A_1351 : f32 to vector<16xf32>
      %mul3A_1422 = arith.mulf %mul3A_1421, %get3A_97 : vector<16xf32>
      %add3A_1423 = arith.addf %mul3A_1422, %get3A_121 : vector<16xf32>
      %mul3A_1424 = arith.mulf %get3A_1420, %add3A_1423 : vector<16xf32>
      %swap3A_1425 = arith.index_cast %add3A_1349 : i32 to index
      %swap3A_1426 = arith.constant 80 : index
      %swap3A_1427 = tpu.vector_load %arg9[%swap3A_1425, %swap3A_1426] {strides = array<i32>} : memref<512x128xf32, #tpu.memory_space<vmem>>, vector<1x16xf32>,
      %swap3A_1428 = vector.shape_cast %swap3A_1427 : vector<1x16xf32> to vector<16xf32>
      %swap3A_1429 = vector.shape_cast %mul3A_1424 : vector<16xf32> to vector<1x16xf32>
      tpu.vector_store %arg9[%swap3A_1425, %swap3A_1426], %swap3A_1429 {strides = array<i32>} : memref<512x128xf32, #tpu.memory_space<vmem>>, vector<1x16xf32>,
      %get3A_1430 = arith.index_cast %add3A_1349 : i32 to index
      %get3A_1431 = arith.constant 96 : index
      %get3A_1432 = tpu.vector_load %arg9[%get3A_1430, %get3A_1431] {strides = array<i32>} : memref<512x128xf32, #tpu.memory_space<vmem>>, vector<1x16xf32>,
      %get3A_1433 = vector.shape_cast %get3A_1432 : vector<1x16xf32> to vector<16xf32>
      %mul3A_1434 = vector.broadcast %squeeze3A_1351 : f32 to vector<16xf32>
      %mul3A_1435 = arith.mulf %mul3A_1434, %get3A_100 : vector<16xf32>
      %add3A_1436 = arith.addf %mul3A_1435, %get3A_124 : vector<16xf32>
      %mul3A_1437 = arith.mulf %get3A_1433, %add3A_1436 : vector<16xf32>
      %swap3A_1438 = arith.index_cast %add3A_1349 : i32 to index
      %swap3A_1439 = arith.constant 96 : index
      %swap3A_1440 = tpu.vector_load %arg9[%swap3A_1438, %swap3A_1439] {strides = array<i32>} : memref<512x128xf32, #tpu.memory_space<vmem>>, vector<1x16xf32>,
      %swap3A_1441 = vector.shape_cast %swap3A_1440 : vector<1x16xf32> to vector<16xf32>
      %swap3A_1442 = vector.shape_cast %mul3A_1437 : vector<16xf32> to vector<1x16xf32>
      tpu.vector_store %arg9[%swap3A_1438, %swap3A_1439], %swap3A_1442 {strides = array<i32>} : memref<512x128xf32, #tpu.memory_space<vmem>>, vector<1x16xf32>,
      %get3A_1443 = arith.index_cast %add3A_1349 : i32 to index
      %get3A_1444 = arith.constant 112 : index
      %get3A_1445 = tpu.vector_load %arg9[%get3A_1443, %get3A_1444] {strides = array<i32>} : memref<512x128xf32, #tpu.memory_space<vmem>>, vector<1x16xf32>,
      %get3A_1446 = vector.shape_cast %get3A_1445 : vector<1x16xf32> to vector<16xf32>
      %mul3A_1447 = vector.broadcast %squeeze3A_1351 : f32 to vector<16xf32>
      %mul3A_1448 = arith.mulf %mul3A_1447, %get3A_103 : vector<16xf32>
      %add3A_1449 = arith.addf %mul3A_1448, %get3A_127 : vector<16xf32>
      %mul3A_1450 = arith.mulf %get3A_1446, %add3A_1449 : vector<16xf32>
      %swap3A_1451 = arith.index_cast %add3A_1349 : i32 to index
      %swap3A_1452 = arith.constant 112 : index
      %swap3A_1453 = tpu.vector_load %arg9[%swap3A_1451, %swap3A_1452] {strides = array<i32>} : memref<512x128xf32, #tpu.memory_space<vmem>>, vector<1x16xf32>,
      %swap3A_1454 = vector.shape_cast %swap3A_1453 : vector<1x16xf32> to vector<16xf32>
      %swap3A_1455 = vector.shape_cast %mul3A_1450 : vector<16xf32> to vector<1x16xf32>
      tpu.vector_store %arg9[%swap3A_1451, %swap3A_1452], %swap3A_1455 {strides = array<i32>} : memref<512x128xf32, #tpu.memory_space<vmem>>, vector<1x16xf32>,
      %mul3A_1456 = arith.constant 16 : i32
      %mul3A_1457 = arith.muli %scan3A_133, %mul3A_1456 : i32
      %add3A_1458 = arith.constant 12 : i32
      %add3A_1459 = arith.addi %mul3A_1457, %add3A_1458 : i32
      %slice3A_1460 = vector.extract_strided_slice %get3A_138 {offsets = [12], sizes = [1], strides = [1]} : vector<16xf32> to vector<1xf32>
      %squeeze3A_1461 = vector.extract %slice3A_1460[0] : f32 from vector<1xf32>
      %get3A_1462 = arith.index_cast %add3A_1459 : i32 to index
      %get3A_1463 = arith.constant 0 : index
      %get3A_1464 = tpu.vector_load %arg9[%get3A_1462, %get3A_1463] {strides = array<i32>} : memref<512x128xf32, #tpu.memory_space<vmem>>, vector<1x16xf32>,
      %get3A_1465 = vector.shape_cast %get3A_1464 : vector<1x16xf32> to vector<16xf32>
      %mul3A_1466 = vector.broadcast %squeeze3A_1461 : f32 to vector<16xf32>
      %mul3A_1467 = arith.mulf %mul3A_1466, %get3A_82 : vector<16xf32>
      %add3A_1468 = arith.addf %mul3A_1467, %get3A_106 : vector<16xf32>
      %mul3A_1469 = arith.mulf %get3A_1465, %add3A_1468 : vector<16xf32>
      %swap3A_1470 = arith.index_cast %add3A_1459 : i32 to index
      %swap3A_1471 = arith.constant 0 : index
      %swap3A_1472 = tpu.vector_load %arg9[%swap3A_1470, %swap3A_1471] {strides = array<i32>} : memref<512x128xf32, #tpu.memory_space<vmem>>, vector<1x16xf32>,
      %swap3A_1473 = vector.shape_cast %swap3A_1472 : vector<1x16xf32> to vector<16xf32>
      %swap3A_1474 = vector.shape_cast %mul3A_1469 : vector<16xf32> to vector<1x16xf32>
      tpu.vector_store %arg9[%swap3A_1470, %swap3A_1471], %swap3A_1474 {strides = array<i32>} : memref<512x128xf32, #tpu.memory_space<vmem>>, vector<1x16xf32>,
      %get3A_1475 = arith.index_cast %add3A_1459 : i32 to index
      %get3A_1476 = arith.constant 16 : index
      %get3A_1477 = tpu.vector_load %arg9[%get3A_1475, %get3A_1476] {strides = array<i32>} : memref<512x128xf32, #tpu.memory_space<vmem>>, vector<1x16xf32>,
      %get3A_1478 = vector.shape_cast %get3A_1477 : vector<1x16xf32> to vector<16xf32>
      %mul3A_1479 = vector.broadcast %squeeze3A_1461 : f32 to vector<16xf32>
      %mul3A_1480 = arith.mulf %mul3A_1479, %get3A_85 : vector<16xf32>
      %add3A_1481 = arith.addf %mul3A_1480, %get3A_109 : vector<16xf32>
      %mul3A_1482 = arith.mulf %get3A_1478, %add3A_1481 : vector<16xf32>
      %swap3A_1483 = arith.index_cast %add3A_1459 : i32 to index
      %swap3A_1484 = arith.constant 16 : index
      %swap3A_1485 = tpu.vector_load %arg9[%swap3A_1483, %swap3A_1484] {strides = array<i32>} : memref<512x128xf32, #tpu.memory_space<vmem>>, vector<1x16xf32>,
      %swap3A_1486 = vector.shape_cast %swap3A_1485 : vector<1x16xf32> to vector<16xf32>
      %swap3A_1487 = vector.shape_cast %mul3A_1482 : vector<16xf32> to vector<1x16xf32>
      tpu.vector_store %arg9[%swap3A_1483, %swap3A_1484], %swap3A_1487 {strides = array<i32>} : memref<512x128xf32, #tpu.memory_space<vmem>>, vector<1x16xf32>,
      %get3A_1488 = arith.index_cast %add3A_1459 : i32 to index
      %get3A_1489 = arith.constant 32 : index
      %get3A_1490 = tpu.vector_load %arg9[%get3A_1488, %get3A_1489] {strides = array<i32>} : memref<512x128xf32, #tpu.memory_space<vmem>>, vector<1x16xf32>,
      %get3A_1491 = vector.shape_cast %get3A_1490 : vector<1x16xf32> to vector<16xf32>
      %mul3A_1492 = vector.broadcast %squeeze3A_1461 : f32 to vector<16xf32>
      %mul3A_1493 = arith.mulf %mul3A_1492, %get3A_88 : vector<16xf32>
      %add3A_1494 = arith.addf %mul3A_1493, %get3A_112 : vector<16xf32>
      %mul3A_1495 = arith.mulf %get3A_1491, %add3A_1494 : vector<16xf32>
      %swap3A_1496 = arith.index_cast %add3A_1459 : i32 to index
      %swap3A_1497 = arith.constant 32 : index
      %swap3A_1498 = tpu.vector_load %arg9[%swap3A_1496, %swap3A_1497] {strides = array<i32>} : memref<512x128xf32, #tpu.memory_space<vmem>>, vector<1x16xf32>,
      %swap3A_1499 = vector.shape_cast %swap3A_1498 : vector<1x16xf32> to vector<16xf32>
      %swap3A_1500 = vector.shape_cast %mul3A_1495 : vector<16xf32> to vector<1x16xf32>
      tpu.vector_store %arg9[%swap3A_1496, %swap3A_1497], %swap3A_1500 {strides = array<i32>} : memref<512x128xf32, #tpu.memory_space<vmem>>, vector<1x16xf32>,
      %get3A_1501 = arith.index_cast %add3A_1459 : i32 to index
      %get3A_1502 = arith.constant 48 : index
      %get3A_1503 = tpu.vector_load %arg9[%get3A_1501, %get3A_1502] {strides = array<i32>} : memref<512x128xf32, #tpu.memory_space<vmem>>, vector<1x16xf32>,
      %get3A_1504 = vector.shape_cast %get3A_1503 : vector<1x16xf32> to vector<16xf32>
      %mul3A_1505 = vector.broadcast %squeeze3A_1461 : f32 to vector<16xf32>
      %mul3A_1506 = arith.mulf %mul3A_1505, %get3A_91 : vector<16xf32>
      %add3A_1507 = arith.addf %mul3A_1506, %get3A_115 : vector<16xf32>
      %mul3A_1508 = arith.mulf %get3A_1504, %add3A_1507 : vector<16xf32>
      %swap3A_1509 = arith.index_cast %add3A_1459 : i32 to index
      %swap3A_1510 = arith.constant 48 : index
      %swap3A_1511 = tpu.vector_load %arg9[%swap3A_1509, %swap3A_1510] {strides = array<i32>} : memref<512x128xf32, #tpu.memory_space<vmem>>, vector<1x16xf32>,
      %swap3A_1512 = vector.shape_cast %swap3A_1511 : vector<1x16xf32> to vector<16xf32>
      %swap3A_1513 = vector.shape_cast %mul3A_1508 : vector<16xf32> to vector<1x16xf32>
      tpu.vector_store %arg9[%swap3A_1509, %swap3A_1510], %swap3A_1513 {strides = array<i32>} : memref<512x128xf32, #tpu.memory_space<vmem>>, vector<1x16xf32>,
      %get3A_1514 = arith.index_cast %add3A_1459 : i32 to index
      %get3A_1515 = arith.constant 64 : index
      %get3A_1516 = tpu.vector_load %arg9[%get3A_1514, %get3A_1515] {strides = array<i32>} : memref<512x128xf32, #tpu.memory_space<vmem>>, vector<1x16xf32>,
      %get3A_1517 = vector.shape_cast %get3A_1516 : vector<1x16xf32> to vector<16xf32>
      %mul3A_1518 = vector.broadcast %squeeze3A_1461 : f32 to vector<16xf32>
      %mul3A_1519 = arith.mulf %mul3A_1518, %get3A_94 : vector<16xf32>
      %add3A_1520 = arith.addf %mul3A_1519, %get3A_118 : vector<16xf32>
      %mul3A_1521 = arith.mulf %get3A_1517, %add3A_1520 : vector<16xf32>
      %swap3A_1522 = arith.index_cast %add3A_1459 : i32 to index
      %swap3A_1523 = arith.constant 64 : index
      %swap3A_1524 = tpu.vector_load %arg9[%swap3A_1522, %swap3A_1523] {strides = array<i32>} : memref<512x128xf32, #tpu.memory_space<vmem>>, vector<1x16xf32>,
      %swap3A_1525 = vector.shape_cast %swap3A_1524 : vector<1x16xf32> to vector<16xf32>
      %swap3A_1526 = vector.shape_cast %mul3A_1521 : vector<16xf32> to vector<1x16xf32>
      tpu.vector_store %arg9[%swap3A_1522, %swap3A_1523], %swap3A_1526 {strides = array<i32>} : memref<512x128xf32, #tpu.memory_space<vmem>>, vector<1x16xf32>,
      %get3A_1527 = arith.index_cast %add3A_1459 : i32 to index
      %get3A_1528 = arith.constant 80 : index
      %get3A_1529 = tpu.vector_load %arg9[%get3A_1527, %get3A_1528] {strides = array<i32>} : memref<512x128xf32, #tpu.memory_space<vmem>>, vector<1x16xf32>,
      %get3A_1530 = vector.shape_cast %get3A_1529 : vector<1x16xf32> to vector<16xf32>
      %mul3A_1531 = vector.broadcast %squeeze3A_1461 : f32 to vector<16xf32>
      %mul3A_1532 = arith.mulf %mul3A_1531, %get3A_97 : vector<16xf32>
      %add3A_1533 = arith.addf %mul3A_1532, %get3A_121 : vector<16xf32>
      %mul3A_1534 = arith.mulf %get3A_1530, %add3A_1533 : vector<16xf32>
      %swap3A_1535 = arith.index_cast %add3A_1459 : i32 to index
      %swap3A_1536 = arith.constant 80 : index
      %swap3A_1537 = tpu.vector_load %arg9[%swap3A_1535, %swap3A_1536] {strides = array<i32>} : memref<512x128xf32, #tpu.memory_space<vmem>>, vector<1x16xf32>,
      %swap3A_1538 = vector.shape_cast %swap3A_1537 : vector<1x16xf32> to vector<16xf32>
      %swap3A_1539 = vector.shape_cast %mul3A_1534 : vector<16xf32> to vector<1x16xf32>
      tpu.vector_store %arg9[%swap3A_1535, %swap3A_1536], %swap3A_1539 {strides = array<i32>} : memref<512x128xf32, #tpu.memory_space<vmem>>, vector<1x16xf32>,
      %get3A_1540 = arith.index_cast %add3A_1459 : i32 to index
      %get3A_1541 = arith.constant 96 : index
      %get3A_1542 = tpu.vector_load %arg9[%get3A_1540, %get3A_1541] {strides = array<i32>} : memref<512x128xf32, #tpu.memory_space<vmem>>, vector<1x16xf32>,
      %get3A_1543 = vector.shape_cast %get3A_1542 : vector<1x16xf32> to vector<16xf32>
      %mul3A_1544 = vector.broadcast %squeeze3A_1461 : f32 to vector<16xf32>
      %mul3A_1545 = arith.mulf %mul3A_1544, %get3A_100 : vector<16xf32>
      %add3A_1546 = arith.addf %mul3A_1545, %get3A_124 : vector<16xf32>
      %mul3A_1547 = arith.mulf %get3A_1543, %add3A_1546 : vector<16xf32>
      %swap3A_1548 = arith.index_cast %add3A_1459 : i32 to index
      %swap3A_1549 = arith.constant 96 : index
      %swap3A_1550 = tpu.vector_load %arg9[%swap3A_1548, %swap3A_1549] {strides = array<i32>} : memref<512x128xf32, #tpu.memory_space<vmem>>, vector<1x16xf32>,
      %swap3A_1551 = vector.shape_cast %swap3A_1550 : vector<1x16xf32> to vector<16xf32>
      %swap3A_1552 = vector.shape_cast %mul3A_1547 : vector<16xf32> to vector<1x16xf32>
      tpu.vector_store %arg9[%swap3A_1548, %swap3A_1549], %swap3A_1552 {strides = array<i32>} : memref<512x128xf32, #tpu.memory_space<vmem>>, vector<1x16xf32>,
      %get3A_1553 = arith.index_cast %add3A_1459 : i32 to index
      %get3A_1554 = arith.constant 112 : index
      %get3A_1555 = tpu.vector_load %arg9[%get3A_1553, %get3A_1554] {strides = array<i32>} : memref<512x128xf32, #tpu.memory_space<vmem>>, vector<1x16xf32>,
      %get3A_1556 = vector.shape_cast %get3A_1555 : vector<1x16xf32> to vector<16xf32>
      %mul3A_1557 = vector.broadcast %squeeze3A_1461 : f32 to vector<16xf32>
      %mul3A_1558 = arith.mulf %mul3A_1557, %get3A_103 : vector<16xf32>
      %add3A_1559 = arith.addf %mul3A_1558, %get3A_127 : vector<16xf32>
      %mul3A_1560 = arith.mulf %get3A_1556, %add3A_1559 : vector<16xf32>
      %swap3A_1561 = arith.index_cast %add3A_1459 : i32 to index
      %swap3A_1562 = arith.constant 112 : index
      %swap3A_1563 = tpu.vector_load %arg9[%swap3A_1561, %swap3A_1562] {strides = array<i32>} : memref<512x128xf32, #tpu.memory_space<vmem>>, vector<1x16xf32>,
      %swap3A_1564 = vector.shape_cast %swap3A_1563 : vector<1x16xf32> to vector<16xf32>
      %swap3A_1565 = vector.shape_cast %mul3A_1560 : vector<16xf32> to vector<1x16xf32>
      tpu.vector_store %arg9[%swap3A_1561, %swap3A_1562], %swap3A_1565 {strides = array<i32>} : memref<512x128xf32, #tpu.memory_space<vmem>>, vector<1x16xf32>,
      %mul3A_1566 = arith.constant 16 : i32
      %mul3A_1567 = arith.muli %scan3A_133, %mul3A_1566 : i32
      %add3A_1568 = arith.constant 13 : i32
      %add3A_1569 = arith.addi %mul3A_1567, %add3A_1568 : i32
      %slice3A_1570 = vector.extract_strided_slice %get3A_138 {offsets = [13], sizes = [1], strides = [1]} : vector<16xf32> to vector<1xf32>
      %squeeze3A_1571 = vector.extract %slice3A_1570[0] : f32 from vector<1xf32>
      %get3A_1572 = arith.index_cast %add3A_1569 : i32 to index
      %get3A_1573 = arith.constant 0 : index
      %get3A_1574 = tpu.vector_load %arg9[%get3A_1572, %get3A_1573] {strides = array<i32>} : memref<512x128xf32, #tpu.memory_space<vmem>>, vector<1x16xf32>,
      %get3A_1575 = vector.shape_cast %get3A_1574 : vector<1x16xf32> to vector<16xf32>
      %mul3A_1576 = vector.broadcast %squeeze3A_1571 : f32 to vector<16xf32>
      %mul3A_1577 = arith.mulf %mul3A_1576, %get3A_82 : vector<16xf32>
      %add3A_1578 = arith.addf %mul3A_1577, %get3A_106 : vector<16xf32>
      %mul3A_1579 = arith.mulf %get3A_1575, %add3A_1578 : vector<16xf32>
      %swap3A_1580 = arith.index_cast %add3A_1569 : i32 to index
      %swap3A_1581 = arith.constant 0 : index
      %swap3A_1582 = tpu.vector_load %arg9[%swap3A_1580, %swap3A_1581] {strides = array<i32>} : memref<512x128xf32, #tpu.memory_space<vmem>>, vector<1x16xf32>,
      %swap3A_1583 = vector.shape_cast %swap3A_1582 : vector<1x16xf32> to vector<16xf32>
      %swap3A_1584 = vector.shape_cast %mul3A_1579 : vector<16xf32> to vector<1x16xf32>
      tpu.vector_store %arg9[%swap3A_1580, %swap3A_1581], %swap3A_1584 {strides = array<i32>} : memref<512x128xf32, #tpu.memory_space<vmem>>, vector<1x16xf32>,
      %get3A_1585 = arith.index_cast %add3A_1569 : i32 to index
      %get3A_1586 = arith.constant 16 : index
      %get3A_1587 = tpu.vector_load %arg9[%get3A_1585, %get3A_1586] {strides = array<i32>} : memref<512x128xf32, #tpu.memory_space<vmem>>, vector<1x16xf32>,
      %get3A_1588 = vector.shape_cast %get3A_1587 : vector<1x16xf32> to vector<16xf32>
      %mul3A_1589 = vector.broadcast %squeeze3A_1571 : f32 to vector<16xf32>
      %mul3A_1590 = arith.mulf %mul3A_1589, %get3A_85 : vector<16xf32>
      %add3A_1591 = arith.addf %mul3A_1590, %get3A_109 : vector<16xf32>
      %mul3A_1592 = arith.mulf %get3A_1588, %add3A_1591 : vector<16xf32>
      %swap3A_1593 = arith.index_cast %add3A_1569 : i32 to index
      %swap3A_1594 = arith.constant 16 : index
      %swap3A_1595 = tpu.vector_load %arg9[%swap3A_1593, %swap3A_1594] {strides = array<i32>} : memref<512x128xf32, #tpu.memory_space<vmem>>, vector<1x16xf32>,
      %swap3A_1596 = vector.shape_cast %swap3A_1595 : vector<1x16xf32> to vector<16xf32>
      %swap3A_1597 = vector.shape_cast %mul3A_1592 : vector<16xf32> to vector<1x16xf32>
      tpu.vector_store %arg9[%swap3A_1593, %swap3A_1594], %swap3A_1597 {strides = array<i32>} : memref<512x128xf32, #tpu.memory_space<vmem>>, vector<1x16xf32>,
      %get3A_1598 = arith.index_cast %add3A_1569 : i32 to index
      %get3A_1599 = arith.constant 32 : index
      %get3A_1600 = tpu.vector_load %arg9[%get3A_1598, %get3A_1599] {strides = array<i32>} : memref<512x128xf32, #tpu.memory_space<vmem>>, vector<1x16xf32>,
      %get3A_1601 = vector.shape_cast %get3A_1600 : vector<1x16xf32> to vector<16xf32>
      %mul3A_1602 = vector.broadcast %squeeze3A_1571 : f32 to vector<16xf32>
      %mul3A_1603 = arith.mulf %mul3A_1602, %get3A_88 : vector<16xf32>
      %add3A_1604 = arith.addf %mul3A_1603, %get3A_112 : vector<16xf32>
      %mul3A_1605 = arith.mulf %get3A_1601, %add3A_1604 : vector<16xf32>
      %swap3A_1606 = arith.index_cast %add3A_1569 : i32 to index
      %swap3A_1607 = arith.constant 32 : index
      %swap3A_1608 = tpu.vector_load %arg9[%swap3A_1606, %swap3A_1607] {strides = array<i32>} : memref<512x128xf32, #tpu.memory_space<vmem>>, vector<1x16xf32>,
      %swap3A_1609 = vector.shape_cast %swap3A_1608 : vector<1x16xf32> to vector<16xf32>
      %swap3A_1610 = vector.shape_cast %mul3A_1605 : vector<16xf32> to vector<1x16xf32>
      tpu.vector_store %arg9[%swap3A_1606, %swap3A_1607], %swap3A_1610 {strides = array<i32>} : memref<512x128xf32, #tpu.memory_space<vmem>>, vector<1x16xf32>,
      %get3A_1611 = arith.index_cast %add3A_1569 : i32 to index
      %get3A_1612 = arith.constant 48 : index
      %get3A_1613 = tpu.vector_load %arg9[%get3A_1611, %get3A_1612] {strides = array<i32>} : memref<512x128xf32, #tpu.memory_space<vmem>>, vector<1x16xf32>,
      %get3A_1614 = vector.shape_cast %get3A_1613 : vector<1x16xf32> to vector<16xf32>
      %mul3A_1615 = vector.broadcast %squeeze3A_1571 : f32 to vector<16xf32>
      %mul3A_1616 = arith.mulf %mul3A_1615, %get3A_91 : vector<16xf32>
      %add3A_1617 = arith.addf %mul3A_1616, %get3A_115 : vector<16xf32>
      %mul3A_1618 = arith.mulf %get3A_1614, %add3A_1617 : vector<16xf32>
      %swap3A_1619 = arith.index_cast %add3A_1569 : i32 to index
      %swap3A_1620 = arith.constant 48 : index
      %swap3A_1621 = tpu.vector_load %arg9[%swap3A_1619, %swap3A_1620] {strides = array<i32>} : memref<512x128xf32, #tpu.memory_space<vmem>>, vector<1x16xf32>,
      %swap3A_1622 = vector.shape_cast %swap3A_1621 : vector<1x16xf32> to vector<16xf32>
      %swap3A_1623 = vector.shape_cast %mul3A_1618 : vector<16xf32> to vector<1x16xf32>
      tpu.vector_store %arg9[%swap3A_1619, %swap3A_1620], %swap3A_1623 {strides = array<i32>} : memref<512x128xf32, #tpu.memory_space<vmem>>, vector<1x16xf32>,
      %get3A_1624 = arith.index_cast %add3A_1569 : i32 to index
      %get3A_1625 = arith.constant 64 : index
      %get3A_1626 = tpu.vector_load %arg9[%get3A_1624, %get3A_1625] {strides = array<i32>} : memref<512x128xf32, #tpu.memory_space<vmem>>, vector<1x16xf32>,
      %get3A_1627 = vector.shape_cast %get3A_1626 : vector<1x16xf32> to vector<16xf32>
      %mul3A_1628 = vector.broadcast %squeeze3A_1571 : f32 to vector<16xf32>
      %mul3A_1629 = arith.mulf %mul3A_1628, %get3A_94 : vector<16xf32>
      %add3A_1630 = arith.addf %mul3A_1629, %get3A_118 : vector<16xf32>
      %mul3A_1631 = arith.mulf %get3A_1627, %add3A_1630 : vector<16xf32>
      %swap3A_1632 = arith.index_cast %add3A_1569 : i32 to index
      %swap3A_1633 = arith.constant 64 : index
      %swap3A_1634 = tpu.vector_load %arg9[%swap3A_1632, %swap3A_1633] {strides = array<i32>} : memref<512x128xf32, #tpu.memory_space<vmem>>, vector<1x16xf32>,
      %swap3A_1635 = vector.shape_cast %swap3A_1634 : vector<1x16xf32> to vector<16xf32>
      %swap3A_1636 = vector.shape_cast %mul3A_1631 : vector<16xf32> to vector<1x16xf32>
      tpu.vector_store %arg9[%swap3A_1632, %swap3A_1633], %swap3A_1636 {strides = array<i32>} : memref<512x128xf32, #tpu.memory_space<vmem>>, vector<1x16xf32>,
      %get3A_1637 = arith.index_cast %add3A_1569 : i32 to index
      %get3A_1638 = arith.constant 80 : index
      %get3A_1639 = tpu.vector_load %arg9[%get3A_1637, %get3A_1638] {strides = array<i32>} : memref<512x128xf32, #tpu.memory_space<vmem>>, vector<1x16xf32>,
      %get3A_1640 = vector.shape_cast %get3A_1639 : vector<1x16xf32> to vector<16xf32>
      %mul3A_1641 = vector.broadcast %squeeze3A_1571 : f32 to vector<16xf32>
      %mul3A_1642 = arith.mulf %mul3A_1641, %get3A_97 : vector<16xf32>
      %add3A_1643 = arith.addf %mul3A_1642, %get3A_121 : vector<16xf32>
      %mul3A_1644 = arith.mulf %get3A_1640, %add3A_1643 : vector<16xf32>
      %swap3A_1645 = arith.index_cast %add3A_1569 : i32 to index
      %swap3A_1646 = arith.constant 80 : index
      %swap3A_1647 = tpu.vector_load %arg9[%swap3A_1645, %swap3A_1646] {strides = array<i32>} : memref<512x128xf32, #tpu.memory_space<vmem>>, vector<1x16xf32>,
      %swap3A_1648 = vector.shape_cast %swap3A_1647 : vector<1x16xf32> to vector<16xf32>
      %swap3A_1649 = vector.shape_cast %mul3A_1644 : vector<16xf32> to vector<1x16xf32>
      tpu.vector_store %arg9[%swap3A_1645, %swap3A_1646], %swap3A_1649 {strides = array<i32>} : memref<512x128xf32, #tpu.memory_space<vmem>>, vector<1x16xf32>,
      %get3A_1650 = arith.index_cast %add3A_1569 : i32 to index
      %get3A_1651 = arith.constant 96 : index
      %get3A_1652 = tpu.vector_load %arg9[%get3A_1650, %get3A_1651] {strides = array<i32>} : memref<512x128xf32, #tpu.memory_space<vmem>>, vector<1x16xf32>,
      %get3A_1653 = vector.shape_cast %get3A_1652 : vector<1x16xf32> to vector<16xf32>
      %mul3A_1654 = vector.broadcast %squeeze3A_1571 : f32 to vector<16xf32>
      %mul3A_1655 = arith.mulf %mul3A_1654, %get3A_100 : vector<16xf32>
      %add3A_1656 = arith.addf %mul3A_1655, %get3A_124 : vector<16xf32>
      %mul3A_1657 = arith.mulf %get3A_1653, %add3A_1656 : vector<16xf32>
      %swap3A_1658 = arith.index_cast %add3A_1569 : i32 to index
      %swap3A_1659 = arith.constant 96 : index
      %swap3A_1660 = tpu.vector_load %arg9[%swap3A_1658, %swap3A_1659] {strides = array<i32>} : memref<512x128xf32, #tpu.memory_space<vmem>>, vector<1x16xf32>,
      %swap3A_1661 = vector.shape_cast %swap3A_1660 : vector<1x16xf32> to vector<16xf32>
      %swap3A_1662 = vector.shape_cast %mul3A_1657 : vector<16xf32> to vector<1x16xf32>
      tpu.vector_store %arg9[%swap3A_1658, %swap3A_1659], %swap3A_1662 {strides = array<i32>} : memref<512x128xf32, #tpu.memory_space<vmem>>, vector<1x16xf32>,
      %get3A_1663 = arith.index_cast %add3A_1569 : i32 to index
      %get3A_1664 = arith.constant 112 : index
      %get3A_1665 = tpu.vector_load %arg9[%get3A_1663, %get3A_1664] {strides = array<i32>} : memref<512x128xf32, #tpu.memory_space<vmem>>, vector<1x16xf32>,
      %get3A_1666 = vector.shape_cast %get3A_1665 : vector<1x16xf32> to vector<16xf32>
      %mul3A_1667 = vector.broadcast %squeeze3A_1571 : f32 to vector<16xf32>
      %mul3A_1668 = arith.mulf %mul3A_1667, %get3A_103 : vector<16xf32>
      %add3A_1669 = arith.addf %mul3A_1668, %get3A_127 : vector<16xf32>
      %mul3A_1670 = arith.mulf %get3A_1666, %add3A_1669 : vector<16xf32>
      %swap3A_1671 = arith.index_cast %add3A_1569 : i32 to index
      %swap3A_1672 = arith.constant 112 : index
      %swap3A_1673 = tpu.vector_load %arg9[%swap3A_1671, %swap3A_1672] {strides = array<i32>} : memref<512x128xf32, #tpu.memory_space<vmem>>, vector<1x16xf32>,
      %swap3A_1674 = vector.shape_cast %swap3A_1673 : vector<1x16xf32> to vector<16xf32>
      %swap3A_1675 = vector.shape_cast %mul3A_1670 : vector<16xf32> to vector<1x16xf32>
      tpu.vector_store %arg9[%swap3A_1671, %swap3A_1672], %swap3A_1675 {strides = array<i32>} : memref<512x128xf32, #tpu.memory_space<vmem>>, vector<1x16xf32>,
      %mul3A_1676 = arith.constant 16 : i32
      %mul3A_1677 = arith.muli %scan3A_133, %mul3A_1676 : i32
      %add3A_1678 = arith.constant 14 : i32
      %add3A_1679 = arith.addi %mul3A_1677, %add3A_1678 : i32
      %slice3A_1680 = vector.extract_strided_slice %get3A_138 {offsets = [14], sizes = [1], strides = [1]} : vector<16xf32> to vector<1xf32>
      %squeeze3A_1681 = vector.extract %slice3A_1680[0] : f32 from vector<1xf32>
      %get3A_1682 = arith.index_cast %add3A_1679 : i32 to index
      %get3A_1683 = arith.constant 0 : index
      %get3A_1684 = tpu.vector_load %arg9[%get3A_1682, %get3A_1683] {strides = array<i32>} : memref<512x128xf32, #tpu.memory_space<vmem>>, vector<1x16xf32>,
      %get3A_1685 = vector.shape_cast %get3A_1684 : vector<1x16xf32> to vector<16xf32>
      %mul3A_1686 = vector.broadcast %squeeze3A_1681 : f32 to vector<16xf32>
      %mul3A_1687 = arith.mulf %mul3A_1686, %get3A_82 : vector<16xf32>
      %add3A_1688 = arith.addf %mul3A_1687, %get3A_106 : vector<16xf32>
      %mul3A_1689 = arith.mulf %get3A_1685, %add3A_1688 : vector<16xf32>
      %swap3A_1690 = arith.index_cast %add3A_1679 : i32 to index
      %swap3A_1691 = arith.constant 0 : index
      %swap3A_1692 = tpu.vector_load %arg9[%swap3A_1690, %swap3A_1691] {strides = array<i32>} : memref<512x128xf32, #tpu.memory_space<vmem>>, vector<1x16xf32>,
      %swap3A_1693 = vector.shape_cast %swap3A_1692 : vector<1x16xf32> to vector<16xf32>
      %swap3A_1694 = vector.shape_cast %mul3A_1689 : vector<16xf32> to vector<1x16xf32>
      tpu.vector_store %arg9[%swap3A_1690, %swap3A_1691], %swap3A_1694 {strides = array<i32>} : memref<512x128xf32, #tpu.memory_space<vmem>>, vector<1x16xf32>,
      %get3A_1695 = arith.index_cast %add3A_1679 : i32 to index
      %get3A_1696 = arith.constant 16 : index
      %get3A_1697 = tpu.vector_load %arg9[%get3A_1695, %get3A_1696] {strides = array<i32>} : memref<512x128xf32, #tpu.memory_space<vmem>>, vector<1x16xf32>,
      %get3A_1698 = vector.shape_cast %get3A_1697 : vector<1x16xf32> to vector<16xf32>
      %mul3A_1699 = vector.broadcast %squeeze3A_1681 : f32 to vector<16xf32>
      %mul3A_1700 = arith.mulf %mul3A_1699, %get3A_85 : vector<16xf32>
      %add3A_1701 = arith.addf %mul3A_1700, %get3A_109 : vector<16xf32>
      %mul3A_1702 = arith.mulf %get3A_1698, %add3A_1701 : vector<16xf32>
      %swap3A_1703 = arith.index_cast %add3A_1679 : i32 to index
      %swap3A_1704 = arith.constant 16 : index
      %swap3A_1705 = tpu.vector_load %arg9[%swap3A_1703, %swap3A_1704] {strides = array<i32>} : memref<512x128xf32, #tpu.memory_space<vmem>>, vector<1x16xf32>,
      %swap3A_1706 = vector.shape_cast %swap3A_1705 : vector<1x16xf32> to vector<16xf32>
      %swap3A_1707 = vector.shape_cast %mul3A_1702 : vector<16xf32> to vector<1x16xf32>
      tpu.vector_store %arg9[%swap3A_1703, %swap3A_1704], %swap3A_1707 {strides = array<i32>} : memref<512x128xf32, #tpu.memory_space<vmem>>, vector<1x16xf32>,
      %get3A_1708 = arith.index_cast %add3A_1679 : i32 to index
      %get3A_1709 = arith.constant 32 : index
      %get3A_1710 = tpu.vector_load %arg9[%get3A_1708, %get3A_1709] {strides = array<i32>} : memref<512x128xf32, #tpu.memory_space<vmem>>, vector<1x16xf32>,
      %get3A_1711 = vector.shape_cast %get3A_1710 : vector<1x16xf32> to vector<16xf32>
      %mul3A_1712 = vector.broadcast %squeeze3A_1681 : f32 to vector<16xf32>
      %mul3A_1713 = arith.mulf %mul3A_1712, %get3A_88 : vector<16xf32>
      %add3A_1714 = arith.addf %mul3A_1713, %get3A_112 : vector<16xf32>
      %mul3A_1715 = arith.mulf %get3A_1711, %add3A_1714 : vector<16xf32>
      %swap3A_1716 = arith.index_cast %add3A_1679 : i32 to index
      %swap3A_1717 = arith.constant 32 : index
      %swap3A_1718 = tpu.vector_load %arg9[%swap3A_1716, %swap3A_1717] {strides = array<i32>} : memref<512x128xf32, #tpu.memory_space<vmem>>, vector<1x16xf32>,
      %swap3A_1719 = vector.shape_cast %swap3A_1718 : vector<1x16xf32> to vector<16xf32>
      %swap3A_1720 = vector.shape_cast %mul3A_1715 : vector<16xf32> to vector<1x16xf32>
      tpu.vector_store %arg9[%swap3A_1716, %swap3A_1717], %swap3A_1720 {strides = array<i32>} : memref<512x128xf32, #tpu.memory_space<vmem>>, vector<1x16xf32>,
      %get3A_1721 = arith.index_cast %add3A_1679 : i32 to index
      %get3A_1722 = arith.constant 48 : index
      %get3A_1723 = tpu.vector_load %arg9[%get3A_1721, %get3A_1722] {strides = array<i32>} : memref<512x128xf32, #tpu.memory_space<vmem>>, vector<1x16xf32>,
      %get3A_1724 = vector.shape_cast %get3A_1723 : vector<1x16xf32> to vector<16xf32>
      %mul3A_1725 = vector.broadcast %squeeze3A_1681 : f32 to vector<16xf32>
      %mul3A_1726 = arith.mulf %mul3A_1725, %get3A_91 : vector<16xf32>
      %add3A_1727 = arith.addf %mul3A_1726, %get3A_115 : vector<16xf32>
      %mul3A_1728 = arith.mulf %get3A_1724, %add3A_1727 : vector<16xf32>
      %swap3A_1729 = arith.index_cast %add3A_1679 : i32 to index
      %swap3A_1730 = arith.constant 48 : index
      %swap3A_1731 = tpu.vector_load %arg9[%swap3A_1729, %swap3A_1730] {strides = array<i32>} : memref<512x128xf32, #tpu.memory_space<vmem>>, vector<1x16xf32>,
      %swap3A_1732 = vector.shape_cast %swap3A_1731 : vector<1x16xf32> to vector<16xf32>
      %swap3A_1733 = vector.shape_cast %mul3A_1728 : vector<16xf32> to vector<1x16xf32>
      tpu.vector_store %arg9[%swap3A_1729, %swap3A_1730], %swap3A_1733 {strides = array<i32>} : memref<512x128xf32, #tpu.memory_space<vmem>>, vector<1x16xf32>,
      %get3A_1734 = arith.index_cast %add3A_1679 : i32 to index
      %get3A_1735 = arith.constant 64 : index
      %get3A_1736 = tpu.vector_load %arg9[%get3A_1734, %get3A_1735] {strides = array<i32>} : memref<512x128xf32, #tpu.memory_space<vmem>>, vector<1x16xf32>,
      %get3A_1737 = vector.shape_cast %get3A_1736 : vector<1x16xf32> to vector<16xf32>
      %mul3A_1738 = vector.broadcast %squeeze3A_1681 : f32 to vector<16xf32>
      %mul3A_1739 = arith.mulf %mul3A_1738, %get3A_94 : vector<16xf32>
      %add3A_1740 = arith.addf %mul3A_1739, %get3A_118 : vector<16xf32>
      %mul3A_1741 = arith.mulf %get3A_1737, %add3A_1740 : vector<16xf32>
      %swap3A_1742 = arith.index_cast %add3A_1679 : i32 to index
      %swap3A_1743 = arith.constant 64 : index
      %swap3A_1744 = tpu.vector_load %arg9[%swap3A_1742, %swap3A_1743] {strides = array<i32>} : memref<512x128xf32, #tpu.memory_space<vmem>>, vector<1x16xf32>,
      %swap3A_1745 = vector.shape_cast %swap3A_1744 : vector<1x16xf32> to vector<16xf32>
      %swap3A_1746 = vector.shape_cast %mul3A_1741 : vector<16xf32> to vector<1x16xf32>
      tpu.vector_store %arg9[%swap3A_1742, %swap3A_1743], %swap3A_1746 {strides = array<i32>} : memref<512x128xf32, #tpu.memory_space<vmem>>, vector<1x16xf32>,
      %get3A_1747 = arith.index_cast %add3A_1679 : i32 to index
      %get3A_1748 = arith.constant 80 : index
      %get3A_1749 = tpu.vector_load %arg9[%get3A_1747, %get3A_1748] {strides = array<i32>} : memref<512x128xf32, #tpu.memory_space<vmem>>, vector<1x16xf32>,
      %get3A_1750 = vector.shape_cast %get3A_1749 : vector<1x16xf32> to vector<16xf32>
      %mul3A_1751 = vector.broadcast %squeeze3A_1681 : f32 to vector<16xf32>
      %mul3A_1752 = arith.mulf %mul3A_1751, %get3A_97 : vector<16xf32>
      %add3A_1753 = arith.addf %mul3A_1752, %get3A_121 : vector<16xf32>
      %mul3A_1754 = arith.mulf %get3A_1750, %add3A_1753 : vector<16xf32>
      %swap3A_1755 = arith.index_cast %add3A_1679 : i32 to index
      %swap3A_1756 = arith.constant 80 : index
      %swap3A_1757 = tpu.vector_load %arg9[%swap3A_1755, %swap3A_1756] {strides = array<i32>} : memref<512x128xf32, #tpu.memory_space<vmem>>, vector<1x16xf32>,
      %swap3A_1758 = vector.shape_cast %swap3A_1757 : vector<1x16xf32> to vector<16xf32>
      %swap3A_1759 = vector.shape_cast %mul3A_1754 : vector<16xf32> to vector<1x16xf32>
      tpu.vector_store %arg9[%swap3A_1755, %swap3A_1756], %swap3A_1759 {strides = array<i32>} : memref<512x128xf32, #tpu.memory_space<vmem>>, vector<1x16xf32>,
      %get3A_1760 = arith.index_cast %add3A_1679 : i32 to index
      %get3A_1761 = arith.constant 96 : index
      %get3A_1762 = tpu.vector_load %arg9[%get3A_1760, %get3A_1761] {strides = array<i32>} : memref<512x128xf32, #tpu.memory_space<vmem>>, vector<1x16xf32>,
      %get3A_1763 = vector.shape_cast %get3A_1762 : vector<1x16xf32> to vector<16xf32>
      %mul3A_1764 = vector.broadcast %squeeze3A_1681 : f32 to vector<16xf32>
      %mul3A_1765 = arith.mulf %mul3A_1764, %get3A_100 : vector<16xf32>
      %add3A_1766 = arith.addf %mul3A_1765, %get3A_124 : vector<16xf32>
      %mul3A_1767 = arith.mulf %get3A_1763, %add3A_1766 : vector<16xf32>
      %swap3A_1768 = arith.index_cast %add3A_1679 : i32 to index
      %swap3A_1769 = arith.constant 96 : index
      %swap3A_1770 = tpu.vector_load %arg9[%swap3A_1768, %swap3A_1769] {strides = array<i32>} : memref<512x128xf32, #tpu.memory_space<vmem>>, vector<1x16xf32>,
      %swap3A_1771 = vector.shape_cast %swap3A_1770 : vector<1x16xf32> to vector<16xf32>
      %swap3A_1772 = vector.shape_cast %mul3A_1767 : vector<16xf32> to vector<1x16xf32>
      tpu.vector_store %arg9[%swap3A_1768, %swap3A_1769], %swap3A_1772 {strides = array<i32>} : memref<512x128xf32, #tpu.memory_space<vmem>>, vector<1x16xf32>,
      %get3A_1773 = arith.index_cast %add3A_1679 : i32 to index
      %get3A_1774 = arith.constant 112 : index
      %get3A_1775 = tpu.vector_load %arg9[%get3A_1773, %get3A_1774] {strides = array<i32>} : memref<512x128xf32, #tpu.memory_space<vmem>>, vector<1x16xf32>,
      %get3A_1776 = vector.shape_cast %get3A_1775 : vector<1x16xf32> to vector<16xf32>
      %mul3A_1777 = vector.broadcast %squeeze3A_1681 : f32 to vector<16xf32>
      %mul3A_1778 = arith.mulf %mul3A_1777, %get3A_103 : vector<16xf32>
      %add3A_1779 = arith.addf %mul3A_1778, %get3A_127 : vector<16xf32>
      %mul3A_1780 = arith.mulf %get3A_1776, %add3A_1779 : vector<16xf32>
      %swap3A_1781 = arith.index_cast %add3A_1679 : i32 to index
      %swap3A_1782 = arith.constant 112 : index
      %swap3A_1783 = tpu.vector_load %arg9[%swap3A_1781, %swap3A_1782] {strides = array<i32>} : memref<512x128xf32, #tpu.memory_space<vmem>>, vector<1x16xf32>,
      %swap3A_1784 = vector.shape_cast %swap3A_1783 : vector<1x16xf32> to vector<16xf32>
      %swap3A_1785 = vector.shape_cast %mul3A_1780 : vector<16xf32> to vector<1x16xf32>
      tpu.vector_store %arg9[%swap3A_1781, %swap3A_1782], %swap3A_1785 {strides = array<i32>} : memref<512x128xf32, #tpu.memory_space<vmem>>, vector<1x16xf32>,
      %mul3A_1786 = arith.constant 16 : i32
      %mul3A_1787 = arith.muli %scan3A_133, %mul3A_1786 : i32
      %add3A_1788 = arith.constant 15 : i32
      %add3A_1789 = arith.addi %mul3A_1787, %add3A_1788 : i32
      %slice3A_1790 = vector.extract_strided_slice %get3A_138 {offsets = [15], sizes = [1], strides = [1]} : vector<16xf32> to vector<1xf32>
      %squeeze3A_1791 = vector.extract %slice3A_1790[0] : f32 from vector<1xf32>
      %get3A_1792 = arith.index_cast %add3A_1789 : i32 to index
      %get3A_1793 = arith.constant 0 : index
      %get3A_1794 = tpu.vector_load %arg9[%get3A_1792, %get3A_1793] {strides = array<i32>} : memref<512x128xf32, #tpu.memory_space<vmem>>, vector<1x16xf32>,
      %get3A_1795 = vector.shape_cast %get3A_1794 : vector<1x16xf32> to vector<16xf32>
      %mul3A_1796 = vector.broadcast %squeeze3A_1791 : f32 to vector<16xf32>
      %mul3A_1797 = arith.mulf %mul3A_1796, %get3A_82 : vector<16xf32>
      %add3A_1798 = arith.addf %mul3A_1797, %get3A_106 : vector<16xf32>
      %mul3A_1799 = arith.mulf %get3A_1795, %add3A_1798 : vector<16xf32>
      %swap3A_1800 = arith.index_cast %add3A_1789 : i32 to index
      %swap3A_1801 = arith.constant 0 : index
      %swap3A_1802 = tpu.vector_load %arg9[%swap3A_1800, %swap3A_1801] {strides = array<i32>} : memref<512x128xf32, #tpu.memory_space<vmem>>, vector<1x16xf32>,
      %swap3A_1803 = vector.shape_cast %swap3A_1802 : vector<1x16xf32> to vector<16xf32>
      %swap3A_1804 = vector.shape_cast %mul3A_1799 : vector<16xf32> to vector<1x16xf32>
      tpu.vector_store %arg9[%swap3A_1800, %swap3A_1801], %swap3A_1804 {strides = array<i32>} : memref<512x128xf32, #tpu.memory_space<vmem>>, vector<1x16xf32>,
      %get3A_1805 = arith.index_cast %add3A_1789 : i32 to index
      %get3A_1806 = arith.constant 16 : index
      %get3A_1807 = tpu.vector_load %arg9[%get3A_1805, %get3A_1806] {strides = array<i32>} : memref<512x128xf32, #tpu.memory_space<vmem>>, vector<1x16xf32>,
      %get3A_1808 = vector.shape_cast %get3A_1807 : vector<1x16xf32> to vector<16xf32>
      %mul3A_1809 = vector.broadcast %squeeze3A_1791 : f32 to vector<16xf32>
      %mul3A_1810 = arith.mulf %mul3A_1809, %get3A_85 : vector<16xf32>
      %add3A_1811 = arith.addf %mul3A_1810, %get3A_109 : vector<16xf32>
      %mul3A_1812 = arith.mulf %get3A_1808, %add3A_1811 : vector<16xf32>
      %swap3A_1813 = arith.index_cast %add3A_1789 : i32 to index
      %swap3A_1814 = arith.constant 16 : index
      %swap3A_1815 = tpu.vector_load %arg9[%swap3A_1813, %swap3A_1814] {strides = array<i32>} : memref<512x128xf32, #tpu.memory_space<vmem>>, vector<1x16xf32>,
      %swap3A_1816 = vector.shape_cast %swap3A_1815 : vector<1x16xf32> to vector<16xf32>
      %swap3A_1817 = vector.shape_cast %mul3A_1812 : vector<16xf32> to vector<1x16xf32>
      tpu.vector_store %arg9[%swap3A_1813, %swap3A_1814], %swap3A_1817 {strides = array<i32>} : memref<512x128xf32, #tpu.memory_space<vmem>>, vector<1x16xf32>,
      %get3A_1818 = arith.index_cast %add3A_1789 : i32 to index
      %get3A_1819 = arith.constant 32 : index
      %get3A_1820 = tpu.vector_load %arg9[%get3A_1818, %get3A_1819] {strides = array<i32>} : memref<512x128xf32, #tpu.memory_space<vmem>>, vector<1x16xf32>,
      %get3A_1821 = vector.shape_cast %get3A_1820 : vector<1x16xf32> to vector<16xf32>
      %mul3A_1822 = vector.broadcast %squeeze3A_1791 : f32 to vector<16xf32>
      %mul3A_1823 = arith.mulf %mul3A_1822, %get3A_88 : vector<16xf32>
      %add3A_1824 = arith.addf %mul3A_1823, %get3A_112 : vector<16xf32>
      %mul3A_1825 = arith.mulf %get3A_1821, %add3A_1824 : vector<16xf32>
      %swap3A_1826 = arith.index_cast %add3A_1789 : i32 to index
      %swap3A_1827 = arith.constant 32 : index
      %swap3A_1828 = tpu.vector_load %arg9[%swap3A_1826, %swap3A_1827] {strides = array<i32>} : memref<512x128xf32, #tpu.memory_space<vmem>>, vector<1x16xf32>,
      %swap3A_1829 = vector.shape_cast %swap3A_1828 : vector<1x16xf32> to vector<16xf32>
      %swap3A_1830 = vector.shape_cast %mul3A_1825 : vector<16xf32> to vector<1x16xf32>
      tpu.vector_store %arg9[%swap3A_1826, %swap3A_1827], %swap3A_1830 {strides = array<i32>} : memref<512x128xf32, #tpu.memory_space<vmem>>, vector<1x16xf32>,
      %get3A_1831 = arith.index_cast %add3A_1789 : i32 to index
      %get3A_1832 = arith.constant 48 : index
      %get3A_1833 = tpu.vector_load %arg9[%get3A_1831, %get3A_1832] {strides = array<i32>} : memref<512x128xf32, #tpu.memory_space<vmem>>, vector<1x16xf32>,
      %get3A_1834 = vector.shape_cast %get3A_1833 : vector<1x16xf32> to vector<16xf32>
      %mul3A_1835 = vector.broadcast %squeeze3A_1791 : f32 to vector<16xf32>
      %mul3A_1836 = arith.mulf %mul3A_1835, %get3A_91 : vector<16xf32>
      %add3A_1837 = arith.addf %mul3A_1836, %get3A_115 : vector<16xf32>
      %mul3A_1838 = arith.mulf %get3A_1834, %add3A_1837 : vector<16xf32>
      %swap3A_1839 = arith.index_cast %add3A_1789 : i32 to index
      %swap3A_1840 = arith.constant 48 : index
      %swap3A_1841 = tpu.vector_load %arg9[%swap3A_1839, %swap3A_1840] {strides = array<i32>} : memref<512x128xf32, #tpu.memory_space<vmem>>, vector<1x16xf32>,
      %swap3A_1842 = vector.shape_cast %swap3A_1841 : vector<1x16xf32> to vector<16xf32>
      %swap3A_1843 = vector.shape_cast %mul3A_1838 : vector<16xf32> to vector<1x16xf32>
      tpu.vector_store %arg9[%swap3A_1839, %swap3A_1840], %swap3A_1843 {strides = array<i32>} : memref<512x128xf32, #tpu.memory_space<vmem>>, vector<1x16xf32>,
      %get3A_1844 = arith.index_cast %add3A_1789 : i32 to index
      %get3A_1845 = arith.constant 64 : index
      %get3A_1846 = tpu.vector_load %arg9[%get3A_1844, %get3A_1845] {strides = array<i32>} : memref<512x128xf32, #tpu.memory_space<vmem>>, vector<1x16xf32>,
      %get3A_1847 = vector.shape_cast %get3A_1846 : vector<1x16xf32> to vector<16xf32>
      %mul3A_1848 = vector.broadcast %squeeze3A_1791 : f32 to vector<16xf32>
      %mul3A_1849 = arith.mulf %mul3A_1848, %get3A_94 : vector<16xf32>
      %add3A_1850 = arith.addf %mul3A_1849, %get3A_118 : vector<16xf32>
      %mul3A_1851 = arith.mulf %get3A_1847, %add3A_1850 : vector<16xf32>
      %swap3A_1852 = arith.index_cast %add3A_1789 : i32 to index
      %swap3A_1853 = arith.constant 64 : index
      %swap3A_1854 = tpu.vector_load %arg9[%swap3A_1852, %swap3A_1853] {strides = array<i32>} : memref<512x128xf32, #tpu.memory_space<vmem>>, vector<1x16xf32>,
      %swap3A_1855 = vector.shape_cast %swap3A_1854 : vector<1x16xf32> to vector<16xf32>
      %swap3A_1856 = vector.shape_cast %mul3A_1851 : vector<16xf32> to vector<1x16xf32>
      tpu.vector_store %arg9[%swap3A_1852, %swap3A_1853], %swap3A_1856 {strides = array<i32>} : memref<512x128xf32, #tpu.memory_space<vmem>>, vector<1x16xf32>,
      %get3A_1857 = arith.index_cast %add3A_1789 : i32 to index
      %get3A_1858 = arith.constant 80 : index
      %get3A_1859 = tpu.vector_load %arg9[%get3A_1857, %get3A_1858] {strides = array<i32>} : memref<512x128xf32, #tpu.memory_space<vmem>>, vector<1x16xf32>,
      %get3A_1860 = vector.shape_cast %get3A_1859 : vector<1x16xf32> to vector<16xf32>
      %mul3A_1861 = vector.broadcast %squeeze3A_1791 : f32 to vector<16xf32>
      %mul3A_1862 = arith.mulf %mul3A_1861, %get3A_97 : vector<16xf32>
      %add3A_1863 = arith.addf %mul3A_1862, %get3A_121 : vector<16xf32>
      %mul3A_1864 = arith.mulf %get3A_1860, %add3A_1863 : vector<16xf32>
      %swap3A_1865 = arith.index_cast %add3A_1789 : i32 to index
      %swap3A_1866 = arith.constant 80 : index
      %swap3A_1867 = tpu.vector_load %arg9[%swap3A_1865, %swap3A_1866] {strides = array<i32>} : memref<512x128xf32, #tpu.memory_space<vmem>>, vector<1x16xf32>,
      %swap3A_1868 = vector.shape_cast %swap3A_1867 : vector<1x16xf32> to vector<16xf32>
      %swap3A_1869 = vector.shape_cast %mul3A_1864 : vector<16xf32> to vector<1x16xf32>
      tpu.vector_store %arg9[%swap3A_1865, %swap3A_1866], %swap3A_1869 {strides = array<i32>} : memref<512x128xf32, #tpu.memory_space<vmem>>, vector<1x16xf32>,
      %get3A_1870 = arith.index_cast %add3A_1789 : i32 to index
      %get3A_1871 = arith.constant 96 : index
      %get3A_1872 = tpu.vector_load %arg9[%get3A_1870, %get3A_1871] {strides = array<i32>} : memref<512x128xf32, #tpu.memory_space<vmem>>, vector<1x16xf32>,
      %get3A_1873 = vector.shape_cast %get3A_1872 : vector<1x16xf32> to vector<16xf32>
      %mul3A_1874 = vector.broadcast %squeeze3A_1791 : f32 to vector<16xf32>
      %mul3A_1875 = arith.mulf %mul3A_1874, %get3A_100 : vector<16xf32>
      %add3A_1876 = arith.addf %mul3A_1875, %get3A_124 : vector<16xf32>
      %mul3A_1877 = arith.mulf %get3A_1873, %add3A_1876 : vector<16xf32>
      %swap3A_1878 = arith.index_cast %add3A_1789 : i32 to index
      %swap3A_1879 = arith.constant 96 : index
      %swap3A_1880 = tpu.vector_load %arg9[%swap3A_1878, %swap3A_1879] {strides = array<i32>} : memref<512x128xf32, #tpu.memory_space<vmem>>, vector<1x16xf32>,
      %swap3A_1881 = vector.shape_cast %swap3A_1880 : vector<1x16xf32> to vector<16xf32>
      %swap3A_1882 = vector.shape_cast %mul3A_1877 : vector<16xf32> to vector<1x16xf32>
      tpu.vector_store %arg9[%swap3A_1878, %swap3A_1879], %swap3A_1882 {strides = array<i32>} : memref<512x128xf32, #tpu.memory_space<vmem>>, vector<1x16xf32>,
      %get3A_1883 = arith.index_cast %add3A_1789 : i32 to index
      %get3A_1884 = arith.constant 112 : index
      %get3A_1885 = tpu.vector_load %arg9[%get3A_1883, %get3A_1884] {strides = array<i32>} : memref<512x128xf32, #tpu.memory_space<vmem>>, vector<1x16xf32>,
      %get3A_1886 = vector.shape_cast %get3A_1885 : vector<1x16xf32> to vector<16xf32>
      %mul3A_1887 = vector.broadcast %squeeze3A_1791 : f32 to vector<16xf32>
      %mul3A_1888 = arith.mulf %mul3A_1887, %get3A_103 : vector<16xf32>
      %add3A_1889 = arith.addf %mul3A_1888, %get3A_127 : vector<16xf32>
      %mul3A_1890 = arith.mulf %get3A_1886, %add3A_1889 : vector<16xf32>
      %swap3A_1891 = arith.index_cast %add3A_1789 : i32 to index
      %swap3A_1892 = arith.constant 112 : index
      %swap3A_1893 = tpu.vector_load %arg9[%swap3A_1891, %swap3A_1892] {strides = array<i32>} : memref<512x128xf32, #tpu.memory_space<vmem>>, vector<1x16xf32>,
      %swap3A_1894 = vector.shape_cast %swap3A_1893 : vector<1x16xf32> to vector<16xf32>
      %swap3A_1895 = vector.shape_cast %mul3A_1890 : vector<16xf32> to vector<1x16xf32>
      tpu.vector_store %arg9[%swap3A_1891, %swap3A_1892], %swap3A_1895 {strides = array<i32>} : memref<512x128xf32, #tpu.memory_space<vmem>>, vector<1x16xf32>,
    }
    %scan3A_132 = arith.constant 32 : i32
    "tpu.region"() ({
      %run_scoped3A = tpu.sem_alloc : memref<!tpu.dma_semaphore, #tpu.memory_space<semaphore_mem>>
      %dma_start3A_133 = arith.constant 0 : i32
      %dma_start3A_134 = tpu.memref_slice %arg7[%mul3A_2, %dma_start3A_133] : memref<16384x128xf32, #tpu.memory_space<hbm>> -> memref<512x128xf32, #tpu.memory_space<hbm>>
      %dma_start3A_135 = arith.constant 0 : i32
      %dma_start3A_136 = tpu.memref_slice %arg7[%mul3A_2, %dma_start3A_135] : memref<16384x128xf32, #tpu.memory_space<hbm>> -> memref<512x128xf32, #tpu.memory_space<hbm>>
      tpu.enqueue_dma source(%arg9 : memref<512x128xf32, #tpu.memory_space<vmem>>) target(%dma_start3A_136 : memref<512x128xf32, #tpu.memory_space<hbm>>) target_semaphore(%run_scoped3A : memref<!tpu.dma_semaphore, #tpu.memory_space<semaphore_mem>>)
      %dma_wait3A_137 = arith.constant 0 : i32
      %dma_wait3A_138 = tpu.memref_slice %arg7[%mul3A_2, %dma_wait3A_137] : memref<16384x128xf32, #tpu.memory_space<hbm>> -> memref<512x128xf32, #tpu.memory_space<hbm>>
      %dma_wait3A_139 = arith.constant 0 : i32
      %dma_wait3A_140 = tpu.memref_slice %arg7[%mul3A_2, %dma_wait3A_139] : memref<16384x128xf32, #tpu.memory_space<hbm>> -> memref<512x128xf32, #tpu.memory_space<hbm>>
      tpu.wait_dma2 semaphore(%run_scoped3A : memref<!tpu.dma_semaphore, #tpu.memory_space<semaphore_mem>>) src(%arg9 : memref<512x128xf32, #tpu.memory_space<vmem>>) dst(%dma_wait3A_140 : memref<512x128xf32, #tpu.memory_space<hbm>>)
      tpu.yield
    }) : () -> ()
    return
  }
}

</mosaic_0001>

<sc_bundles>
// kernel: kernel.3.cloned.1.call-start
scs
__scs_entry_jumppad:
0x0: {  	(pc) =	sbr.rel $0x88, $3  }
0x1: {  	(tag) =	ssettag $0x0;
	lr =	simm.s32 $0x1  }
0x2: {  	[smem:$0x3F9C] =	sst lr;
	_ =	strace $0xD0000000  }
0x3: {  	_ = 	snop  }
0x4: {  	_ = 	snop  }
0x5: {  	_ = 	snop  }
0x6: {  	_ = 	snop  }
0x7: {  	_ = 	snop  }
__scs_overlays_trampoline_lowered:
0x8: {  	[smem:$0x3FAB] =	sst s0  }
0x9: {  	[smem:$0x3FAC] =	sst s1  }
0xa: {  	[smem:$0x3FAD] =	sst s2  }
0xb: {  	[smem:$0x3FAE] =	sst s3  }
0xc: {  	[smem:$0x3FAF] =	sst s4  }
0xd: {  	[smem:$0x3FB0] =	sst s5  }
0xe: {  	[smem:$0x3FB1] =	sst s6  }
0xf: {  	[smem:$0x3FB2] =	sst s7  }
0x10: {  	[smem:$0x3FB3] =	sst s8  }
0x11: {  	[smem:$0x3FB4] =	sst s9;
	s0 =	simm.s32 @!p0 $0x0  }
0x12: {  	s1 =	sld [smem:$0x3F9A];
	s0 =	simm.s32 @p0 $0x1  }
0x13: {  	[smem:$0x3FB5] =	sst s0;
	s0 =	simm.s32 @!p1 $0x0  }
0x14: {  	s2 =	sld [smem:$0x3F99];
	s0 =	simm.s32 @p1 $0x1  }
0x15: {  	[smem:$0x3FB6] =	sst s0;
	s0 =	simm.s32 @!p2 $0x0  }
0x16: {  	s3 =	sld [smem:$0x3FDB];
	s0 =	simm.s32 @p2 $0x1  }
0x17: {  	s4 =	simm.s32 $0x1BF5;
	[smem:$0x3FB8] =	sst s0  }
0x18: {  	s0 =	sld [smem:$0x3F9B];
	_ =	swait.ge [sflag:s4], $0x0  }
0x19: {  	s7 =	sld [smem:$0x3F9C]  }
0x1a: {  	s8 =	sadd.s32 $0xFFFFE003, lr  }
0x1b: {  	s9 =	sadd.s32 $0xFFFFFEF7, lr;
	s5 =	simm.s32 $0xFFFFFFFF;
	p2 =	slt.u32 s8, $0xFFFFF086  }
0x1c: {  	p1 =	slt.u32 s9, $0xF7A;
	s5 =	simm.s32 @!p2 $0x0  }
0x1d: {  	s5 =	simm.s32 @p1 $0x1;
	p0 =	seq.s32 s7, s2  }
0x1e: {  	s7 =	smul.u32 @!p0 $0xF7A, s2;
	p2 =	seq.s32 @!p0 s5, $0x0  }
0x1f: {  	s9 =	smul.u32 $0xF7A, s1;
	s8 =	simm.s32 @!p0 $0x1BF5;
	p2 =	por !p2, p0  }
0x20: {  	[sflag:s8] =	ssyncset.s32 @!p0 $0xFFFFF086;
	s6 =	sadd.s32 @!p0 s3, s7;
	s7 =	simm.s32 @!p0 $0x108  }
0x21: {  	s3 =	sadd.s32 s3, s9;
	s6 =	sadd.s32 @!p0 $0x88, s6;
	s7 =	simm.s32 @p2 $0x1082  }
0x22: {  	[simem:s7], [sflag:s8] =	dma.local @!p0 [hbm:s6], $0xF7A  }
0x23: {  	s9 =	sor.u32 $0xD0000000, s2;
	s6 =	simm.s32 $0x108;
	_ =	swait.ge @!p0 [sflag:s8], $0x0  }
0x24: {  	s3 =	sadd.s32 $0x88, s3;
	s6 =	simm.s32 @!p1 $0x1082;
	[sflag:s4] =	ssyncset.s32 $0xFFFFF086  }
0x25: {  	[simem:s6], [sflag:s4] =	dma.local [hbm:s3], $0xF7A  }
0x26: {  	[smem:$0x3F9C] =	sst s1;
	(tag) =	ssettag s2;
	_ =	strace s9  }
0x27: {  	s1 =	sld [smem:$0x3FAC]  }
0x28: {  	s2 =	sld [smem:$0x3FAD]  }
0x29: {  	s4 =	sld [smem:$0x3FAF]  }
0x2a: {  	p0 =	seq.s32 s5, $0x0;
	s5 =	sld [smem:$0x3FB0]  }
0x2b: {  	s6 =	sld [smem:$0x3FB1]  }
0x2c: {  	s7 =	sld [smem:$0x3FB2]  }
0x2d: {  	s3 =	simm.s32 $0x108;
	s8 =	sld [smem:$0x3FB3]  }
0x2e: {  	s3 =	simm.s32 @!p0 $0x1082;
	s9 =	sld [smem:$0x3FB4]  }
0x2f: {  	lr =	sadd.s32 s0, s3;
	s0 =	sld [smem:$0x3FAB]  }
0x30: {  	s3 =	sld [smem:$0x3FAE]  }
0x31: {  	[smem:$0x3FB7] =	sst s10  }
0x32: {  	s10 =	sld [smem:$0x3FB5];
	_ =	sdelay $0x3  }
0x33: {  	p0 =	seq.s32 s10, $0x1;
	s10 =	sld [smem:$0x3FB7];
	_ =	sdelay $0x3  }
0x34: {  	[smem:$0x3FB7] =	sst s10  }
0x35: {  	s10 =	sld [smem:$0x3FB6];
	_ =	sdelay $0x3  }
0x36: {  	p1 =	seq.s32 s10, $0x1;
	s10 =	sld [smem:$0x3FB7];
	_ =	sdelay $0x3  }
0x37: {  	[smem:$0x3FB7] =	sst s10  }
0x38: {  	s10 =	sld [smem:$0x3FB8]  }
0x39: {  	_ = 	snop;
	(pc) =	sbr.ind lr, $3  }
0x3a: {  	_ = 	snop  }
0x3b: {  	_ = 	snop  }
0x3c: {  	p2 =	seq.s32 s10, $0x1;
	s10 =	sld [smem:$0x3FB7]  }
0x3d: {  	_ =	shalt  }
0x3e: {  	_ =	shalt  }
0x3f: {  	_ =	shalt  }
0x40: {  	_ =	shalt  }
0x41: {  	_ =	shalt  }
0x42: {  	_ =	shalt  }
0x43: {  	_ =	shalt  }
0x44: {  	_ =	shalt  }
0x45: {  	_ =	shalt  }
0x46: {  	_ =	shalt  }
0x47: {  	_ =	shalt  }
0x48: {  	_ =	shalt  }
0x49: {  	_ =	shalt  }
0x4a: {  	_ =	shalt  }
0x4b: {  	_ =	shalt  }
0x4c: {  	_ =	shalt  }
0x4d: {  	_ =	shalt  }
0x4e: {  	_ =	shalt  }
0x4f: {  	_ =	shalt  }
0x50: {  	_ =	shalt  }
0x51: {  	_ =	shalt  }
0x52: {  	_ =	shalt  }
0x53: {  	_ =	shalt  }
0x54: {  	_ =	shalt  }
0x55: {  	_ =	shalt  }
0x56: {  	_ =	shalt  }
0x57: {  	_ =	shalt  }
0x58: {  	_ =	shalt  }
0x59: {  	_ =	shalt  }
0x5a: {  	_ =	shalt  }
0x5b: {  	_ =	shalt  }
0x5c: {  	_ =	shalt  }
0x5d: {  	_ =	shalt  }
0x5e: {  	_ =	shalt  }
0x5f: {  	_ =	shalt  }
0x60: {  	_ =	shalt  }
0x61: {  	_ =	shalt  }
0x62: {  	_ =	shalt  }
0x63: {  	_ =	shalt  }
0x64: {  	_ =	shalt  }
0x65: {  	_ =	shalt  }
0x66: {  	_ =	shalt  }
0x67: {  	_ =	shalt  }
0x68: {  	_ =	shalt  }
0x69: {  	_ =	shalt  }
0x6a: {  	_ =	shalt  }
0x6b: {  	_ =	shalt  }
0x6c: {  	_ =	shalt  }
0x6d: {  	_ =	shalt  }
0x6e: {  	_ =	shalt  }
0x6f: {  	_ =	shalt  }
0x70: {  	_ =	shalt  }
0x71: {  	_ =	shalt  }
0x72: {  	_ =	shalt  }
0x73: {  	_ =	shalt  }
0x74: {  	_ =	shalt  }
0x75: {  	_ =	shalt  }
0x76: {  	_ =	shalt  }
0x77: {  	_ =	shalt  }
0x78: {  	_ =	shalt  }
0x79: {  	_ =	shalt  }
0x7a: {  	_ =	shalt  }
0x7b: {  	_ =	shalt  }
0x7c: {  	_ =	shalt  }
0x7d: {  	_ =	shalt  }
0x7e: {  	_ =	shalt  }
0x7f: {  	_ =	shalt  }
0x80: {  	_ =	shalt  }
0x81: {  	_ =	shalt  }
0x82: {  	_ =	shalt  }
0x83: {  	_ =	shalt  }
0x84: {  	_ =	shalt  }
0x85: {  	_ =	shalt  }
0x86: {  	_ =	shalt  }
0x87: {  	_ =	shalt  }
.Lfunc_end0:
.L_simem_size_0:
called_computation_lowered:
.L_overlay_start_0:
0x88: {  	s2 =	sld [smem:$0x3FD9]  }
0x89: {  	s3 =	sld [smem:$0x3FFE];
	_ =	sdelay $0x1  }
0x8a: {  	s1 =	srdreg.scid  }
0x8b: {  	s0 =	sand.u32 $0x1, s1  }
0x8c: {  	s17 =	sshll.u32 s0, $0xA;
	s2 =	sadd.s32 s3, s2  }
0x8d: {  	s2 =	sadd.s32 s2, s17  }
0x8e: {  	[smem:$0x3FC3] =	sst s2  }
0x8f: {  	_ = 	snop  }
0x90: {  	s2 =	sld [smem:$0x3FC9]  }
0x91: {  	s18 =	sld [smem:$0x3FC8]  }
0x92: {  	s4 =	sld [smem:$0x3FC7]  }
0x93: {  	s5 =	sld [smem:$0x3FC6]  }
0x94: {  	s6 =	sld [smem:$0x3FD0];
	(tm) =	ssettm $0x1  }
0x95: {  	s7 =	sld [smem:$0x3FFB];
	_ =	sdelay $0x3  }
0x96: {  	_ =	strace s7  }
0x97: {  	s7 =	sld [smem:$0x3FFC];
	_ =	sdelay $0x3  }
0x98: {  	_ =	strace s7  }
0x99: {  	s7 =	sld [smem:$0x3FFD];
	_ =	sdelay $0x3  }
0x9a: {  	_ =	strace s7  }
0x9b: {  	_ =	strace $0x8FFFFFFF  }
0x9c: {  	s19 =	sld [smem:$0x3FDB];
	_ =	sdelay $0x1  }
0x9d: {  	s8 =	simm.s32 $_scs_section_size  }
0x9e: {  	s9 =	simm.s32 $_size__tile_overlayer_lowered;
	s10 =	simm.s32 $_tile_overlayer_lowered  }
0x9f: {  	s22 =	simm.s32 $0x1BFF;
	s21 =	sshll.u32 s10, $0x1;
	s7 =	sadd.s32 s8, s19  }
0xa0: {  	s11 =	simm.s32 $0x0;
	s20 =	sshll.u32 s9, $0x1;
	s9 =	sadd.s32 s21, s7  }
0xa1: {  	[timem:s11], [sflag:s22] =	dma.local [hbm:s9], s20  }
0xa2: {  	_ =	swait.ge [sflag:s22], s20  }
0xa3: {  	s8 =	ssub.s32 $0x0, s20;
	[sflag:s22] =	ssyncset.done $0x0  }
0xa4: {  	[sflag:s22] =	ssyncadd.s32 s8;
	_ =	sdelay $0x1  }
0xa5: {  	s23 =	simm.s32 $0x1B8B  }
0xa6: {  	_ =	swait.ge [sflag:s23], $0x1  }
0xa7: {  	[sflag:s23] =	ssyncset.done $0x0  }
0xa8: {  	s25 =	simm.s32 $0x1B8E;
	s24 =	sld [smem:$0x3FFE];
	[sflag:s23] =	ssyncadd.s32 $0xFFFFFFFF  }
0xa9: {  	s26 =	simm.s32 $execute0_lowered;
	[smem:$0x3FD2] =	sst s25  }
0xaa: {  	s9 =	sshll.u32 s26, $0x1;
	_ =	strace $0x80000046;
	[dreg:$0x1] =	wrdreg $0xFFFFFFFF  }
0xab: {  	s28 =	simm.s32 $_size_execute0_lowered;
	s7 =	sadd.s32 s7, s9;
	[dreg:$0x0] =	wrdreg $0x0  }
0xac: {  	s9 =	sshll.u32 s28, $0x1;
	[dreg:$0x2] =	wrdreg s7  }
0xad: {  	[dreg:$0x3] =	wrdreg s9  }
0xae: {  	[dreg:$0x4] =	wrdreg $0xC0  }
0xaf: {  	_ =	task [dreg:s11], $0x5FFFF  }
0xb0: {  	[dreg:$0x1] =	wrdreg $0xFFFFFFFF  }
0xb1: {  	[dreg:$0x0] =	wrdreg $0x60  }
0xb2: {  	[dreg:$0x2] =	wrdreg s2  }
0xb3: {  	[dreg:$0x3] =	wrdreg s18  }
0xb4: {  	[dreg:$0x4] =	wrdreg s4  }
0xb5: {  	[dreg:$0x5] =	wrdreg s5  }
0xb6: {  	[dreg:$0x6] =	wrdreg s24  }
0xb7: {  	[dreg:$0x7] =	wrdreg s6  }
0xb8: {  	[dreg:$0x8] =	wrdreg $0x9  }
0xb9: {  	_ =	task.clear_ibuf [dreg:s11], $0x9FFFF;
	_ =	strace $0x90000046  }
0xba: {  	s29 =	simm.s32 $0x9;
	_ =	strace $0x80000048  }
0xbb: {  	_ =	swait.ge [sflag:s29], $0x1  }
0xbc: {  	[sflag:s29] =	ssyncadd.s32 $0xFFFFFFFF  }
0xbd: {  	_ =	strace $0x90000048  }
0xbe: {  	_ =	sfence  }
0xbf: {  	s30 =	sld [smem:$0x0];
	_ =	sdelay $0x2  }
0xc0: {  	s31 =	sshll.u32 s1, $0xD;
	s1 =	sshrl.u32 s1, $0x2  }
0xc1: {  	s3 =	sand.u32 $0x4000, s31;
	s1 =	sadd.s32 s1, s30  }
0xc2: {  	s0 =	sor.u32 s3, s0;
	s1 =	sshll.u32 s1, $0x11  }
0xc3: {  	s0 =	sor.u32 s1, s0  }
0xc4: {  	s0 =	sadd.s32 $0x8F2B, s0  }
0xc5: {  	[sflag:s0] =	ssyncadd.remote.s32 $0x1  }
0xc6: {  	_ =	sfence.sel $0xFFFF  }
0xc7: {  	[dreg:$0x0] =	wrdreg $0xFFFFFFFF;
	(pc) =	sbr.abs _section_cstart, $3  }
0xc8: {  	[dreg:$0x1] =	wrdreg $0xFFFFFFFF  }
0xc9: {  	_ =	task.clear_ibuf [dreg:s11], $0x2FFFF;
	_ =	strace $0x9FFFFFFF  }
0xca: {  	(tm) =	ssettm $0x7FFFFFFF  }
0xcb: {  	_ =	shalt  }
tec
execute0_lowered:
.L_overlay_start_1:
0x0: {  	(tag) =	ssettag $0x1  }
0x1: {  	s1 =	rddreg [dreg:$0x0]  }
0x2: {  	s6 =	rddreg [dreg:$0x1]  }
0x3: {  	s7 =	rddreg [dreg:$0x2]  }
0x4: {  	s2 =	rddreg [dreg:$0x3]  }
0x5: {  	s5 =	rddreg [dreg:$0x4]  }
0x6: {  	s8 =	rddreg [dreg:$0x5]  }
0x7: {  	s0 =	rddreg [dreg:$0x6];
	s4 =	simm.s32 $0x0;
	s9 =	srdreg.scid  }
0x8: {  	s3 =	stileid.u32;
	s13 =	simm.s32 $0x10280;
	s14 =	simm.s32 $0x80  }
0x9: {  	s15 =	simm.s32 $0x200;
	s16 =	simm.s32 $0x4200;
	s17 =	simm.s32 $0x100  }
0xa: {  	s18 =	simm.s32 $0x8200;
	s19 =	simm.s32 $0x180;
	s20 =	simm.s32 $0xC200  }
0xb: {  	s21 =	simm.s32 $0x1;
	s22 =	simm.s32 $0x0;
	s9 =	sand.u32 $0x1, s9  }
0xc: {  	[smem:$0x7FF] =	sst s4;
	s11 =	sshll.u32 s3, $0xA;
	s10 =	ssub.s32 $0x2, s9  }
0xd: {  	s5 =	sadd.s32 $0x400, s5;
	s9 =	sshll.u32 s9, $0x9;
	s12 =	sshrl.u32 s10, $0x1  }
0xe: {  	_ =	strace $0x80000047;
	s9 =	sor.u32 s9, s11;
	s10 =	ssub.s32 s10, s12  }
0xf: {  	s11 =	sshrl.u32 s9, $0x3;
	s9 =	sshll.u32 s9, $0x4;
	s12 =	simm.s32 $0x10200  }
0x10: {  	s6 =	sadd.s32 s6, s11;
	s7 =	sadd.s32 s7, s11;
	s8 =	sadd.s32 s8, s9  }
0x11: {  	s9 =	smax.u32 s10, $0x1;
	s10 =	simm.s32 $0x2;
	s11 =	simm.s32 $0x10300  }
.LBB2_1:
0x12: {  	[tilespmem:s4], [sflag:$0x2] =	stream.linear.gather [hbm4b:s6+s4], $0x200, $0x38;
	[tilespmem:$0x10500] =	vst v63  }
0x13: {  	_ =	swait.ge [sflag:s10], $0x200  }
0x14: {  	[sflag:s10] =	ssyncset.done $0x0  }
0x15: {  	[sflag:s10] =	ssyncadd.s32 $0xFFFFFE00  }
0x16: {  	[tilespmem:s11], [sflag:$0x2] =	stream.linear.gather [hbm4b:s7+s4], $0x200, $0x38;
	[tilespmem:$0x10500] =	vst v63  }
0x17: {  	_ =	swait.ge [sflag:s10], $0x200  }
0x18: {  	[sflag:s10] =	ssyncset.done $0x0  }
0x19: {  	[sflag:s10] =	ssyncadd.s32 $0xFFFFFE00  }
0x1a: {  	[tilespmem:s12], [sflag:$0x2] =	stream.linear.gather [hbm4b:s2+s4], $0x80, $0x38;
	[tilespmem:$0x10500] =	vst v63  }
0x1b: {  	_ =	swait.ge [sflag:s10], $0x80  }
0x1c: {  	[sflag:s10] =	ssyncset.done $0x0  }
0x1d: {  	[sflag:s10] =	ssyncadd.s32 $0xFFFFFF80  }
0x1e: {  	[tilespmem:s13], [sflag:$0x2] =	stream.linear.gather [hbm4b:s5+s4], $0x80, $0x38;
	[tilespmem:$0x10500] =	vst v63  }
0x1f: {  	_ =	swait.ge [sflag:s10], $0x80  }
0x20: {  	[sflag:s10] =	ssyncset.done $0x0  }
0x21: {  	[sflag:s10] =	ssyncadd.s32 $0xFFFFFF80  }
0x22: {  	[tilespmem:s15], [sflag:$0x1] =	stream.indirect.gather [hbm4b:s1+s14], $0x80, s4, s14, $0xb8;
	[tilespmem:$0x10500] =	vst v63  }
0x23: {  	_ = 	snop  }
0x24: {  	[tilespmem:s16], [sflag:$0x1] =	stream.indirect.gather [hbm4b:s1+s14], $0x80, s14, s14, $0xb8;
	[tilespmem:$0x10500] =	vst v63  }
0x25: {  	_ = 	snop  }
0x26: {  	[tilespmem:s18], [sflag:$0x1] =	stream.indirect.gather [hbm4b:s1+s14], $0x80, s17, s14, $0xb8;
	[tilespmem:$0x10500] =	vst v63  }
0x27: {  	_ = 	snop  }
0x28: {  	[tilespmem:s20], [sflag:$0x1] =	stream.indirect.gather [hbm4b:s1+s14], $0x80, s19, s14, $0xb8;
	[tilespmem:$0x10500] =	vst v63  }
0x29: {  	_ =	swait.ge [sflag:s21], $0x4000  }
0x2a: {  	[sflag:s21] =	ssyncset.done $0x0  }
0x2b: {  	[sflag:s21] =	ssyncadd.s32 $0xFFFFC000  }
0x2c: {  	_ =	swait.ge [sflag:s21], $0x4000  }
0x2d: {  	[sflag:s21] =	ssyncset.done $0x0  }
0x2e: {  	[sflag:s21] =	ssyncadd.s32 $0xFFFFC000  }
0x2f: {  	_ =	swait.ge [sflag:s21], $0x4000  }
0x30: {  	[sflag:s21] =	ssyncset.done $0x0  }
0x31: {  	[sflag:s21] =	ssyncadd.s32 $0xFFFFC000  }
0x32: {  	_ =	swait.ge [sflag:s21], $0x4000  }
0x33: {  	[sflag:s21] =	ssyncset.done $0x0  }
0x34: {  	[sflag:s21] =	ssyncadd.s32 $0xFFFFC000  }
0x35: {  	v0 =	vld [tilespmem:$0x10200]  }
0x36: {  	v1 =	vld [tilespmem:$0x10210]  }
0x37: {  	v2 =	vld [tilespmem:$0x10220]  }
0x38: {  	v3 =	vld [tilespmem:$0x10230]  }
0x39: {  	v4 =	vld [tilespmem:$0x10240]  }
0x3a: {  	v5 =	vld [tilespmem:$0x10250]  }
0x3b: {  	v6 =	vld [tilespmem:$0x10260]  }
0x3c: {  	v7 =	vld [tilespmem:$0x10270]  }
0x3d: {  	v8 =	vld [tilespmem:$0x10280]  }
0x3e: {  	v9 =	vld [tilespmem:$0x10290]  }
0x3f: {  	v10 =	vld [tilespmem:$0x102A0]  }
0x40: {  	v11 =	vld [tilespmem:$0x102B0]  }
0x41: {  	v12 =	vld [tilespmem:$0x102C0]  }
0x42: {  	v13 =	vld [tilespmem:$0x102D0]  }
0x43: {  	v14 =	vld [tilespmem:$0x102E0]  }
0x44: {  	s23 =	simm.s32 $0x0;
	v15 =	vld [tilespmem:$0x102F0]  }
.LBB2_2:
0x45: {  	s24 =	sshll.u32 s23, $0x4  }
0x46: {  	s24 =	sand.u32 $0x3FFFFFF0, s24  }
0x47: {  	v16 =	vld [tilespmem:s24+$0x10300];
	_ =	sdelay $0x4  }
0x48: {  	s31 =	sshll.u32 s23, $0xB;
	v18 =	vbroadcast v16, $0x0  }
0x49: {  	s24 =	sand.u32 $0x3FFFF800, s31;
	v42 =	vbroadcast v16, $0x1  }
0x4a: {  	v17 =	vld [tilespmem:s24+$0x200];
	v36 =	vbroadcast v16, $0x2;
	v20 =	vmul.f32 v18, v0  }
0x4b: {  	v19 =	vld [tilespmem:s24+$0x210];
	v22 =	vmul.f32 v18, v1;
	v24 =	vmul.f32 v18, v2  }
0x4c: {  	v21 =	vld [tilespmem:s24+$0x220];
	v25 =	vmul.f32 v18, v3;
	v27 =	vmul.f32 v18, v4  }
0x4d: {  	v23 =	vld [tilespmem:s24+$0x230];
	v62 =	vmul.f32 v18, v5;
	v29 =	vmul.f32 v18, v6  }
0x4e: {  	v26 =	vld [tilespmem:s24+$0x240];
	v18 =	vmul.f32 v18, v7;
	v43 =	vmul.f32 v42, v0  }
0x4f: {  	v60 =	vld [tilespmem:s24+$0x250];
	v32 =	vmul.f32 v42, v1;
	v34 =	vmul.f32 v42, v2  }
0x50: {  	v28 =	vld [tilespmem:s24+$0x260];
	v35 =	vmul.f32 v42, v3;
	v48 =	vmul.f32 v42, v4  }
0x51: {  	v39 =	vld [tilespmem:s24+$0x270];
	v51 =	vmul.f32 v42, v5;
	v20 =	vadd.f32 v20, v8;
	v22 =	vadd.f32 v22, v9  }
0x52: {  	v41 =	vld [tilespmem:s24+$0x280];
	v37 =	vmul.f32 v42, v6;
	v58 =	vadd.f32 v24, v10;
	v59 =	vadd.f32 v25, v11  }
0x53: {  	v30 =	vld [tilespmem:s24+$0x290];
	v54 =	vmul.f32 v36, v0;
	v61 =	vadd.f32 v27, v12;
	v40 =	vadd.f32 v62, v13  }
0x54: {  	v31 =	vld [tilespmem:s24+$0x2A0];
	v55 =	vmul.f32 v36, v2;
	v29 =	vadd.f32 v29, v14;
	v18 =	vadd.f32 v18, v15  }
0x55: {  	v33 =	vld [tilespmem:s24+$0x2B0];
	v45 =	vadd.f32 v34, v10;
	v27 =	vmul.f32 v42, v7;
	v34 =	vbroadcast v16, $0x8  }
0x56: {  	v47 =	vld [tilespmem:s24+$0x2C0];
	v25 =	vadd.f32 v43, v8;
	v17 =	vmul.f32 v20, v17;
	v19 =	vmul.f32 v22, v19  }
0x57: {  	v49 =	vld [tilespmem:s24+$0x2D0];
	v44 =	vadd.f32 v32, v9;
	v20 =	vmul.f32 v21, v58;
	v63 =	vmul.f32 v23, v59  }
0x58: {  	v50 =	vld [tilespmem:s24+$0x2E0];
	v46 =	vadd.f32 v35, v11;
	v22 =	vmul.f32 v26, v61;
	v24 =	vmul.f32 v60, v40  }
0x59: {  	v52 =	vld [tilespmem:s24+$0x2F0];
	v53 =	vadd.f32 v51, v13;
	v28 =	vmul.f32 v28, v29;
	v18 =	vmul.f32 v39, v18  }
0x5a: {  	v38 =	vld [tilespmem:s24+$0x300];
	v37 =	vadd.f32 v37, v14;
	v25 =	vmul.f32 v41, v25;
	v23 =	vmul.f32 v30, v44  }
0x5b: {  	v57 =	vld [tilespmem:s24+$0x330];
	v26 =	vmul.f32 v31, v45;
	v29 =	vmul.f32 v33, v46;
	v30 =	vadd.f32 v48, v12  }
0x5c: {  	v62 =	vld [tilespmem:s24+$0x350];
	v27 =	vadd.f32 v27, v15;
	v40 =	vmul.f32 v36, v1;
	v32 =	vmul.f32 v49, v53;
	[tilespmem:s24+$0x200] =	vst v17  }
0x5d: {  	v39 =	vld [tilespmem:s24+$0x310];
	v33 =	vadd.f32 v54, v8;
	v59 =	vmul.f32 v36, v3;
	v61 =	vmul.f32 v36, v4;
	[tilespmem:s24+$0x210] =	vst v19  }
0x5e: {  	v41 =	vld [tilespmem:s24+$0x320];
	v58 =	vadd.f32 v55, v10;
	v44 =	vmul.f32 v36, v5;
	v30 =	vmul.f32 v47, v30;
	[tilespmem:s24+$0x220] =	vst v20  }
0x5f: {  	v60 =	vld [tilespmem:s24+$0x340];
	v17 =	vmul.f32 v50, v37;
	v27 =	vmul.f32 v52, v27;
	v56 =	vadd.f32 v40, v9;
	[tilespmem:s24+$0x230] =	vst v63  }
0x60: {  	v45 =	vld [tilespmem:s24+$0x360];
	v19 =	vmul.f32 v38, v33;
	v63 =	vadd.f32 v59, v11;
	[tilespmem:s24+$0x240] =	vst v22;
	v47 =	vmul.f32 v36, v6  }
0x61: {  	v48 =	vld [tilespmem:s24+$0x370];
	[tilespmem:s24+$0x250] =	vst v24;
	v49 =	vadd.f32 v44, v13;
	v50 =	vmul.f32 v36, v7;
	v38 =	vbroadcast v16, $0x4  }
0x62: {  	v46 =	vadd.f32 v61, v12;
	[tilespmem:s24+$0x270] =	vst v18;
	v33 =	vbroadcast v16, $0xB;
	v24 =	vmul.f32 v57, v63  }
0x63: {  	v52 =	vadd.f32 v47, v14;
	v18 =	vmul.f32 v62, v49;
	[tilespmem:s24+$0x2C0] =	vst v30;
	v30 =	vbroadcast v16, $0xC  }
0x64: {  	[tilespmem:s24+$0x260] =	vst v28;
	v55 =	vadd.f32 v50, v15;
	v20 =	vmul.f32 v39, v56;
	v21 =	vmul.f32 v41, v58  }
0x65: {  	v51 =	vld [tilespmem:s24+$0x380];
	[tilespmem:s24+$0x280] =	vst v25;
	v41 =	vbroadcast v16, $0x3;
	v22 =	vmul.f32 v60, v46  }
0x66: {  	v43 =	vld [tilespmem:s24+$0x3D0];
	[tilespmem:s24+$0x290] =	vst v23;
	v25 =	vmul.f32 v45, v52;
	v23 =	vmul.f32 v48, v55  }
0x67: {  	v54 =	vld [tilespmem:s24+$0x390];
	[tilespmem:s24+$0x2A0] =	vst v26;
	v55 =	vmul.f32 v38, v0;
	v53 =	vmul.f32 v41, v0  }
0x68: {  	[tilespmem:s24+$0x2B0] =	vst v29;
	v57 =	vld [tilespmem:s24+$0x3A0];
	v56 =	vmul.f32 v41, v1;
	v59 =	vmul.f32 v41, v2  }
0x69: {  	[tilespmem:s24+$0x2D0] =	vst v32;
	v63 =	vld [tilespmem:s24+$0x3C0];
	v62 =	vmul.f32 v41, v3;
	v42 =	vmul.f32 v41, v4  }
0x6a: {  	[tilespmem:s24+$0x2E0] =	vst v17;
	v60 =	vld [tilespmem:s24+$0x3B0];
	v45 =	vmul.f32 v41, v5;
	v58 =	vadd.f32 v53, v8;
	v61 =	vadd.f32 v56, v9  }
0x6b: {  	[tilespmem:s24+$0x2F0] =	vst v27;
	v46 =	vld [tilespmem:s24+$0x3E0];
	v48 =	vmul.f32 v41, v6;
	v40 =	vadd.f32 v59, v10;
	v44 =	vadd.f32 v62, v11  }
0x6c: {  	[tilespmem:s24+$0x300] =	vst v19;
	v47 =	vadd.f32 v42, v12;
	v53 =	vmul.f32 v41, v7;
	v62 =	vmul.f32 v38, v3  }
0x6d: {  	[tilespmem:s24+$0x330] =	vst v24;
	v50 =	vadd.f32 v45, v13;
	v42 =	vmul.f32 v38, v4;
	v26 =	vmul.f32 v51, v58  }
0x6e: {  	v49 =	vld [tilespmem:s24+$0x3F0];
	[tilespmem:s24+$0x350] =	vst v18;
	v52 =	vadd.f32 v48, v14;
	v29 =	vmul.f32 v54, v61;
	v28 =	vmul.f32 v57, v40  }
0x6f: {  	[tilespmem:s24+$0x310] =	vst v20;
	v56 =	vld [tilespmem:s24+$0x420];
	v32 =	vmul.f32 v60, v44;
	v17 =	vmul.f32 v63, v47  }
0x70: {  	[tilespmem:s24+$0x320] =	vst v21;
	v59 =	vld [tilespmem:s24+$0x430];
	v27 =	vmul.f32 v43, v50;
	v19 =	vmul.f32 v46, v52  }
0x71: {  	[tilespmem:s24+$0x340] =	vst v22;
	v45 =	vld [tilespmem:s24+$0x450];
	v57 =	vadd.f32 v53, v15;
	v58 =	vmul.f32 v38, v1;
	v61 =	vmul.f32 v38, v2  }
0x72: {  	[tilespmem:s24+$0x360] =	vst v25;
	v48 =	vld [tilespmem:s24+$0x460];
	v44 =	vadd.f32 v62, v11;
	v47 =	vmul.f32 v38, v5;
	v52 =	vbroadcast v16, $0x5  }
0x73: {  	[tilespmem:s24+$0x370] =	vst v23;
	v51 =	vld [tilespmem:s24+$0x400];
	v46 =	vadd.f32 v42, v12;
	v53 =	vmul.f32 v38, v6;
	v21 =	vmul.f32 v49, v57  }
0x74: {  	v54 =	vld [tilespmem:s24+$0x410];
	v43 =	vadd.f32 v61, v10;
	[tilespmem:s24+$0x380] =	vst v26;
	v62 =	vmul.f32 v52, v2;
	v42 =	vmul.f32 v52, v4  }
0x75: {  	v63 =	vld [tilespmem:s24+$0x440];
	v50 =	vadd.f32 v47, v13;
	[tilespmem:s24+$0x3B0] =	vst v32;
	v35 =	vmul.f32 v52, v7;
	v32 =	vbroadcast v16, $0xA  }
0x76: {  	v41 =	vld [tilespmem:s24+$0x4C0];
	[tilespmem:s24+$0x390] =	vst v29;
	v23 =	vadd.f32 v53, v14;
	v24 =	vmul.f32 v59, v44;
	v59 =	vmul.f32 v52, v1  }
0x77: {  	v60 =	vadd.f32 v55, v8;
	v55 =	vld [tilespmem:s24+$0x490];
	[tilespmem:s24+$0x3A0] =	vst v28;
	v18 =	vmul.f32 v56, v43;
	v26 =	vmul.f32 v45, v50  }
0x78: {  	v37 =	vadd.f32 v58, v9;
	v49 =	vld [tilespmem:s24+$0x470];
	[tilespmem:s24+$0x3C0] =	vst v17;
	v56 =	vmul.f32 v52, v0;
	v23 =	vmul.f32 v48, v23  }
0x79: {  	v57 =	vld [tilespmem:s24+$0x4A0];
	[tilespmem:s24+$0x3D0] =	vst v27;
	v48 =	vmul.f32 v52, v6;
	v20 =	vmul.f32 v51, v60  }
0x7a: {  	[tilespmem:s24+$0x3E0] =	vst v19;
	v44 =	vld [tilespmem:s24+$0x4E0];
	v45 =	vadd.f32 v42, v12;
	v22 =	vmul.f32 v54, v37;
	v25 =	vmul.f32 v63, v46  }
0x7b: {  	v43 =	vld [tilespmem:s24+$0x4D0];
	[tilespmem:s24+$0x3F0] =	vst v21;
	v54 =	vmul.f32 v38, v7;
	v63 =	vmul.f32 v52, v3;
	v36 =	vadd.f32 v59, v9  }
0x7c: {  	v47 =	vld [tilespmem:s24+$0x4F0];
	v37 =	vadd.f32 v62, v10;
	v46 =	vmul.f32 v52, v5;
	[tilespmem:s24+$0x430] =	vst v24;
	v21 =	vmul.f32 v41, v45  }
0x7d: {  	[tilespmem:s24+$0x420] =	vst v18;
	v53 =	vadd.f32 v48, v14;
	v58 =	vadd.f32 v54, v15;
	v27 =	vmul.f32 v55, v36  }
0x7e: {  	v51 =	vld [tilespmem:s24+$0x480];
	[tilespmem:s24+$0x450] =	vst v26;
	v19 =	vmul.f32 v57, v37;
	v36 =	vbroadcast v16, $0x6;
	v50 =	vadd.f32 v46, v13  }
0x7f: {  	v60 =	vld [tilespmem:s24+$0x4B0];
	[tilespmem:s24+$0x460] =	vst v23;
	v54 =	vadd.f32 v35, v15;
	v18 =	vmul.f32 v44, v53;
	v29 =	vmul.f32 v49, v58  }
0x80: {  	[tilespmem:s24+$0x410] =	vst v22;
	v55 =	vmul.f32 v36, v1;
	v22 =	vmul.f32 v43, v50  }
0x81: {  	v52 =	vld [tilespmem:s24+$0x510];
	v61 =	vadd.f32 v56, v8;
	[tilespmem:s24+$0x400] =	vst v20;
	v58 =	vmul.f32 v36, v2;
	v20 =	vmul.f32 v47, v54  }
0x82: {  	v38 =	vld [tilespmem:s24+$0x5D0];
	v40 =	vadd.f32 v63, v11;
	[tilespmem:s24+$0x440] =	vst v25;
	v62 =	vmul.f32 v36, v3;
	v43 =	vmul.f32 v36, v5  }
0x83: {  	v56 =	vld [tilespmem:s24+$0x520];
	[tilespmem:s24+$0x4C0] =	vst v21;
	v45 =	vmul.f32 v36, v6;
	v47 =	vbroadcast v16, $0x7  }
0x84: {  	v41 =	vld [tilespmem:s24+$0x550];
	[tilespmem:s24+$0x490] =	vst v27;
	v17 =	vmul.f32 v51, v61;
	v28 =	vmul.f32 v60, v40  }
0x85: {  	v63 =	vld [tilespmem:s24+$0x540];
	[tilespmem:s24+$0x4A0] =	vst v19;
	v51 =	vmul.f32 v36, v0;
	v40 =	vmul.f32 v36, v4  }
0x86: {  	v49 =	vld [tilespmem:s24+$0x500];
	[tilespmem:s24+$0x4E0] =	vst v18;
	v59 =	vadd.f32 v55, v9;
	v61 =	vadd.f32 v58, v10;
	v55 =	vmul.f32 v47, v1  }
0x87: {  	v44 =	vld [tilespmem:s24+$0x560];
	[tilespmem:s24+$0x470] =	vst v29;
	v48 =	vadd.f32 v43, v13;
	v58 =	vmul.f32 v47, v2;
	v43 =	vmul.f32 v47, v6  }
0x88: {  	v46 =	vld [tilespmem:s24+$0x570];
	[tilespmem:s24+$0x480] =	vst v17;
	v17 =	vadd.f32 v40, v12;
	v40 =	vmul.f32 v47, v5;
	v23 =	vmul.f32 v52, v59  }
0x89: {  	v60 =	vld [tilespmem:s24+$0x530];
	[tilespmem:s24+$0x4D0] =	vst v22;
	v57 =	vadd.f32 v51, v8;
	v26 =	vmul.f32 v56, v61;
	v52 =	vmul.f32 v47, v0  }
0x8a: {  	v53 =	vld [tilespmem:s24+$0x590];
	v51 =	vadd.f32 v45, v14;
	[tilespmem:s24+$0x4B0] =	vst v28;
	v28 =	vmul.f32 v41, v48;
	v61 =	vmul.f32 v47, v3  }
0x8b: {  	v50 =	vld [tilespmem:s24+$0x580];
	v42 =	vadd.f32 v62, v11;
	[tilespmem:s24+$0x4F0] =	vst v20;
	v24 =	vmul.f32 v49, v57;
	v49 =	vmul.f32 v36, v7  }
0x8c: {  	v62 =	vld [tilespmem:s24+$0x5C0];
	v17 =	vmul.f32 v63, v17;
	v19 =	vmul.f32 v44, v51;
	v63 =	vadd.f32 v58, v10;
	[tilespmem:s24+$0x510] =	vst v23  }
0x8d: {  	v56 =	vld [tilespmem:s24+$0x5A0];
	v36 =	vmul.f32 v47, v4;
	v45 =	vadd.f32 v40, v13;
	v47 =	vmul.f32 v47, v7;
	[tilespmem:s24+$0x520] =	vst v26  }
0x8e: {  	v59 =	vld [tilespmem:s24+$0x5B0];
	v27 =	vmul.f32 v60, v42;
	v57 =	vadd.f32 v52, v8;
	v60 =	vadd.f32 v55, v9;
	[tilespmem:s24+$0x550] =	vst v28  }
0x8f: {  	v41 =	vld [tilespmem:s24+$0x5E0];
	v52 =	vmul.f32 v34, v1;
	v55 =	vmul.f32 v34, v2;
	v54 =	vadd.f32 v49, v15;
	[tilespmem:s24+$0x500] =	vst v24  }
0x90: {  	v48 =	vld [tilespmem:s24+$0x610];
	v49 =	vmul.f32 v34, v0;
	[tilespmem:s24+$0x540] =	vst v17;
	v51 =	vadd.f32 v47, v15;
	v47 =	vmul.f32 v34, v6  }
0x91: {  	v44 =	vld [tilespmem:s24+$0x5F0];
	v39 =	vadd.f32 v61, v11;
	[tilespmem:s24+$0x560] =	vst v19;
	v18 =	vmul.f32 v50, v57;
	v20 =	vmul.f32 v53, v60  }
0x92: {  	v40 =	vld [tilespmem:s24+$0x660];
	v42 =	vadd.f32 v36, v12;
	[tilespmem:s24+$0x530] =	vst v27;
	v27 =	vmul.f32 v38, v45;
	v60 =	vmul.f32 v34, v4  }
0x93: {  	v25 =	vadd.f32 v43, v14;
	v50 =	vld [tilespmem:s24+$0x620];
	v22 =	vmul.f32 v46, v54;
	v21 =	vmul.f32 v56, v63;
	[tilespmem:s24+$0x580] =	vst v18  }
0x94: {  	v53 =	vld [tilespmem:s24+$0x630];
	v23 =	vmul.f32 v59, v39;
	v24 =	vmul.f32 v62, v42;
	[tilespmem:s24+$0x590] =	vst v20  }
0x95: {  	v57 =	vld [tilespmem:s24+$0x640];
	v17 =	vmul.f32 v41, v25;
	v56 =	vmul.f32 v34, v3;
	[tilespmem:s24+$0x5D0] =	vst v27  }
0x96: {  	v36 =	vld [tilespmem:s24+$0x650];
	v59 =	vadd.f32 v52, v9;
	v62 =	vadd.f32 v55, v10;
	v39 =	vmul.f32 v34, v5;
	[tilespmem:s24+$0x570] =	vst v22  }
0x97: {  	v46 =	vld [tilespmem:s24+$0x600];
	v58 =	vmul.f32 v44, v51;
	v38 =	vadd.f32 v60, v12;
	v63 =	vadd.f32 v56, v11;
	[tilespmem:s24+$0x5A0] =	vst v21  }
0x98: {  	v43 =	vld [tilespmem:s24+$0x670];
	v18 =	vmul.f32 v48, v59;
	v44 =	vadd.f32 v39, v13;
	[tilespmem:s24+$0x5B0] =	vst v23;
	v48 =	vmul.f32 v34, v7  }
0x99: {  	[tilespmem:s24+$0x5C0] =	vst v24;
	v23 =	vadd.f32 v47, v14;
	v34 =	vmul.f32 v33, v4;
	v41 =	vmul.f32 v50, v62  }
0x9a: {  	v54 =	vadd.f32 v49, v8;
	[tilespmem:s24+$0x5E0] =	vst v17;
	v42 =	vmul.f32 v53, v63;
	v21 =	vmul.f32 v57, v38  }
0x9b: {  	[tilespmem:s24+$0x5F0] =	vst v58;
	v50 =	vmul.f32 v36, v44;
	v53 =	vadd.f32 v48, v15;
	v58 =	vmul.f32 v40, v23  }
0x9c: {  	v45 =	vld [tilespmem:s24+$0x680];
	[tilespmem:s24+$0x610] =	vst v18;
	v61 =	vmul.f32 v46, v54;
	v46 =	vbroadcast v16, $0x9  }
0x9d: {  	v49 =	vld [tilespmem:s24+$0x690];
	v48 =	vmul.f32 v32, v0;
	v59 =	vmul.f32 v43, v53;
	[tilespmem:s24+$0x620] =	vst v41  }
0x9e: {  	v52 =	vld [tilespmem:s24+$0x6A0];
	[tilespmem:s24+$0x630] =	vst v42;
	v51 =	vmul.f32 v46, v0;
	v54 =	vmul.f32 v46, v1  }
0x9f: {  	v55 =	vld [tilespmem:s24+$0x6B0];
	[tilespmem:s24+$0x640] =	vst v21;
	v56 =	vmul.f32 v46, v2;
	v57 =	vmul.f32 v46, v3  }
0xa0: {  	v63 =	vld [tilespmem:s24+$0x6C0];
	[tilespmem:s24+$0x650] =	vst v50;
	v37 =	vmul.f32 v46, v4;
	v42 =	vmul.f32 v46, v5;
	v17 =	vadd.f32 v51, v8  }
0xa1: {  	v38 =	vld [tilespmem:s24+$0x6D0];
	[tilespmem:s24+$0x660] =	vst v58;
	v44 =	vmul.f32 v46, v6;
	v31 =	vmul.f32 v46, v7;
	v60 =	vadd.f32 v54, v9  }
0xa2: {  	v43 =	vld [tilespmem:s24+$0x6F0];
	[tilespmem:s24+$0x600] =	vst v61;
	v61 =	vadd.f32 v56, v10;
	v62 =	vadd.f32 v57, v11;
	v17 =	vmul.f32 v45, v17  }
0xa3: {  	v41 =	vld [tilespmem:s24+$0x6E0];
	[tilespmem:s24+$0x670] =	vst v59;
	v27 =	vadd.f32 v37, v12;
	v56 =	vmul.f32 v32, v2;
	v36 =	vmul.f32 v49, v60  }
0xa4: {  	v53 =	vld [tilespmem:s24+$0x720];
	v47 =	vadd.f32 v42, v13;
	v37 =	vmul.f32 v32, v4;
	v39 =	vmul.f32 v52, v61;
	[tilespmem:s24+$0x680] =	vst v17  }
0xa5: {  	v51 =	vadd.f32 v31, v15;
	v40 =	vmul.f32 v55, v62;
	v46 =	vmul.f32 v63, v27;
	[tilespmem:s24+$0x690] =	vst v36  }
0xa6: {  	v50 =	vadd.f32 v44, v14;
	v45 =	vld [tilespmem:s24+$0x700];
	v52 =	vmul.f32 v32, v1;
	v54 =	vmul.f32 v38, v47;
	[tilespmem:s24+$0x6A0] =	vst v39  }
0xa7: {  	v49 =	vld [tilespmem:s24+$0x710];
	v57 =	vmul.f32 v43, v51;
	v61 =	vadd.f32 v56, v10;
	v62 =	vmul.f32 v32, v3;
	[tilespmem:s24+$0x6B0] =	vst v40  }
0xa8: {  	v59 =	vld [tilespmem:s24+$0x730];
	v43 =	vmul.f32 v32, v6;
	v47 =	vmul.f32 v32, v7;
	[tilespmem:s24+$0x6C0] =	vst v46  }
0xa9: {  	v55 =	vadd.f32 v48, v8;
	v63 =	vld [tilespmem:s24+$0x740];
	v17 =	vmul.f32 v41, v50;
	v39 =	vmul.f32 v53, v61;
	[tilespmem:s24+$0x6D0] =	vst v54  }
0xaa: {  	v38 =	vld [tilespmem:s24+$0x750];
	v58 =	vadd.f32 v52, v9;
	v41 =	vmul.f32 v32, v5;
	v50 =	vmul.f32 v33, v0;
	[tilespmem:s24+$0x6F0] =	vst v57  }
0xab: {  	v48 =	vld [tilespmem:s24+$0x780];
	v40 =	vadd.f32 v62, v11;
	v54 =	vmul.f32 v33, v1;
	[tilespmem:s24+$0x6E0] =	vst v17;
	v60 =	vmul.f32 v45, v55  }
0xac: {  	v42 =	vld [tilespmem:s24+$0x760];
	v21 =	vadd.f32 v37, v12;
	v62 =	vmul.f32 v33, v3;
	[tilespmem:s24+$0x720] =	vst v39;
	v36 =	vmul.f32 v49, v58  }
0xad: {  	v44 =	vld [tilespmem:s24+$0x770];
	v46 =	vadd.f32 v41, v13;
	v57 =	vadd.f32 v50, v8;
	v45 =	vmul.f32 v59, v40;
	[tilespmem:s24+$0x700] =	vst v60  }
0xae: {  	v51 =	vld [tilespmem:s24+$0x790];
	v37 =	vadd.f32 v62, v11;
	v41 =	vmul.f32 v33, v6;
	v17 =	vmul.f32 v63, v21;
	[tilespmem:s24+$0x710] =	vst v36  }
0xaf: {  	v39 =	vld [tilespmem:s24+$0x7E0];
	v62 =	vmul.f32 v30, v4;
	v49 =	vadd.f32 v43, v14;
	v52 =	vmul.f32 v38, v46;
	[tilespmem:s24+$0x730] =	vst v45  }
0xb0: {  	v53 =	vadd.f32 v47, v15;
	v55 =	vld [tilespmem:s24+$0x7A0];
	v58 =	vmul.f32 v33, v2;
	v21 =	vmul.f32 v48, v57;
	[tilespmem:s24+$0x740] =	vst v17  }
0xb1: {  	v61 =	vadd.f32 v54, v9;
	v59 =	vld [tilespmem:s24+$0x7B0];
	v38 =	vmul.f32 v33, v5;
	v56 =	vmul.f32 v42, v49;
	[tilespmem:s24+$0x750] =	vst v52  }
0xb2: {  	v63 =	vld [tilespmem:s24+$0x7C0];
	v47 =	vadd.f32 v41, v14;
	v48 =	vmul.f32 v33, v7;
	v60 =	vmul.f32 v44, v53;
	[tilespmem:s24+$0x780] =	vst v21  }
0xb3: {  	v35 =	vld [tilespmem:s24+$0x7D0];
	v32 =	vadd.f32 v58, v10;
	v36 =	vmul.f32 v51, v61;
	v51 =	vmul.f32 v30, v0;
	[tilespmem:s24+$0x760] =	vst v56  }
0xb4: {  	v40 =	vadd.f32 v34, v12;
	v42 =	vld [tilespmem:s24+$0x7F0];
	v58 =	vmul.f32 v30, v2;
	[tilespmem:s24+$0x770] =	vst v60;
	v53 =	vmul.f32 v39, v47  }
0xb5: {  	v45 =	vld [tilespmem:s24+$0x800];
	v54 =	vadd.f32 v48, v15;
	v48 =	vmul.f32 v30, v7;
	[tilespmem:s24+$0x790] =	vst v36;
	v17 =	vmul.f32 v55, v32  }
0xb6: {  	v44 =	vadd.f32 v38, v13;
	v52 =	vld [tilespmem:s24+$0x820];
	v39 =	vmul.f32 v30, v5;
	v43 =	vmul.f32 v59, v37;
	[tilespmem:s24+$0x7E0] =	vst v53  }
0xb7: {  	v49 =	vld [tilespmem:s24+$0x810];
	v47 =	vbroadcast v16, $0xD;
	v46 =	vmul.f32 v63, v40;
	[tilespmem:s24+$0x7A0] =	vst v17  }
0xb8: {  	v56 =	vld [tilespmem:s24+$0x830];
	v57 =	vadd.f32 v51, v8;
	v50 =	vmul.f32 v35, v44;
	v55 =	vmul.f32 v30, v1;
	[tilespmem:s24+$0x7B0] =	vst v43  }
0xb9: {  	v60 =	vld [tilespmem:s24+$0x840];
	v34 =	vadd.f32 v58, v10;
	v59 =	vmul.f32 v30, v3;
	v17 =	vmul.f32 v42, v54;
	[tilespmem:s24+$0x7C0] =	vst v46  }
0xba: {  	v36 =	vld [tilespmem:s24+$0x850];
	v51 =	vmul.f32 v47, v0;
	v61 =	vadd.f32 v55, v9;
	v63 =	vmul.f32 v45, v57;
	[tilespmem:s24+$0x7D0] =	vst v50  }
0xbb: {  	v58 =	vmul.f32 v47, v3;
	v35 =	vadd.f32 v59, v11;
	v43 =	vld [tilespmem:s24+$0x870];
	v41 =	vmul.f32 v52, v34;
	[tilespmem:s24+$0x7F0] =	vst v17  }
0xbc: {  	v38 =	vadd.f32 v62, v12;
	v32 =	vmul.f32 v47, v4;
	v46 =	vld [tilespmem:s24+$0x880];
	v37 =	vmul.f32 v49, v61;
	[tilespmem:s24+$0x800] =	vst v63  }
0xbd: {  	v27 =	vmul.f32 v47, v7;
	v45 =	vadd.f32 v39, v13;
	v55 =	vld [tilespmem:s24+$0x8B0];
	v42 =	vmul.f32 v56, v35;
	[tilespmem:s24+$0x820] =	vst v41  }
0xbe: {  	v40 =	vld [tilespmem:s24+$0x860];
	v53 =	vadd.f32 v48, v15;
	v54 =	vmul.f32 v47, v1;
	v44 =	vmul.f32 v60, v38;
	[tilespmem:s24+$0x810] =	vst v37  }
0xbf: {  	v17 =	vmul.f32 v30, v6;
	v49 =	vld [tilespmem:s24+$0x890];
	v50 =	vmul.f32 v36, v45;
	v56 =	vadd.f32 v51, v8;
	[tilespmem:s24+$0x830] =	vst v42  }
0xc0: {  	v62 =	vld [tilespmem:s24+$0x8C0];
	v57 =	vmul.f32 v47, v2;
	v61 =	vadd.f32 v58, v11;
	[tilespmem:s24+$0x840] =	vst v44;
	v18 =	vmul.f32 v43, v53  }
0xc1: {  	v39 =	vbroadcast v16, $0xE;
	v38 =	vld [tilespmem:s24+$0x8F0];
	v17 =	vadd.f32 v17, v14;
	[tilespmem:s24+$0x850] =	vst v50;
	v20 =	vmul.f32 v46, v56  }
0xc2: {  	v16 =	vbroadcast v16, $0xF;
	v52 =	vld [tilespmem:s24+$0x8A0];
	v59 =	vadd.f32 v54, v9;
	v34 =	vmul.f32 v55, v61;
	[tilespmem:s24+$0x870] =	vst v18  }
0xc3: {  	v33 =	vld [tilespmem:s24+$0x8D0];
	v36 =	vadd.f32 v32, v12;
	v37 =	vmul.f32 v47, v5;
	v17 =	vmul.f32 v40, v17;
	[tilespmem:s24+$0x880] =	vst v20  }
0xc4: {  	v45 =	vadd.f32 v27, v15;
	v41 =	vld [tilespmem:s24+$0x900];
	v43 =	vmul.f32 v39, v0;
	v63 =	vmul.f32 v49, v59;
	[tilespmem:s24+$0x8B0] =	vst v34  }
0xc5: {  	v60 =	vadd.f32 v57, v10;
	v40 =	vmul.f32 v47, v6;
	v47 =	vld [tilespmem:s24+$0x920];
	v18 =	vmul.f32 v62, v36;
	[tilespmem:s24+$0x860] =	vst v17  }
0xc6: {  	v35 =	vld [tilespmem:s24+$0x8E0];
	v42 =	vadd.f32 v37, v13;
	v49 =	vmul.f32 v39, v2;
	v50 =	vmul.f32 v38, v45;
	[tilespmem:s24+$0x890] =	vst v63  }
0xc7: {  	v57 =	vmul.f32 v39, v4;
	v56 =	vld [tilespmem:s24+$0x940];
	v48 =	vadd.f32 v43, v8;
	v17 =	vmul.f32 v52, v60;
	[tilespmem:s24+$0x8C0] =	vst v18  }
0xc8: {  	v30 =	vmul.f32 v39, v6;
	v44 =	vld [tilespmem:s24+$0x910];
	v19 =	vmul.f32 v33, v42;
	v54 =	vadd.f32 v49, v10;
	[tilespmem:s24+$0x8F0] =	vst v50  }
0xc9: {  	v46 =	vmul.f32 v39, v1;
	v62 =	vld [tilespmem:s24+$0x960];
	v53 =	vmul.f32 v41, v48;
	[tilespmem:s24+$0x8A0] =	vst v17;
	v17 =	vadd.f32 v40, v14  }
0xca: {  	v55 =	vmul.f32 v39, v3;
	v52 =	vld [tilespmem:s24+$0x930];
	v63 =	vadd.f32 v57, v12;
	[tilespmem:s24+$0x8D0] =	vst v19;
	v59 =	vmul.f32 v47, v54  }
0xcb: {  	v61 =	vmul.f32 v39, v5;
	v51 =	vadd.f32 v46, v9;
	v34 =	vld [tilespmem:s24+$0x980];
	[tilespmem:s24+$0x900] =	vst v53;
	v17 =	vmul.f32 v35, v17  }
0xcc: {  	v58 =	vld [tilespmem:s24+$0x950];
	v37 =	vmul.f32 v16, v0;
	v36 =	vadd.f32 v30, v14;
	v35 =	vmul.f32 v56, v63;
	[tilespmem:s24+$0x920] =	vst v59  }
0xcd: {  	v60 =	vadd.f32 v55, v11;
	v33 =	vmul.f32 v39, v7;
	v41 =	vld [tilespmem:s24+$0x9A0];
	[tilespmem:s24+$0x8E0] =	vst v17;
	v17 =	vmul.f32 v44, v51  }
0xce: {  	v31 =	vld [tilespmem:s24+$0x970];
	v43 =	vadd.f32 v37, v8;
	v42 =	vmul.f32 v62, v36;
	[tilespmem:s24+$0x940] =	vst v35;
	v44 =	vmul.f32 v16, v2  }
0xcf: {  	v32 =	vadd.f32 v61, v13;
	v48 =	vld [tilespmem:s24+$0x9C0];
	v40 =	vmul.f32 v16, v1;
	[tilespmem:s24+$0x910] =	vst v17;
	v17 =	vmul.f32 v52, v60  }
0xd0: {  	v38 =	vld [tilespmem:s24+$0x990];
	v49 =	vmul.f32 v34, v43;
	[tilespmem:s24+$0x960] =	vst v42;
	v51 =	vmul.f32 v16, v4;
	v50 =	vadd.f32 v44, v10  }
0xd1: {  	v55 =	vld [tilespmem:s24+$0x9E0];
	v39 =	vadd.f32 v33, v15;
	v47 =	vmul.f32 v16, v3;
	[tilespmem:s24+$0x930] =	vst v17;
	v17 =	vmul.f32 v58, v32  }
0xd2: {  	v45 =	vld [tilespmem:s24+$0x9B0];
	[tilespmem:s24+$0x980] =	vst v49;
	v57 =	vadd.f32 v51, v12;
	v56 =	vmul.f32 v41, v50;
	v58 =	vmul.f32 v16, v6  }
0xd3: {  	v54 =	vmul.f32 v16, v5;
	v46 =	vadd.f32 v40, v9;
	v59 =	vld [tilespmem:s24+$0x9F0];
	[tilespmem:s24+$0x950] =	vst v17;
	v17 =	vmul.f32 v31, v39  }
0xd4: {  	v52 =	vld [tilespmem:s24+$0x9D0];
	v16 =	vmul.f32 v16, v7;
	v61 =	vmul.f32 v48, v57;
	[tilespmem:s24+$0x9A0] =	vst v56;
	v62 =	vadd.f32 v58, v14  }
0xd5: {  	v53 =	vadd.f32 v47, v11;
	[tilespmem:s24+$0x970] =	vst v17;
	v17 =	vmul.f32 v38, v46  }
0xd6: {  	p0 =	sne.s32 s23, $0x1F;
	v16 =	vadd.f32 v16, v15;
	[tilespmem:s24+$0x9C0] =	vst v61;
	v63 =	vmul.f32 v55, v62  }
.Ltmp0:
0xd7: {  	v60 =	vadd.f32 v54, v13;
	[tilespmem:s24+$0x990] =	vst v17;
	v17 =	vmul.f32 v45, v53;
	(pc) =	sbr.rel @p0 .LBB2_2-.Ltmp0, $4  }
0xd8: {  	v16 =	vmul.f32 v59, v16;
	[tilespmem:s24+$0x9E0] =	vst v63  }
0xd9: {  	[tilespmem:s24+$0x9B0] =	vst v17;
	v17 =	vmul.f32 v52, v60  }
0xda: {  	[tilespmem:s24+$0x9F0] =	vst v16  }
0xdb: {  	s23 =	sadd.s32 $0x1, s23;
	[tilespmem:s24+$0x9D0] =	vst v17  }
0xdc: {  	s22 =	sadd.s32 $0x1, s22  }
0xdd: {  	p0 =	sne.s32 s22, s9  }
.Ltmp1:
0xde: {  	_ = 	snop;
	(pc) =	sbr.rel @p0 .LBB2_1-.Ltmp1, $4  }
0xdf: {  	[hbm4b:s8+s4] =	stream.linear.scatter [tilespmem:s15], [sflag:$0x2], $0x10000, $0x38;
	[tilespmem:$0x10500] =	vst v63  }
0xe0: {  	_ =	swait.ge [sflag:s10], $0x10000  }
0xe1: {  	[sflag:s10] =	ssyncset.done $0x0  }
0xe2: {  	[sflag:s10] =	ssyncadd.s32 $0xFFFF0000  }
0xe3: {  	_ =	sfence.sel $0x180000  }
0xe4: {  	[bflag:$0x0] =	sbarrier.arrive $0xFFFF  }
0xe5: {  	p0 =	sne.s32 s3, $0x0;
	_ =	strace $0x90000047  }
0xe6: {  	s0 =	sadd.s32 @!p0 $0x100000, s0;
	[bflag:$0x2] =	sbarrier.arrive $0xFFFF  }
0xe7: {  	[sflag:s0] =	ssyncadd.tile.s32 @!p0 $0x1;
	_ =	shalt  }
.Lfunc_end2:
_tile_overlayer_lowered:
.L_overlay_start_2:
0xe8: {  	(tag) =	ssettag $0x2  }
0xe9: {  	s0 =	rddreg [dreg:$0x0];
	s2 =	stileid.u32  }
0xea: {  	s1 =	rddreg [dreg:$0x1];
	p0 =	sne.s32 s2, $0x0  }
0xeb: {  	s3 =	rddreg [dreg:$0x2];
	[bflag:$0x3] =	sbarrier.arrive $0xFFFF;
	s2 =	simm.s32 @!p0 $0x1C02  }
0xec: {  	[timem:s3], [sflag:s2] =	dma.local @!p0 [hbm:s0], s1  }
0xed: {  	s0 =	simm.s32 @!p0 $0x2  }
0xee: {  	_ =	swait.ge @!p0 [sflag:s0], s1  }
0xef: {  	s1 =	ssub.s32 @!p0 $0x0, s1;
	[sflag:s0] =	ssyncset.done @!p0 $0x0  }
0xf0: {  	[sflag:s0] =	ssyncadd.s32 @!p0 s1  }
0xf1: {  	[bflag:$0x3] =	sbarrier.arrive $0xFFFF  }
0xf2: {  	_ =	shalt  }

</sc_bundles>
